<compile_context>
chip_gen: v7x
topology: tpu7x:2x2x1
jax: 0.10.2.dev20260603
libtpu: 0.0.44.dev20260713+nightly
codegen_flags: <defaults>
</compile_context>

<pallas_src>
import functools
import math

import jax
import jax.numpy as jnp
from jax import lax
from jax.experimental import pallas as pl
from jax.experimental.pallas import tpu as pltpu
from jax.experimental.pallas import tpu_sc as plsc

_NC = 2
_NS = 16
_NW = _NC * _NS

_CH = 1024
_JB = 2048
_KC = 1024
_GCH = 64


def _total_order_key(s):
    a = lax.bitcast_convert_type(s, jnp.int32)
    return jnp.where(a < 0, a ^ jnp.int32(0x7FFFFFFF), a)


def _rank_body(x_ref, y_ref, xc_ref, yc_ref, rank_ref, *, L):
    i = pl.program_id(1)
    kr = _total_order_key(x_ref[0] + y_ref[0])
    kc = _total_order_key(xc_ref[0] + yc_ref[0])
    icol = i * _CH + lax.broadcasted_iota(jnp.int32, (_CH, 1), 0)
    acc = jnp.zeros((_CH, 1), jnp.float32)
    for jb in range(L // _JB):
        krb = lax.slice(kr, (0, jb * _JB), (1, (jb + 1) * _JB))

        def gt_sum():
            return jnp.sum(jnp.where(krb > kc, 1.0, 0.0),
                           axis=1, keepdims=True)

        def ge_sum():
            return jnp.sum(jnp.where(krb >= kc, 1.0, 0.0),
                           axis=1, keepdims=True)

        def full_sum():
            jrow = jb * _JB + lax.broadcasted_iota(jnp.int32, (1, _JB), 1)
            tie = (krb == kc) & (jrow < icol)
            return jnp.sum(jnp.where((krb > kc) | tie, 1.0, 0.0),
                           axis=1, keepdims=True)

        above = jb * _JB >= (i + 1) * _CH
        below = (jb + 1) * _JB <= i * _CH
        acc = acc + lax.cond(above, gt_sum,
                             lambda: lax.cond(below, ge_sum, full_sum))
    rank_ref[0] = acc.astype(jnp.int32)


def _extra_body(x_ref, y_ref, rank_ref, tok_ref, out_ref, w_ref, *, K):
    k = pl.program_id(1)

    @pl.when(k == 0)
    def _():
        s = x_ref[0] + y_ref[0]
        tail = jnp.where(rank_ref[0] >= K, s, -jnp.inf)
        m = jnp.max(tail)
        e = jnp.exp(tail - m)
        w_ref[...] = e / jnp.sum(e)

    wk = w_ref[pl.ds(k * _KC, _KC), :]
    part = lax.dot_general(wk, tok_ref[0], (((0,), (0,)), ((), ())),
                           preferred_element_type=jnp.float32)

    @pl.when(k == 0)
    def _():
        out_ref[0] = part

    @pl.when(k > 0)
    def _():
        out_ref[0] += part


def _make_gather(B, L, C, K, Kp):
    n_out = B * Kp
    n_ch = -(-n_out // _GCH)
    rounds = -(-n_ch // _NW)
    last_start = n_out - _GCH
    assert last_start % 8 == 0
    mesh = plsc.VectorSubcoreMesh(core_axis_name="c", subcore_axis_name="s")

    @functools.partial(
        pl.kernel,
        out_type=jax.ShapeDtypeStruct((n_out, C), jnp.float32),
        mesh=mesh,
        compiler_params=pltpu.CompilerParams(needs_layout_passes=False),
        scratch_types=[
            pltpu.VMEM((B * L,), jnp.int32),
            pltpu.VMEM((B * L,), jnp.int32),
            pltpu.VMEM((_GCH,), jnp.int32),
            pltpu.VMEM((_GCH, C), jnp.float32),
            pltpu.SemaphoreType.DMA,
        ],
    )
    def gather(rank_hbm, tok_hbm, out_hbm, rank_v, inv_v, gidx_v, rows_v, sem):
        wid = lax.axis_index("s") * _NC + lax.axis_index("c")
        pltpu.sync_copy(rank_hbm, rank_v)

        def build(i, carry):
            r16 = rank_v[pl.ds(i * 16, 16)]
            base = (i // (L // 16)) * L
            plsc.store_scatter(inv_v, [r16 + base],
                               lax.iota(jnp.int32, 16) + i * 16)
            return carry

        lax.fori_loop(0, B * L // 16, build, jnp.int32(0))

        for cc in range(rounds):
            start = jnp.minimum((wid + cc * _NW) * _GCH, last_start)
            for j in range(_GCH // 16):
                pos = lax.iota(jnp.int32, 16) + (start + j * 16)
                bsel = pos // Kp
                gidx_v[pl.ds(j * 16, 16)] = plsc.load_gather(
                    inv_v, [pos - bsel * Kp + bsel * L])
            pltpu.async_copy(tok_hbm.at[gidx_v], rows_v, sem).wait()
            pltpu.sync_copy(rows_v, out_hbm.at[pl.ds(start, _GCH)])

    return gather


def kernel(tokens, attention_x, attention_y):
    B, L, C = tokens.shape
    K = math.ceil(L * 0.6)

    rank3 = pl.pallas_call(
        functools.partial(_rank_body, L=L),
        grid=(B, L // _CH),
        in_specs=[
            pl.BlockSpec((1, 1, L), lambda b, i: (b, 0, 0)),
            pl.BlockSpec((1, 1, L), lambda b, i: (b, 0, 0)),
            pl.BlockSpec((1, _CH, 1), lambda b, i: (b, i, 0)),
            pl.BlockSpec((1, _CH, 1), lambda b, i: (b, i, 0)),
        ],
        out_specs=pl.BlockSpec((1, _CH, 1), lambda b, i: (b, i, 0)),
        out_shape=jax.ShapeDtypeStruct((B, L, 1), jnp.int32),
    )(attention_x[:, None, :], attention_y[:, None, :],
      attention_x[:, :, None], attention_y[:, :, None])

    extra = pl.pallas_call(
        functools.partial(_extra_body, K=K),
        grid=(B, L // _KC),
        in_specs=[
            pl.BlockSpec((1, L, 1), lambda b, k: (b, 0, 0)),
            pl.BlockSpec((1, L, 1), lambda b, k: (b, 0, 0)),
            pl.BlockSpec((1, L, 1), lambda b, k: (b, 0, 0)),
            pl.BlockSpec((1, _KC, C), lambda b, k: (b, k, 0)),
        ],
        out_specs=pl.BlockSpec((1, 1, C), lambda b, k: (b, 0, 0)),
        out_shape=jax.ShapeDtypeStruct((B, 1, C), jnp.float32),
        scratch_shapes=[pltpu.VMEM((L, 1), jnp.float32)],
    )(attention_x[:, :, None], attention_y[:, :, None], rank3, tokens)

    Kp = -(-K // 8) * 8
    sel = _make_gather(B, L, C, K, Kp)(
        rank3.reshape(B * L), tokens.reshape(B * L, C))
    one = lax.optimization_barrier(jnp.ones((), jnp.float32))
    sel = sel.reshape(B, Kp, C)[:, :K] * one
    return sel, extra

# --- scband reference (transcript-rebuilt; emitter-appended) ---
"""Pipeline reference for scband-token-sparse-73581379715507 (READ-ONLY COPY).

The authoritative reference and input builder live on the scoring server;
editing this copy changes nothing except your own understanding.
"""

import jax, jax.numpy as jnp
import numpy as np
import math

SPARSE_RATIO = 0.6

def setup_inputs(seed: int = 0) -> dict:
    key = jax.random.key(seed)
    k1, k2, k3 = jax.random.split(key, 3)
    tokens = jax.random.normal(k1, (4, 8192, 768), dtype=jnp.float32)
    attention_x = jax.random.normal(k2, (4, 8192), dtype=jnp.float32)
    attention_y = jax.random.normal(k3, (4, 8192), dtype=jnp.float32)
    return {"tokens": tokens, "attention_x": attention_x, "attention_y": attention_y}

def reference(tokens, attention_x, attention_y):
    B_v, L_v, C = tokens.shape
    score = attention_x + attention_y
    num_keep_token = math.ceil(L_v * SPARSE_RATIO)
    # descending sort along dim=1
    score_index = jnp.argsort(-score, axis=1)
    score_sort = jnp.take_along_axis(score, score_index, axis=1)
    keep_policy = score_index[:, :num_keep_token]
    select_tokens = jnp.take_along_axis(
        tokens, keep_policy[:, :, None].repeat(1, axis=2) * jnp.ones((1, 1, C), dtype=keep_policy.dtype), axis=1
    ) if False else jnp.take_along_axis(tokens, jnp.broadcast_to(keep_policy[:, :, None], (B_v, num_keep_token, C)), axis=1)
    non_keep_policy = score_index[:, num_keep_token:]
    non_tokens = jnp.take_along_axis(tokens, jnp.broadcast_to(non_keep_policy[:, :, None], (B_v, L_v - num_keep_token, C)), axis=1)
    non_keep_score = jax.nn.softmax(score_sort[:, num_keep_token:], axis=1)[:, :, None]
    extra_token = jnp.sum(non_tokens * non_keep_score, axis=1, keepdims=True)
    return (select_tokens, extra_token)

if __name__ == "__main__":
    import jax
    _d = setup_inputs()
    print(jax.jit(kernel)(*tuple(_d.values())))

</pallas_src>

<mosaic_0001>
#map = affine_map<(d0, d1) -> (0)>
#map1 = affine_map<(d0, d1) -> (0, 0)>
module attributes {stable_mosaic.version = 14 : i64} {
  func.func @gather(%arg0: i32, %arg1: i32, %arg2: memref<32768xi32, #tpu.memory_space<hbm>>, %arg3: memref<32768x768xf32, #tpu.memory_space<hbm>>, %arg4: memref<19680x768xf32, #tpu.memory_space<hbm>>, %arg5: memref<32768xi32, #tpu.memory_space<vmem>>, %arg6: memref<32768xi32, #tpu.memory_space<vmem>>, %arg7: memref<64xi32, #tpu.memory_space<vmem>>, %arg8: memref<64x768xf32, #tpu.memory_space<vmem>>, %arg9: memref<!tpu.dma_semaphore, #tpu.memory_space<semaphore_mem>>) attributes {dimension_semantics = [#tpu.dimension_semantics<core_parallel>, #tpu.dimension_semantics<subcore_parallel>], iteration_bounds = array<i64: 2, 16>, scalar_prefetch = 0 : i64, scratch_operands = 5 : i64, tpu.core_type = #tpu.core_type<sc_vector_subcore>, window_params = [{transform_indices = #map}, {transform_indices = #map1}, {transform_indices = #map1}]} {
    %mul3A = arith.constant 2 : i32
    %mul3A_0 = arith.muli %arg1, %mul3A : i32
    %add3A = arith.addi %mul3A_0, %arg0 : i32
    "tpu.region"() ({
      %run_scoped3A = tpu.sem_alloc : memref<!tpu.dma_semaphore, #tpu.memory_space<semaphore_mem>>
      tpu.enqueue_dma source(%arg2 : memref<32768xi32, #tpu.memory_space<hbm>>) target(%arg5 : memref<32768xi32, #tpu.memory_space<vmem>>) target_semaphore(%run_scoped3A : memref<!tpu.dma_semaphore, #tpu.memory_space<semaphore_mem>>)
      tpu.wait_dma2 semaphore(%run_scoped3A : memref<!tpu.dma_semaphore, #tpu.memory_space<semaphore_mem>>) src(%arg2 : memref<32768xi32, #tpu.memory_space<hbm>>) dst(%arg5 : memref<32768xi32, #tpu.memory_space<vmem>>)
      tpu.yield
    }) : () -> ()
    %scan3A = arith.constant 0 : i32
    %scan3A_1 = arith.constant 0 : i32
    %scan3A_2 = arith.constant 2048 : i32
    %scan3A_3 = arith.addi %scan3A_1, %scan3A_2 : i32
    %scan3A_4 = arith.constant 1 : i32
    scf.for %scan3A_1992 = %scan3A_1 to %scan3A_3 step %scan3A_4  : i32 {
      %mul3A_1993 = arith.constant 16 : i32
      %mul3A_1994 = arith.muli %scan3A_1992, %mul3A_1993 : i32
      %get3A = arith.index_cast %mul3A_1994 : i32 to index
      %get3A_1995 = tpu.vector_load %arg5[%get3A] {strides = array<i32>} : memref<32768xi32, #tpu.memory_space<vmem>>, vector<16xi32>,
      %jit3A_1996 = arith.constant 512 : i32
      %div3A_1997 = arith.divsi %scan3A_1992, %jit3A_1996 : i32
      %sign3A_1998 = arith.constant 0 : i32
      %sign3A_1999 = arith.cmpi sgt, %scan3A_1992, %sign3A_1998 : i32
      %sign3A_2000 = arith.extui %sign3A_1999 : i1 to i32
      %sign3A_2001 = arith.constant 0 : i32
      %sign3A_2002 = arith.cmpi slt, %scan3A_1992, %sign3A_2001 : i32
      %sign3A_2003 = arith.extui %sign3A_2002 : i1 to i32
      %sign3A_2004 = arith.subi %sign3A_2000, %sign3A_2003 : i32
      %sign3A_2005 = arith.constant 0 : i32
      %sign3A_2006 = arith.cmpi sgt, %jit3A_1996, %sign3A_2005 : i32
      %sign3A_2007 = arith.extui %sign3A_2006 : i1 to i32
      %sign3A_2008 = arith.constant 0 : i32
      %sign3A_2009 = arith.cmpi slt, %jit3A_1996, %sign3A_2008 : i32
      %sign3A_2010 = arith.extui %sign3A_2009 : i1 to i32
      %sign3A_2011 = arith.subi %sign3A_2007, %sign3A_2010 : i32
      %ne3A_2012 = arith.cmpi ne, %sign3A_2004, %sign3A_2011 : i32
      %rem3A_2013 = arith.remsi %scan3A_1992, %jit3A_1996 : i32
      %ne3A_2014 = arith.constant 0 : i32
      %ne3A_2015 = arith.cmpi ne, %rem3A_2013, %ne3A_2014 : i32
      %and3A_2016 = arith.andi %ne3A_2012, %ne3A_2015 : i1
      %sub3A_2017 = arith.constant 1 : i32
      %sub3A_2018 = arith.subi %div3A_1997, %sub3A_2017 : i32
      %select_n3A_2019 = arith.select %and3A_2016, %sub3A_2018, %div3A_1997 : i32
      %mul3A_2020 = arith.constant 8192 : i32
      %mul3A_2021 = arith.muli %select_n3A_2019, %mul3A_2020 : i32
      %add3A_2022 = vector.broadcast %mul3A_2021 : i32 to vector<16xi32>
      %add3A_2023 = arith.addi %get3A_1995, %add3A_2022 : vector<16xi32>
      %iota3A_2024 = tpu.iota {dimensions = array<i32: 0>} : vector<16xi32>
      %mul3A_2025 = arith.constant 16 : i32
      %mul3A_2026 = arith.muli %scan3A_1992, %mul3A_2025 : i32
      %add3A_2027 = vector.broadcast %mul3A_2026 : i32 to vector<16xi32>
      %add3A_2028 = arith.addi %iota3A_2024, %add3A_2027 : vector<16xi32>
      tpu.vector_store_idx %arg6[%add3A_2023], %add3A_2028 : memref<32768xi32, #tpu.memory_space<vmem>>[vector<16xi32>], vector<16xi32>,
    }
    %scan3A_5 = arith.constant 2048 : i32
    %add3A_6 = arith.constant 0 : i32
    %add3A_7 = arith.addi %add3A, %add3A_6 : i32
    %mul3A_8 = arith.constant 64 : i32
    %mul3A_9 = arith.muli %add3A_7, %mul3A_8 : i32
    %min3A = arith.constant 19616 : i32
    %min3A_10 = arith.minsi %mul3A_9, %min3A : i32
    %iota3A = tpu.iota {dimensions = array<i32: 0>} : vector<16xi32>
    %add3A_11 = arith.constant 0 : i32
    %add3A_12 = arith.addi %min3A_10, %add3A_11 : i32
    %add3A_13 = vector.broadcast %add3A_12 : i32 to vector<16xi32>
    %add3A_14 = arith.addi %iota3A, %add3A_13 : vector<16xi32>
    %jit3A = arith.constant 4920 : i32
    %div3A = vector.broadcast %jit3A : i32 to vector<16xi32>
    %div3A_15 = arith.divsi %add3A_14, %div3A : vector<16xi32>
    %sign3A = arith.constant 0 : i32
    %sign3A_16 = vector.broadcast %sign3A : i32 to vector<16xi32>
    %sign3A_17 = arith.cmpi sgt, %add3A_14, %sign3A_16 : vector<16xi32>
    %sign3A_18 = arith.extui %sign3A_17 : vector<16xi1> to vector<16xi32>
    %sign3A_19 = arith.constant 0 : i32
    %sign3A_20 = vector.broadcast %sign3A_19 : i32 to vector<16xi32>
    %sign3A_21 = arith.cmpi slt, %add3A_14, %sign3A_20 : vector<16xi32>
    %sign3A_22 = arith.extui %sign3A_21 : vector<16xi1> to vector<16xi32>
    %sign3A_23 = arith.subi %sign3A_18, %sign3A_22 : vector<16xi32>
    %sign3A_24 = arith.constant 0 : i32
    %sign3A_25 = arith.cmpi sgt, %jit3A, %sign3A_24 : i32
    %sign3A_26 = arith.extui %sign3A_25 : i1 to i32
    %sign3A_27 = arith.constant 0 : i32
    %sign3A_28 = arith.cmpi slt, %jit3A, %sign3A_27 : i32
    %sign3A_29 = arith.extui %sign3A_28 : i1 to i32
    %sign3A_30 = arith.subi %sign3A_26, %sign3A_29 : i32
    %ne3A = vector.broadcast %sign3A_30 : i32 to vector<16xi32>
    %ne3A_31 = arith.cmpi ne, %sign3A_23, %ne3A : vector<16xi32>
    %rem3A = vector.broadcast %jit3A : i32 to vector<16xi32>
    %rem3A_32 = arith.remsi %add3A_14, %rem3A : vector<16xi32>
    %ne3A_33 = arith.constant 0 : i32
    %ne3A_34 = vector.broadcast %ne3A_33 : i32 to vector<16xi32>
    %ne3A_35 = arith.cmpi ne, %rem3A_32, %ne3A_34 : vector<16xi32>
    %and3A = arith.andi %ne3A_31, %ne3A_35 : vector<16xi1>
    %sub3A = arith.constant 1 : i32
    %sub3A_36 = vector.broadcast %sub3A : i32 to vector<16xi32>
    %sub3A_37 = arith.subi %div3A_15, %sub3A_36 : vector<16xi32>
    %select_n3A = arith.select %and3A, %sub3A_37, %div3A_15 : vector<16xi1>, vector<16xi32>
    %mul3A_38 = arith.constant 4920 : i32
    %mul3A_39 = vector.broadcast %mul3A_38 : i32 to vector<16xi32>
    %mul3A_40 = arith.muli %select_n3A, %mul3A_39 : vector<16xi32>
    %sub3A_41 = arith.subi %add3A_14, %mul3A_40 : vector<16xi32>
    %mul3A_42 = arith.constant 8192 : i32
    %mul3A_43 = vector.broadcast %mul3A_42 : i32 to vector<16xi32>
    %mul3A_44 = arith.muli %select_n3A, %mul3A_43 : vector<16xi32>
    %add3A_45 = arith.addi %sub3A_41, %mul3A_44 : vector<16xi32>
    %gather3A = tpu.vector_load_idx %arg6[%add3A_45] : memref<32768xi32, #tpu.memory_space<vmem>>[vector<16xi32>], vector<16xi32>,
    %swap3A = arith.constant 0 : index
    %swap3A_46 = tpu.vector_load %arg7[%swap3A] {strides = array<i32>} : memref<64xi32, #tpu.memory_space<vmem>>, vector<16xi32>,
    tpu.vector_store %arg7[%swap3A], %gather3A {strides = array<i32>} : memref<64xi32, #tpu.memory_space<vmem>>, vector<16xi32>,
    %iota3A_47 = tpu.iota {dimensions = array<i32: 0>} : vector<16xi32>
    %add3A_48 = arith.constant 16 : i32
    %add3A_49 = arith.addi %min3A_10, %add3A_48 : i32
    %add3A_50 = vector.broadcast %add3A_49 : i32 to vector<16xi32>
    %add3A_51 = arith.addi %iota3A_47, %add3A_50 : vector<16xi32>
    %jit3A_52 = arith.constant 4920 : i32
    %div3A_53 = vector.broadcast %jit3A_52 : i32 to vector<16xi32>
    %div3A_54 = arith.divsi %add3A_51, %div3A_53 : vector<16xi32>
    %sign3A_55 = arith.constant 0 : i32
    %sign3A_56 = vector.broadcast %sign3A_55 : i32 to vector<16xi32>
    %sign3A_57 = arith.cmpi sgt, %add3A_51, %sign3A_56 : vector<16xi32>
    %sign3A_58 = arith.extui %sign3A_57 : vector<16xi1> to vector<16xi32>
    %sign3A_59 = arith.constant 0 : i32
    %sign3A_60 = vector.broadcast %sign3A_59 : i32 to vector<16xi32>
    %sign3A_61 = arith.cmpi slt, %add3A_51, %sign3A_60 : vector<16xi32>
    %sign3A_62 = arith.extui %sign3A_61 : vector<16xi1> to vector<16xi32>
    %sign3A_63 = arith.subi %sign3A_58, %sign3A_62 : vector<16xi32>
    %sign3A_64 = arith.constant 0 : i32
    %sign3A_65 = arith.cmpi sgt, %jit3A_52, %sign3A_64 : i32
    %sign3A_66 = arith.extui %sign3A_65 : i1 to i32
    %sign3A_67 = arith.constant 0 : i32
    %sign3A_68 = arith.cmpi slt, %jit3A_52, %sign3A_67 : i32
    %sign3A_69 = arith.extui %sign3A_68 : i1 to i32
    %sign3A_70 = arith.subi %sign3A_66, %sign3A_69 : i32
    %ne3A_71 = vector.broadcast %sign3A_70 : i32 to vector<16xi32>
    %ne3A_72 = arith.cmpi ne, %sign3A_63, %ne3A_71 : vector<16xi32>
    %rem3A_73 = vector.broadcast %jit3A_52 : i32 to vector<16xi32>
    %rem3A_74 = arith.remsi %add3A_51, %rem3A_73 : vector<16xi32>
    %ne3A_75 = arith.constant 0 : i32
    %ne3A_76 = vector.broadcast %ne3A_75 : i32 to vector<16xi32>
    %ne3A_77 = arith.cmpi ne, %rem3A_74, %ne3A_76 : vector<16xi32>
    %and3A_78 = arith.andi %ne3A_72, %ne3A_77 : vector<16xi1>
    %sub3A_79 = arith.constant 1 : i32
    %sub3A_80 = vector.broadcast %sub3A_79 : i32 to vector<16xi32>
    %sub3A_81 = arith.subi %div3A_54, %sub3A_80 : vector<16xi32>
    %select_n3A_82 = arith.select %and3A_78, %sub3A_81, %div3A_54 : vector<16xi1>, vector<16xi32>
    %mul3A_83 = arith.constant 4920 : i32
    %mul3A_84 = vector.broadcast %mul3A_83 : i32 to vector<16xi32>
    %mul3A_85 = arith.muli %select_n3A_82, %mul3A_84 : vector<16xi32>
    %sub3A_86 = arith.subi %add3A_51, %mul3A_85 : vector<16xi32>
    %mul3A_87 = arith.constant 8192 : i32
    %mul3A_88 = vector.broadcast %mul3A_87 : i32 to vector<16xi32>
    %mul3A_89 = arith.muli %select_n3A_82, %mul3A_88 : vector<16xi32>
    %add3A_90 = arith.addi %sub3A_86, %mul3A_89 : vector<16xi32>
    %gather3A_91 = tpu.vector_load_idx %arg6[%add3A_90] : memref<32768xi32, #tpu.memory_space<vmem>>[vector<16xi32>], vector<16xi32>,
    %swap3A_92 = arith.constant 16 : index
    %swap3A_93 = tpu.vector_load %arg7[%swap3A_92] {strides = array<i32>} : memref<64xi32, #tpu.memory_space<vmem>>, vector<16xi32>,
    tpu.vector_store %arg7[%swap3A_92], %gather3A_91 {strides = array<i32>} : memref<64xi32, #tpu.memory_space<vmem>>, vector<16xi32>,
    %iota3A_94 = tpu.iota {dimensions = array<i32: 0>} : vector<16xi32>
    %add3A_95 = arith.constant 32 : i32
    %add3A_96 = arith.addi %min3A_10, %add3A_95 : i32
    %add3A_97 = vector.broadcast %add3A_96 : i32 to vector<16xi32>
    %add3A_98 = arith.addi %iota3A_94, %add3A_97 : vector<16xi32>
    %jit3A_99 = arith.constant 4920 : i32
    %div3A_100 = vector.broadcast %jit3A_99 : i32 to vector<16xi32>
    %div3A_101 = arith.divsi %add3A_98, %div3A_100 : vector<16xi32>
    %sign3A_102 = arith.constant 0 : i32
    %sign3A_103 = vector.broadcast %sign3A_102 : i32 to vector<16xi32>
    %sign3A_104 = arith.cmpi sgt, %add3A_98, %sign3A_103 : vector<16xi32>
    %sign3A_105 = arith.extui %sign3A_104 : vector<16xi1> to vector<16xi32>
    %sign3A_106 = arith.constant 0 : i32
    %sign3A_107 = vector.broadcast %sign3A_106 : i32 to vector<16xi32>
    %sign3A_108 = arith.cmpi slt, %add3A_98, %sign3A_107 : vector<16xi32>
    %sign3A_109 = arith.extui %sign3A_108 : vector<16xi1> to vector<16xi32>
    %sign3A_110 = arith.subi %sign3A_105, %sign3A_109 : vector<16xi32>
    %sign3A_111 = arith.constant 0 : i32
    %sign3A_112 = arith.cmpi sgt, %jit3A_99, %sign3A_111 : i32
    %sign3A_113 = arith.extui %sign3A_112 : i1 to i32
    %sign3A_114 = arith.constant 0 : i32
    %sign3A_115 = arith.cmpi slt, %jit3A_99, %sign3A_114 : i32
    %sign3A_116 = arith.extui %sign3A_115 : i1 to i32
    %sign3A_117 = arith.subi %sign3A_113, %sign3A_116 : i32
    %ne3A_118 = vector.broadcast %sign3A_117 : i32 to vector<16xi32>
    %ne3A_119 = arith.cmpi ne, %sign3A_110, %ne3A_118 : vector<16xi32>
    %rem3A_120 = vector.broadcast %jit3A_99 : i32 to vector<16xi32>
    %rem3A_121 = arith.remsi %add3A_98, %rem3A_120 : vector<16xi32>
    %ne3A_122 = arith.constant 0 : i32
    %ne3A_123 = vector.broadcast %ne3A_122 : i32 to vector<16xi32>
    %ne3A_124 = arith.cmpi ne, %rem3A_121, %ne3A_123 : vector<16xi32>
    %and3A_125 = arith.andi %ne3A_119, %ne3A_124 : vector<16xi1>
    %sub3A_126 = arith.constant 1 : i32
    %sub3A_127 = vector.broadcast %sub3A_126 : i32 to vector<16xi32>
    %sub3A_128 = arith.subi %div3A_101, %sub3A_127 : vector<16xi32>
    %select_n3A_129 = arith.select %and3A_125, %sub3A_128, %div3A_101 : vector<16xi1>, vector<16xi32>
    %mul3A_130 = arith.constant 4920 : i32
    %mul3A_131 = vector.broadcast %mul3A_130 : i32 to vector<16xi32>
    %mul3A_132 = arith.muli %select_n3A_129, %mul3A_131 : vector<16xi32>
    %sub3A_133 = arith.subi %add3A_98, %mul3A_132 : vector<16xi32>
    %mul3A_134 = arith.constant 8192 : i32
    %mul3A_135 = vector.broadcast %mul3A_134 : i32 to vector<16xi32>
    %mul3A_136 = arith.muli %select_n3A_129, %mul3A_135 : vector<16xi32>
    %add3A_137 = arith.addi %sub3A_133, %mul3A_136 : vector<16xi32>
    %gather3A_138 = tpu.vector_load_idx %arg6[%add3A_137] : memref<32768xi32, #tpu.memory_space<vmem>>[vector<16xi32>], vector<16xi32>,
    %swap3A_139 = arith.constant 32 : index
    %swap3A_140 = tpu.vector_load %arg7[%swap3A_139] {strides = array<i32>} : memref<64xi32, #tpu.memory_space<vmem>>, vector<16xi32>,
    tpu.vector_store %arg7[%swap3A_139], %gather3A_138 {strides = array<i32>} : memref<64xi32, #tpu.memory_space<vmem>>, vector<16xi32>,
    %iota3A_141 = tpu.iota {dimensions = array<i32: 0>} : vector<16xi32>
    %add3A_142 = arith.constant 48 : i32
    %add3A_143 = arith.addi %min3A_10, %add3A_142 : i32
    %add3A_144 = vector.broadcast %add3A_143 : i32 to vector<16xi32>
    %add3A_145 = arith.addi %iota3A_141, %add3A_144 : vector<16xi32>
    %jit3A_146 = arith.constant 4920 : i32
    %div3A_147 = vector.broadcast %jit3A_146 : i32 to vector<16xi32>
    %div3A_148 = arith.divsi %add3A_145, %div3A_147 : vector<16xi32>
    %sign3A_149 = arith.constant 0 : i32
    %sign3A_150 = vector.broadcast %sign3A_149 : i32 to vector<16xi32>
    %sign3A_151 = arith.cmpi sgt, %add3A_145, %sign3A_150 : vector<16xi32>
    %sign3A_152 = arith.extui %sign3A_151 : vector<16xi1> to vector<16xi32>
    %sign3A_153 = arith.constant 0 : i32
    %sign3A_154 = vector.broadcast %sign3A_153 : i32 to vector<16xi32>
    %sign3A_155 = arith.cmpi slt, %add3A_145, %sign3A_154 : vector<16xi32>
    %sign3A_156 = arith.extui %sign3A_155 : vector<16xi1> to vector<16xi32>
    %sign3A_157 = arith.subi %sign3A_152, %sign3A_156 : vector<16xi32>
    %sign3A_158 = arith.constant 0 : i32
    %sign3A_159 = arith.cmpi sgt, %jit3A_146, %sign3A_158 : i32
    %sign3A_160 = arith.extui %sign3A_159 : i1 to i32
    %sign3A_161 = arith.constant 0 : i32
    %sign3A_162 = arith.cmpi slt, %jit3A_146, %sign3A_161 : i32
    %sign3A_163 = arith.extui %sign3A_162 : i1 to i32
    %sign3A_164 = arith.subi %sign3A_160, %sign3A_163 : i32
    %ne3A_165 = vector.broadcast %sign3A_164 : i32 to vector<16xi32>
    %ne3A_166 = arith.cmpi ne, %sign3A_157, %ne3A_165 : vector<16xi32>
    %rem3A_167 = vector.broadcast %jit3A_146 : i32 to vector<16xi32>
    %rem3A_168 = arith.remsi %add3A_145, %rem3A_167 : vector<16xi32>
    %ne3A_169 = arith.constant 0 : i32
    %ne3A_170 = vector.broadcast %ne3A_169 : i32 to vector<16xi32>
    %ne3A_171 = arith.cmpi ne, %rem3A_168, %ne3A_170 : vector<16xi32>
    %and3A_172 = arith.andi %ne3A_166, %ne3A_171 : vector<16xi1>
    %sub3A_173 = arith.constant 1 : i32
    %sub3A_174 = vector.broadcast %sub3A_173 : i32 to vector<16xi32>
    %sub3A_175 = arith.subi %div3A_148, %sub3A_174 : vector<16xi32>
    %select_n3A_176 = arith.select %and3A_172, %sub3A_175, %div3A_148 : vector<16xi1>, vector<16xi32>
    %mul3A_177 = arith.constant 4920 : i32
    %mul3A_178 = vector.broadcast %mul3A_177 : i32 to vector<16xi32>
    %mul3A_179 = arith.muli %select_n3A_176, %mul3A_178 : vector<16xi32>
    %sub3A_180 = arith.subi %add3A_145, %mul3A_179 : vector<16xi32>
    %mul3A_181 = arith.constant 8192 : i32
    %mul3A_182 = vector.broadcast %mul3A_181 : i32 to vector<16xi32>
    %mul3A_183 = arith.muli %select_n3A_176, %mul3A_182 : vector<16xi32>
    %add3A_184 = arith.addi %sub3A_180, %mul3A_183 : vector<16xi32>
    %gather3A_185 = tpu.vector_load_idx %arg6[%add3A_184] : memref<32768xi32, #tpu.memory_space<vmem>>[vector<16xi32>], vector<16xi32>,
    %swap3A_186 = arith.constant 48 : index
    %swap3A_187 = tpu.vector_load %arg7[%swap3A_186] {strides = array<i32>} : memref<64xi32, #tpu.memory_space<vmem>>, vector<16xi32>,
    tpu.vector_store %arg7[%swap3A_186], %gather3A_185 {strides = array<i32>} : memref<64xi32, #tpu.memory_space<vmem>>, vector<16xi32>,
    %dma_start3A = arith.constant 0 : i32
    %dma_start3A_188 = arith.constant 0 : i32
    %dma_start3A_189 = tpu.memref_slice %arg3[%dma_start3A, %dma_start3A_188] : memref<32768x768xf32, #tpu.memory_space<hbm>> -> memref<32768x768xf32, #tpu.memory_space<hbm>>
    tpu.enqueue_indirect_dma source(%dma_start3A_189 : memref<32768x768xf32, #tpu.memory_space<hbm>>) target(%arg8 : memref<64x768xf32, #tpu.memory_space<vmem>>) offsets(%arg7 : memref<64xi32, #tpu.memory_space<vmem>>) semaphore(%arg9 : memref<!tpu.dma_semaphore, #tpu.memory_space<semaphore_mem>>)
    %dma_wait3A = arith.constant 0 : i32
    %dma_wait3A_190 = arith.constant 0 : i32
    %dma_wait3A_191 = tpu.memref_slice %arg3[%dma_wait3A, %dma_wait3A_190] : memref<32768x768xf32, #tpu.memory_space<hbm>> -> memref<32768x768xf32, #tpu.memory_space<hbm>>
    tpu.wait_indirect_dma semaphore(%arg9 : memref<!tpu.dma_semaphore, #tpu.memory_space<semaphore_mem>>) src(%dma_wait3A_191 : memref<32768x768xf32, #tpu.memory_space<hbm>>) dst(%arg8 : memref<64x768xf32, #tpu.memory_space<vmem>>)
    "tpu.region"() ({
      %run_scoped3A = tpu.sem_alloc : memref<!tpu.dma_semaphore, #tpu.memory_space<semaphore_mem>>
      %dma_start3A_1992 = arith.constant 0 : i32
      %dma_start3A_1993 = tpu.memref_slice %arg4[%min3A_10, %dma_start3A_1992] : memref<19680x768xf32, #tpu.memory_space<hbm>> -> memref<64x768xf32, #tpu.memory_space<hbm>>
      %dma_start3A_1994 = arith.constant 0 : i32
      %dma_start3A_1995 = tpu.memref_slice %arg4[%min3A_10, %dma_start3A_1994] : memref<19680x768xf32, #tpu.memory_space<hbm>> -> memref<64x768xf32, #tpu.memory_space<hbm>>
      tpu.enqueue_dma source(%arg8 : memref<64x768xf32, #tpu.memory_space<vmem>>) target(%dma_start3A_1995 : memref<64x768xf32, #tpu.memory_space<hbm>>) target_semaphore(%run_scoped3A : memref<!tpu.dma_semaphore, #tpu.memory_space<semaphore_mem>>)
      %dma_wait3A_1996 = arith.constant 0 : i32
      %dma_wait3A_1997 = tpu.memref_slice %arg4[%min3A_10, %dma_wait3A_1996] : memref<19680x768xf32, #tpu.memory_space<hbm>> -> memref<64x768xf32, #tpu.memory_space<hbm>>
      %dma_wait3A_1998 = arith.constant 0 : i32
      %dma_wait3A_1999 = tpu.memref_slice %arg4[%min3A_10, %dma_wait3A_1998] : memref<19680x768xf32, #tpu.memory_space<hbm>> -> memref<64x768xf32, #tpu.memory_space<hbm>>
      tpu.wait_dma2 semaphore(%run_scoped3A : memref<!tpu.dma_semaphore, #tpu.memory_space<semaphore_mem>>) src(%arg8 : memref<64x768xf32, #tpu.memory_space<vmem>>) dst(%dma_wait3A_1999 : memref<64x768xf32, #tpu.memory_space<hbm>>)
      tpu.yield
    }) : () -> ()
    %add3A_192 = arith.constant 32 : i32
    %add3A_193 = arith.addi %add3A, %add3A_192 : i32
    %mul3A_194 = arith.constant 64 : i32
    %mul3A_195 = arith.muli %add3A_193, %mul3A_194 : i32
    %min3A_196 = arith.constant 19616 : i32
    %min3A_197 = arith.minsi %mul3A_195, %min3A_196 : i32
    %iota3A_198 = tpu.iota {dimensions = array<i32: 0>} : vector<16xi32>
    %add3A_199 = arith.constant 0 : i32
    %add3A_200 = arith.addi %min3A_197, %add3A_199 : i32
    %add3A_201 = vector.broadcast %add3A_200 : i32 to vector<16xi32>
    %add3A_202 = arith.addi %iota3A_198, %add3A_201 : vector<16xi32>
    %jit3A_203 = arith.constant 4920 : i32
    %div3A_204 = vector.broadcast %jit3A_203 : i32 to vector<16xi32>
    %div3A_205 = arith.divsi %add3A_202, %div3A_204 : vector<16xi32>
    %sign3A_206 = arith.constant 0 : i32
    %sign3A_207 = vector.broadcast %sign3A_206 : i32 to vector<16xi32>
    %sign3A_208 = arith.cmpi sgt, %add3A_202, %sign3A_207 : vector<16xi32>
    %sign3A_209 = arith.extui %sign3A_208 : vector<16xi1> to vector<16xi32>
    %sign3A_210 = arith.constant 0 : i32
    %sign3A_211 = vector.broadcast %sign3A_210 : i32 to vector<16xi32>
    %sign3A_212 = arith.cmpi slt, %add3A_202, %sign3A_211 : vector<16xi32>
    %sign3A_213 = arith.extui %sign3A_212 : vector<16xi1> to vector<16xi32>
    %sign3A_214 = arith.subi %sign3A_209, %sign3A_213 : vector<16xi32>
    %sign3A_215 = arith.constant 0 : i32
    %sign3A_216 = arith.cmpi sgt, %jit3A_203, %sign3A_215 : i32
    %sign3A_217 = arith.extui %sign3A_216 : i1 to i32
    %sign3A_218 = arith.constant 0 : i32
    %sign3A_219 = arith.cmpi slt, %jit3A_203, %sign3A_218 : i32
    %sign3A_220 = arith.extui %sign3A_219 : i1 to i32
    %sign3A_221 = arith.subi %sign3A_217, %sign3A_220 : i32
    %ne3A_222 = vector.broadcast %sign3A_221 : i32 to vector<16xi32>
    %ne3A_223 = arith.cmpi ne, %sign3A_214, %ne3A_222 : vector<16xi32>
    %rem3A_224 = vector.broadcast %jit3A_203 : i32 to vector<16xi32>
    %rem3A_225 = arith.remsi %add3A_202, %rem3A_224 : vector<16xi32>
    %ne3A_226 = arith.constant 0 : i32
    %ne3A_227 = vector.broadcast %ne3A_226 : i32 to vector<16xi32>
    %ne3A_228 = arith.cmpi ne, %rem3A_225, %ne3A_227 : vector<16xi32>
    %and3A_229 = arith.andi %ne3A_223, %ne3A_228 : vector<16xi1>
    %sub3A_230 = arith.constant 1 : i32
    %sub3A_231 = vector.broadcast %sub3A_230 : i32 to vector<16xi32>
    %sub3A_232 = arith.subi %div3A_205, %sub3A_231 : vector<16xi32>
    %select_n3A_233 = arith.select %and3A_229, %sub3A_232, %div3A_205 : vector<16xi1>, vector<16xi32>
    %mul3A_234 = arith.constant 4920 : i32
    %mul3A_235 = vector.broadcast %mul3A_234 : i32 to vector<16xi32>
    %mul3A_236 = arith.muli %select_n3A_233, %mul3A_235 : vector<16xi32>
    %sub3A_237 = arith.subi %add3A_202, %mul3A_236 : vector<16xi32>
    %mul3A_238 = arith.constant 8192 : i32
    %mul3A_239 = vector.broadcast %mul3A_238 : i32 to vector<16xi32>
    %mul3A_240 = arith.muli %select_n3A_233, %mul3A_239 : vector<16xi32>
    %add3A_241 = arith.addi %sub3A_237, %mul3A_240 : vector<16xi32>
    %gather3A_242 = tpu.vector_load_idx %arg6[%add3A_241] : memref<32768xi32, #tpu.memory_space<vmem>>[vector<16xi32>], vector<16xi32>,
    %swap3A_243 = arith.constant 0 : index
    %swap3A_244 = tpu.vector_load %arg7[%swap3A_243] {strides = array<i32>} : memref<64xi32, #tpu.memory_space<vmem>>, vector<16xi32>,
    tpu.vector_store %arg7[%swap3A_243], %gather3A_242 {strides = array<i32>} : memref<64xi32, #tpu.memory_space<vmem>>, vector<16xi32>,
    %iota3A_245 = tpu.iota {dimensions = array<i32: 0>} : vector<16xi32>
    %add3A_246 = arith.constant 16 : i32
    %add3A_247 = arith.addi %min3A_197, %add3A_246 : i32
    %add3A_248 = vector.broadcast %add3A_247 : i32 to vector<16xi32>
    %add3A_249 = arith.addi %iota3A_245, %add3A_248 : vector<16xi32>
    %jit3A_250 = arith.constant 4920 : i32
    %div3A_251 = vector.broadcast %jit3A_250 : i32 to vector<16xi32>
    %div3A_252 = arith.divsi %add3A_249, %div3A_251 : vector<16xi32>
    %sign3A_253 = arith.constant 0 : i32
    %sign3A_254 = vector.broadcast %sign3A_253 : i32 to vector<16xi32>
    %sign3A_255 = arith.cmpi sgt, %add3A_249, %sign3A_254 : vector<16xi32>
    %sign3A_256 = arith.extui %sign3A_255 : vector<16xi1> to vector<16xi32>
    %sign3A_257 = arith.constant 0 : i32
    %sign3A_258 = vector.broadcast %sign3A_257 : i32 to vector<16xi32>
    %sign3A_259 = arith.cmpi slt, %add3A_249, %sign3A_258 : vector<16xi32>
    %sign3A_260 = arith.extui %sign3A_259 : vector<16xi1> to vector<16xi32>
    %sign3A_261 = arith.subi %sign3A_256, %sign3A_260 : vector<16xi32>
    %sign3A_262 = arith.constant 0 : i32
    %sign3A_263 = arith.cmpi sgt, %jit3A_250, %sign3A_262 : i32
    %sign3A_264 = arith.extui %sign3A_263 : i1 to i32
    %sign3A_265 = arith.constant 0 : i32
    %sign3A_266 = arith.cmpi slt, %jit3A_250, %sign3A_265 : i32
    %sign3A_267 = arith.extui %sign3A_266 : i1 to i32
    %sign3A_268 = arith.subi %sign3A_264, %sign3A_267 : i32
    %ne3A_269 = vector.broadcast %sign3A_268 : i32 to vector<16xi32>
    %ne3A_270 = arith.cmpi ne, %sign3A_261, %ne3A_269 : vector<16xi32>
    %rem3A_271 = vector.broadcast %jit3A_250 : i32 to vector<16xi32>
    %rem3A_272 = arith.remsi %add3A_249, %rem3A_271 : vector<16xi32>
    %ne3A_273 = arith.constant 0 : i32
    %ne3A_274 = vector.broadcast %ne3A_273 : i32 to vector<16xi32>
    %ne3A_275 = arith.cmpi ne, %rem3A_272, %ne3A_274 : vector<16xi32>
    %and3A_276 = arith.andi %ne3A_270, %ne3A_275 : vector<16xi1>
    %sub3A_277 = arith.constant 1 : i32
    %sub3A_278 = vector.broadcast %sub3A_277 : i32 to vector<16xi32>
    %sub3A_279 = arith.subi %div3A_252, %sub3A_278 : vector<16xi32>
    %select_n3A_280 = arith.select %and3A_276, %sub3A_279, %div3A_252 : vector<16xi1>, vector<16xi32>
    %mul3A_281 = arith.constant 4920 : i32
    %mul3A_282 = vector.broadcast %mul3A_281 : i32 to vector<16xi32>
    %mul3A_283 = arith.muli %select_n3A_280, %mul3A_282 : vector<16xi32>
    %sub3A_284 = arith.subi %add3A_249, %mul3A_283 : vector<16xi32>
    %mul3A_285 = arith.constant 8192 : i32
    %mul3A_286 = vector.broadcast %mul3A_285 : i32 to vector<16xi32>
    %mul3A_287 = arith.muli %select_n3A_280, %mul3A_286 : vector<16xi32>
    %add3A_288 = arith.addi %sub3A_284, %mul3A_287 : vector<16xi32>
    %gather3A_289 = tpu.vector_load_idx %arg6[%add3A_288] : memref<32768xi32, #tpu.memory_space<vmem>>[vector<16xi32>], vector<16xi32>,
    %swap3A_290 = arith.constant 16 : index
    %swap3A_291 = tpu.vector_load %arg7[%swap3A_290] {strides = array<i32>} : memref<64xi32, #tpu.memory_space<vmem>>, vector<16xi32>,
    tpu.vector_store %arg7[%swap3A_290], %gather3A_289 {strides = array<i32>} : memref<64xi32, #tpu.memory_space<vmem>>, vector<16xi32>,
    %iota3A_292 = tpu.iota {dimensions = array<i32: 0>} : vector<16xi32>
    %add3A_293 = arith.constant 32 : i32
    %add3A_294 = arith.addi %min3A_197, %add3A_293 : i32
    %add3A_295 = vector.broadcast %add3A_294 : i32 to vector<16xi32>
    %add3A_296 = arith.addi %iota3A_292, %add3A_295 : vector<16xi32>
    %jit3A_297 = arith.constant 4920 : i32
    %div3A_298 = vector.broadcast %jit3A_297 : i32 to vector<16xi32>
    %div3A_299 = arith.divsi %add3A_296, %div3A_298 : vector<16xi32>
    %sign3A_300 = arith.constant 0 : i32
    %sign3A_301 = vector.broadcast %sign3A_300 : i32 to vector<16xi32>
    %sign3A_302 = arith.cmpi sgt, %add3A_296, %sign3A_301 : vector<16xi32>
    %sign3A_303 = arith.extui %sign3A_302 : vector<16xi1> to vector<16xi32>
    %sign3A_304 = arith.constant 0 : i32
    %sign3A_305 = vector.broadcast %sign3A_304 : i32 to vector<16xi32>
    %sign3A_306 = arith.cmpi slt, %add3A_296, %sign3A_305 : vector<16xi32>
    %sign3A_307 = arith.extui %sign3A_306 : vector<16xi1> to vector<16xi32>
    %sign3A_308 = arith.subi %sign3A_303, %sign3A_307 : vector<16xi32>
    %sign3A_309 = arith.constant 0 : i32
    %sign3A_310 = arith.cmpi sgt, %jit3A_297, %sign3A_309 : i32
    %sign3A_311 = arith.extui %sign3A_310 : i1 to i32
    %sign3A_312 = arith.constant 0 : i32
    %sign3A_313 = arith.cmpi slt, %jit3A_297, %sign3A_312 : i32
    %sign3A_314 = arith.extui %sign3A_313 : i1 to i32
    %sign3A_315 = arith.subi %sign3A_311, %sign3A_314 : i32
    %ne3A_316 = vector.broadcast %sign3A_315 : i32 to vector<16xi32>
    %ne3A_317 = arith.cmpi ne, %sign3A_308, %ne3A_316 : vector<16xi32>
    %rem3A_318 = vector.broadcast %jit3A_297 : i32 to vector<16xi32>
    %rem3A_319 = arith.remsi %add3A_296, %rem3A_318 : vector<16xi32>
    %ne3A_320 = arith.constant 0 : i32
    %ne3A_321 = vector.broadcast %ne3A_320 : i32 to vector<16xi32>
    %ne3A_322 = arith.cmpi ne, %rem3A_319, %ne3A_321 : vector<16xi32>
    %and3A_323 = arith.andi %ne3A_317, %ne3A_322 : vector<16xi1>
    %sub3A_324 = arith.constant 1 : i32
    %sub3A_325 = vector.broadcast %sub3A_324 : i32 to vector<16xi32>
    %sub3A_326 = arith.subi %div3A_299, %sub3A_325 : vector<16xi32>
    %select_n3A_327 = arith.select %and3A_323, %sub3A_326, %div3A_299 : vector<16xi1>, vector<16xi32>
    %mul3A_328 = arith.constant 4920 : i32
    %mul3A_329 = vector.broadcast %mul3A_328 : i32 to vector<16xi32>
    %mul3A_330 = arith.muli %select_n3A_327, %mul3A_329 : vector<16xi32>
    %sub3A_331 = arith.subi %add3A_296, %mul3A_330 : vector<16xi32>
    %mul3A_332 = arith.constant 8192 : i32
    %mul3A_333 = vector.broadcast %mul3A_332 : i32 to vector<16xi32>
    %mul3A_334 = arith.muli %select_n3A_327, %mul3A_333 : vector<16xi32>
    %add3A_335 = arith.addi %sub3A_331, %mul3A_334 : vector<16xi32>
    %gather3A_336 = tpu.vector_load_idx %arg6[%add3A_335] : memref<32768xi32, #tpu.memory_space<vmem>>[vector<16xi32>], vector<16xi32>,
    %swap3A_337 = arith.constant 32 : index
    %swap3A_338 = tpu.vector_load %arg7[%swap3A_337] {strides = array<i32>} : memref<64xi32, #tpu.memory_space<vmem>>, vector<16xi32>,
    tpu.vector_store %arg7[%swap3A_337], %gather3A_336 {strides = array<i32>} : memref<64xi32, #tpu.memory_space<vmem>>, vector<16xi32>,
    %iota3A_339 = tpu.iota {dimensions = array<i32: 0>} : vector<16xi32>
    %add3A_340 = arith.constant 48 : i32
    %add3A_341 = arith.addi %min3A_197, %add3A_340 : i32
    %add3A_342 = vector.broadcast %add3A_341 : i32 to vector<16xi32>
    %add3A_343 = arith.addi %iota3A_339, %add3A_342 : vector<16xi32>
    %jit3A_344 = arith.constant 4920 : i32
    %div3A_345 = vector.broadcast %jit3A_344 : i32 to vector<16xi32>
    %div3A_346 = arith.divsi %add3A_343, %div3A_345 : vector<16xi32>
    %sign3A_347 = arith.constant 0 : i32
    %sign3A_348 = vector.broadcast %sign3A_347 : i32 to vector<16xi32>
    %sign3A_349 = arith.cmpi sgt, %add3A_343, %sign3A_348 : vector<16xi32>
    %sign3A_350 = arith.extui %sign3A_349 : vector<16xi1> to vector<16xi32>
    %sign3A_351 = arith.constant 0 : i32
    %sign3A_352 = vector.broadcast %sign3A_351 : i32 to vector<16xi32>
    %sign3A_353 = arith.cmpi slt, %add3A_343, %sign3A_352 : vector<16xi32>
    %sign3A_354 = arith.extui %sign3A_353 : vector<16xi1> to vector<16xi32>
    %sign3A_355 = arith.subi %sign3A_350, %sign3A_354 : vector<16xi32>
    %sign3A_356 = arith.constant 0 : i32
    %sign3A_357 = arith.cmpi sgt, %jit3A_344, %sign3A_356 : i32
    %sign3A_358 = arith.extui %sign3A_357 : i1 to i32
    %sign3A_359 = arith.constant 0 : i32
    %sign3A_360 = arith.cmpi slt, %jit3A_344, %sign3A_359 : i32
    %sign3A_361 = arith.extui %sign3A_360 : i1 to i32
    %sign3A_362 = arith.subi %sign3A_358, %sign3A_361 : i32
    %ne3A_363 = vector.broadcast %sign3A_362 : i32 to vector<16xi32>
    %ne3A_364 = arith.cmpi ne, %sign3A_355, %ne3A_363 : vector<16xi32>
    %rem3A_365 = vector.broadcast %jit3A_344 : i32 to vector<16xi32>
    %rem3A_366 = arith.remsi %add3A_343, %rem3A_365 : vector<16xi32>
    %ne3A_367 = arith.constant 0 : i32
    %ne3A_368 = vector.broadcast %ne3A_367 : i32 to vector<16xi32>
    %ne3A_369 = arith.cmpi ne, %rem3A_366, %ne3A_368 : vector<16xi32>
    %and3A_370 = arith.andi %ne3A_364, %ne3A_369 : vector<16xi1>
    %sub3A_371 = arith.constant 1 : i32
    %sub3A_372 = vector.broadcast %sub3A_371 : i32 to vector<16xi32>
    %sub3A_373 = arith.subi %div3A_346, %sub3A_372 : vector<16xi32>
    %select_n3A_374 = arith.select %and3A_370, %sub3A_373, %div3A_346 : vector<16xi1>, vector<16xi32>
    %mul3A_375 = arith.constant 4920 : i32
    %mul3A_376 = vector.broadcast %mul3A_375 : i32 to vector<16xi32>
    %mul3A_377 = arith.muli %select_n3A_374, %mul3A_376 : vector<16xi32>
    %sub3A_378 = arith.subi %add3A_343, %mul3A_377 : vector<16xi32>
    %mul3A_379 = arith.constant 8192 : i32
    %mul3A_380 = vector.broadcast %mul3A_379 : i32 to vector<16xi32>
    %mul3A_381 = arith.muli %select_n3A_374, %mul3A_380 : vector<16xi32>
    %add3A_382 = arith.addi %sub3A_378, %mul3A_381 : vector<16xi32>
    %gather3A_383 = tpu.vector_load_idx %arg6[%add3A_382] : memref<32768xi32, #tpu.memory_space<vmem>>[vector<16xi32>], vector<16xi32>,
    %swap3A_384 = arith.constant 48 : index
    %swap3A_385 = tpu.vector_load %arg7[%swap3A_384] {strides = array<i32>} : memref<64xi32, #tpu.memory_space<vmem>>, vector<16xi32>,
    tpu.vector_store %arg7[%swap3A_384], %gather3A_383 {strides = array<i32>} : memref<64xi32, #tpu.memory_space<vmem>>, vector<16xi32>,
    %dma_start3A_386 = arith.constant 0 : i32
    %dma_start3A_387 = arith.constant 0 : i32
    %dma_start3A_388 = tpu.memref_slice %arg3[%dma_start3A_386, %dma_start3A_387] : memref<32768x768xf32, #tpu.memory_space<hbm>> -> memref<32768x768xf32, #tpu.memory_space<hbm>>
    tpu.enqueue_indirect_dma source(%dma_start3A_388 : memref<32768x768xf32, #tpu.memory_space<hbm>>) target(%arg8 : memref<64x768xf32, #tpu.memory_space<vmem>>) offsets(%arg7 : memref<64xi32, #tpu.memory_space<vmem>>) semaphore(%arg9 : memref<!tpu.dma_semaphore, #tpu.memory_space<semaphore_mem>>)
    %dma_wait3A_389 = arith.constant 0 : i32
    %dma_wait3A_390 = arith.constant 0 : i32
    %dma_wait3A_391 = tpu.memref_slice %arg3[%dma_wait3A_389, %dma_wait3A_390] : memref<32768x768xf32, #tpu.memory_space<hbm>> -> memref<32768x768xf32, #tpu.memory_space<hbm>>
    tpu.wait_indirect_dma semaphore(%arg9 : memref<!tpu.dma_semaphore, #tpu.memory_space<semaphore_mem>>) src(%dma_wait3A_391 : memref<32768x768xf32, #tpu.memory_space<hbm>>) dst(%arg8 : memref<64x768xf32, #tpu.memory_space<vmem>>)
    "tpu.region"() ({
      %run_scoped3A = tpu.sem_alloc : memref<!tpu.dma_semaphore, #tpu.memory_space<semaphore_mem>>
      %dma_start3A_1992 = arith.constant 0 : i32
      %dma_start3A_1993 = tpu.memref_slice %arg4[%min3A_197, %dma_start3A_1992] : memref<19680x768xf32, #tpu.memory_space<hbm>> -> memref<64x768xf32, #tpu.memory_space<hbm>>
      %dma_start3A_1994 = arith.constant 0 : i32
      %dma_start3A_1995 = tpu.memref_slice %arg4[%min3A_197, %dma_start3A_1994] : memref<19680x768xf32, #tpu.memory_space<hbm>> -> memref<64x768xf32, #tpu.memory_space<hbm>>
      tpu.enqueue_dma source(%arg8 : memref<64x768xf32, #tpu.memory_space<vmem>>) target(%dma_start3A_1995 : memref<64x768xf32, #tpu.memory_space<hbm>>) target_semaphore(%run_scoped3A : memref<!tpu.dma_semaphore, #tpu.memory_space<semaphore_mem>>)
      %dma_wait3A_1996 = arith.constant 0 : i32
      %dma_wait3A_1997 = tpu.memref_slice %arg4[%min3A_197, %dma_wait3A_1996] : memref<19680x768xf32, #tpu.memory_space<hbm>> -> memref<64x768xf32, #tpu.memory_space<hbm>>
      %dma_wait3A_1998 = arith.constant 0 : i32
      %dma_wait3A_1999 = tpu.memref_slice %arg4[%min3A_197, %dma_wait3A_1998] : memref<19680x768xf32, #tpu.memory_space<hbm>> -> memref<64x768xf32, #tpu.memory_space<hbm>>
      tpu.wait_dma2 semaphore(%run_scoped3A : memref<!tpu.dma_semaphore, #tpu.memory_space<semaphore_mem>>) src(%arg8 : memref<64x768xf32, #tpu.memory_space<vmem>>) dst(%dma_wait3A_1999 : memref<64x768xf32, #tpu.memory_space<hbm>>)
      tpu.yield
    }) : () -> ()
    %add3A_392 = arith.constant 64 : i32
    %add3A_393 = arith.addi %add3A, %add3A_392 : i32
    %mul3A_394 = arith.constant 64 : i32
    %mul3A_395 = arith.muli %add3A_393, %mul3A_394 : i32
    %min3A_396 = arith.constant 19616 : i32
    %min3A_397 = arith.minsi %mul3A_395, %min3A_396 : i32
    %iota3A_398 = tpu.iota {dimensions = array<i32: 0>} : vector<16xi32>
    %add3A_399 = arith.constant 0 : i32
    %add3A_400 = arith.addi %min3A_397, %add3A_399 : i32
    %add3A_401 = vector.broadcast %add3A_400 : i32 to vector<16xi32>
    %add3A_402 = arith.addi %iota3A_398, %add3A_401 : vector<16xi32>
    %jit3A_403 = arith.constant 4920 : i32
    %div3A_404 = vector.broadcast %jit3A_403 : i32 to vector<16xi32>
    %div3A_405 = arith.divsi %add3A_402, %div3A_404 : vector<16xi32>
    %sign3A_406 = arith.constant 0 : i32
    %sign3A_407 = vector.broadcast %sign3A_406 : i32 to vector<16xi32>
    %sign3A_408 = arith.cmpi sgt, %add3A_402, %sign3A_407 : vector<16xi32>
    %sign3A_409 = arith.extui %sign3A_408 : vector<16xi1> to vector<16xi32>
    %sign3A_410 = arith.constant 0 : i32
    %sign3A_411 = vector.broadcast %sign3A_410 : i32 to vector<16xi32>
    %sign3A_412 = arith.cmpi slt, %add3A_402, %sign3A_411 : vector<16xi32>
    %sign3A_413 = arith.extui %sign3A_412 : vector<16xi1> to vector<16xi32>
    %sign3A_414 = arith.subi %sign3A_409, %sign3A_413 : vector<16xi32>
    %sign3A_415 = arith.constant 0 : i32
    %sign3A_416 = arith.cmpi sgt, %jit3A_403, %sign3A_415 : i32
    %sign3A_417 = arith.extui %sign3A_416 : i1 to i32
    %sign3A_418 = arith.constant 0 : i32
    %sign3A_419 = arith.cmpi slt, %jit3A_403, %sign3A_418 : i32
    %sign3A_420 = arith.extui %sign3A_419 : i1 to i32
    %sign3A_421 = arith.subi %sign3A_417, %sign3A_420 : i32
    %ne3A_422 = vector.broadcast %sign3A_421 : i32 to vector<16xi32>
    %ne3A_423 = arith.cmpi ne, %sign3A_414, %ne3A_422 : vector<16xi32>
    %rem3A_424 = vector.broadcast %jit3A_403 : i32 to vector<16xi32>
    %rem3A_425 = arith.remsi %add3A_402, %rem3A_424 : vector<16xi32>
    %ne3A_426 = arith.constant 0 : i32
    %ne3A_427 = vector.broadcast %ne3A_426 : i32 to vector<16xi32>
    %ne3A_428 = arith.cmpi ne, %rem3A_425, %ne3A_427 : vector<16xi32>
    %and3A_429 = arith.andi %ne3A_423, %ne3A_428 : vector<16xi1>
    %sub3A_430 = arith.constant 1 : i32
    %sub3A_431 = vector.broadcast %sub3A_430 : i32 to vector<16xi32>
    %sub3A_432 = arith.subi %div3A_405, %sub3A_431 : vector<16xi32>
    %select_n3A_433 = arith.select %and3A_429, %sub3A_432, %div3A_405 : vector<16xi1>, vector<16xi32>
    %mul3A_434 = arith.constant 4920 : i32
    %mul3A_435 = vector.broadcast %mul3A_434 : i32 to vector<16xi32>
    %mul3A_436 = arith.muli %select_n3A_433, %mul3A_435 : vector<16xi32>
    %sub3A_437 = arith.subi %add3A_402, %mul3A_436 : vector<16xi32>
    %mul3A_438 = arith.constant 8192 : i32
    %mul3A_439 = vector.broadcast %mul3A_438 : i32 to vector<16xi32>
    %mul3A_440 = arith.muli %select_n3A_433, %mul3A_439 : vector<16xi32>
    %add3A_441 = arith.addi %sub3A_437, %mul3A_440 : vector<16xi32>
    %gather3A_442 = tpu.vector_load_idx %arg6[%add3A_441] : memref<32768xi32, #tpu.memory_space<vmem>>[vector<16xi32>], vector<16xi32>,
    %swap3A_443 = arith.constant 0 : index
    %swap3A_444 = tpu.vector_load %arg7[%swap3A_443] {strides = array<i32>} : memref<64xi32, #tpu.memory_space<vmem>>, vector<16xi32>,
    tpu.vector_store %arg7[%swap3A_443], %gather3A_442 {strides = array<i32>} : memref<64xi32, #tpu.memory_space<vmem>>, vector<16xi32>,
    %iota3A_445 = tpu.iota {dimensions = array<i32: 0>} : vector<16xi32>
    %add3A_446 = arith.constant 16 : i32
    %add3A_447 = arith.addi %min3A_397, %add3A_446 : i32
    %add3A_448 = vector.broadcast %add3A_447 : i32 to vector<16xi32>
    %add3A_449 = arith.addi %iota3A_445, %add3A_448 : vector<16xi32>
    %jit3A_450 = arith.constant 4920 : i32
    %div3A_451 = vector.broadcast %jit3A_450 : i32 to vector<16xi32>
    %div3A_452 = arith.divsi %add3A_449, %div3A_451 : vector<16xi32>
    %sign3A_453 = arith.constant 0 : i32
    %sign3A_454 = vector.broadcast %sign3A_453 : i32 to vector<16xi32>
    %sign3A_455 = arith.cmpi sgt, %add3A_449, %sign3A_454 : vector<16xi32>
    %sign3A_456 = arith.extui %sign3A_455 : vector<16xi1> to vector<16xi32>
    %sign3A_457 = arith.constant 0 : i32
    %sign3A_458 = vector.broadcast %sign3A_457 : i32 to vector<16xi32>
    %sign3A_459 = arith.cmpi slt, %add3A_449, %sign3A_458 : vector<16xi32>
    %sign3A_460 = arith.extui %sign3A_459 : vector<16xi1> to vector<16xi32>
    %sign3A_461 = arith.subi %sign3A_456, %sign3A_460 : vector<16xi32>
    %sign3A_462 = arith.constant 0 : i32
    %sign3A_463 = arith.cmpi sgt, %jit3A_450, %sign3A_462 : i32
    %sign3A_464 = arith.extui %sign3A_463 : i1 to i32
    %sign3A_465 = arith.constant 0 : i32
    %sign3A_466 = arith.cmpi slt, %jit3A_450, %sign3A_465 : i32
    %sign3A_467 = arith.extui %sign3A_466 : i1 to i32
    %sign3A_468 = arith.subi %sign3A_464, %sign3A_467 : i32
    %ne3A_469 = vector.broadcast %sign3A_468 : i32 to vector<16xi32>
    %ne3A_470 = arith.cmpi ne, %sign3A_461, %ne3A_469 : vector<16xi32>
    %rem3A_471 = vector.broadcast %jit3A_450 : i32 to vector<16xi32>
    %rem3A_472 = arith.remsi %add3A_449, %rem3A_471 : vector<16xi32>
    %ne3A_473 = arith.constant 0 : i32
    %ne3A_474 = vector.broadcast %ne3A_473 : i32 to vector<16xi32>
    %ne3A_475 = arith.cmpi ne, %rem3A_472, %ne3A_474 : vector<16xi32>
    %and3A_476 = arith.andi %ne3A_470, %ne3A_475 : vector<16xi1>
    %sub3A_477 = arith.constant 1 : i32
    %sub3A_478 = vector.broadcast %sub3A_477 : i32 to vector<16xi32>
    %sub3A_479 = arith.subi %div3A_452, %sub3A_478 : vector<16xi32>
    %select_n3A_480 = arith.select %and3A_476, %sub3A_479, %div3A_452 : vector<16xi1>, vector<16xi32>
    %mul3A_481 = arith.constant 4920 : i32
    %mul3A_482 = vector.broadcast %mul3A_481 : i32 to vector<16xi32>
    %mul3A_483 = arith.muli %select_n3A_480, %mul3A_482 : vector<16xi32>
    %sub3A_484 = arith.subi %add3A_449, %mul3A_483 : vector<16xi32>
    %mul3A_485 = arith.constant 8192 : i32
    %mul3A_486 = vector.broadcast %mul3A_485 : i32 to vector<16xi32>
    %mul3A_487 = arith.muli %select_n3A_480, %mul3A_486 : vector<16xi32>
    %add3A_488 = arith.addi %sub3A_484, %mul3A_487 : vector<16xi32>
    %gather3A_489 = tpu.vector_load_idx %arg6[%add3A_488] : memref<32768xi32, #tpu.memory_space<vmem>>[vector<16xi32>], vector<16xi32>,
    %swap3A_490 = arith.constant 16 : index
    %swap3A_491 = tpu.vector_load %arg7[%swap3A_490] {strides = array<i32>} : memref<64xi32, #tpu.memory_space<vmem>>, vector<16xi32>,
    tpu.vector_store %arg7[%swap3A_490], %gather3A_489 {strides = array<i32>} : memref<64xi32, #tpu.memory_space<vmem>>, vector<16xi32>,
    %iota3A_492 = tpu.iota {dimensions = array<i32: 0>} : vector<16xi32>
    %add3A_493 = arith.constant 32 : i32
    %add3A_494 = arith.addi %min3A_397, %add3A_493 : i32
    %add3A_495 = vector.broadcast %add3A_494 : i32 to vector<16xi32>
    %add3A_496 = arith.addi %iota3A_492, %add3A_495 : vector<16xi32>
    %jit3A_497 = arith.constant 4920 : i32
    %div3A_498 = vector.broadcast %jit3A_497 : i32 to vector<16xi32>
    %div3A_499 = arith.divsi %add3A_496, %div3A_498 : vector<16xi32>
    %sign3A_500 = arith.constant 0 : i32
    %sign3A_501 = vector.broadcast %sign3A_500 : i32 to vector<16xi32>
    %sign3A_502 = arith.cmpi sgt, %add3A_496, %sign3A_501 : vector<16xi32>
    %sign3A_503 = arith.extui %sign3A_502 : vector<16xi1> to vector<16xi32>
    %sign3A_504 = arith.constant 0 : i32
    %sign3A_505 = vector.broadcast %sign3A_504 : i32 to vector<16xi32>
    %sign3A_506 = arith.cmpi slt, %add3A_496, %sign3A_505 : vector<16xi32>
    %sign3A_507 = arith.extui %sign3A_506 : vector<16xi1> to vector<16xi32>
    %sign3A_508 = arith.subi %sign3A_503, %sign3A_507 : vector<16xi32>
    %sign3A_509 = arith.constant 0 : i32
    %sign3A_510 = arith.cmpi sgt, %jit3A_497, %sign3A_509 : i32
    %sign3A_511 = arith.extui %sign3A_510 : i1 to i32
    %sign3A_512 = arith.constant 0 : i32
    %sign3A_513 = arith.cmpi slt, %jit3A_497, %sign3A_512 : i32
    %sign3A_514 = arith.extui %sign3A_513 : i1 to i32
    %sign3A_515 = arith.subi %sign3A_511, %sign3A_514 : i32
    %ne3A_516 = vector.broadcast %sign3A_515 : i32 to vector<16xi32>
    %ne3A_517 = arith.cmpi ne, %sign3A_508, %ne3A_516 : vector<16xi32>
    %rem3A_518 = vector.broadcast %jit3A_497 : i32 to vector<16xi32>
    %rem3A_519 = arith.remsi %add3A_496, %rem3A_518 : vector<16xi32>
    %ne3A_520 = arith.constant 0 : i32
    %ne3A_521 = vector.broadcast %ne3A_520 : i32 to vector<16xi32>
    %ne3A_522 = arith.cmpi ne, %rem3A_519, %ne3A_521 : vector<16xi32>
    %and3A_523 = arith.andi %ne3A_517, %ne3A_522 : vector<16xi1>
    %sub3A_524 = arith.constant 1 : i32
    %sub3A_525 = vector.broadcast %sub3A_524 : i32 to vector<16xi32>
    %sub3A_526 = arith.subi %div3A_499, %sub3A_525 : vector<16xi32>
    %select_n3A_527 = arith.select %and3A_523, %sub3A_526, %div3A_499 : vector<16xi1>, vector<16xi32>
    %mul3A_528 = arith.constant 4920 : i32
    %mul3A_529 = vector.broadcast %mul3A_528 : i32 to vector<16xi32>
    %mul3A_530 = arith.muli %select_n3A_527, %mul3A_529 : vector<16xi32>
    %sub3A_531 = arith.subi %add3A_496, %mul3A_530 : vector<16xi32>
    %mul3A_532 = arith.constant 8192 : i32
    %mul3A_533 = vector.broadcast %mul3A_532 : i32 to vector<16xi32>
    %mul3A_534 = arith.muli %select_n3A_527, %mul3A_533 : vector<16xi32>
    %add3A_535 = arith.addi %sub3A_531, %mul3A_534 : vector<16xi32>
    %gather3A_536 = tpu.vector_load_idx %arg6[%add3A_535] : memref<32768xi32, #tpu.memory_space<vmem>>[vector<16xi32>], vector<16xi32>,
    %swap3A_537 = arith.constant 32 : index
    %swap3A_538 = tpu.vector_load %arg7[%swap3A_537] {strides = array<i32>} : memref<64xi32, #tpu.memory_space<vmem>>, vector<16xi32>,
    tpu.vector_store %arg7[%swap3A_537], %gather3A_536 {strides = array<i32>} : memref<64xi32, #tpu.memory_space<vmem>>, vector<16xi32>,
    %iota3A_539 = tpu.iota {dimensions = array<i32: 0>} : vector<16xi32>
    %add3A_540 = arith.constant 48 : i32
    %add3A_541 = arith.addi %min3A_397, %add3A_540 : i32
    %add3A_542 = vector.broadcast %add3A_541 : i32 to vector<16xi32>
    %add3A_543 = arith.addi %iota3A_539, %add3A_542 : vector<16xi32>
    %jit3A_544 = arith.constant 4920 : i32
    %div3A_545 = vector.broadcast %jit3A_544 : i32 to vector<16xi32>
    %div3A_546 = arith.divsi %add3A_543, %div3A_545 : vector<16xi32>
    %sign3A_547 = arith.constant 0 : i32
    %sign3A_548 = vector.broadcast %sign3A_547 : i32 to vector<16xi32>
    %sign3A_549 = arith.cmpi sgt, %add3A_543, %sign3A_548 : vector<16xi32>
    %sign3A_550 = arith.extui %sign3A_549 : vector<16xi1> to vector<16xi32>
    %sign3A_551 = arith.constant 0 : i32
    %sign3A_552 = vector.broadcast %sign3A_551 : i32 to vector<16xi32>
    %sign3A_553 = arith.cmpi slt, %add3A_543, %sign3A_552 : vector<16xi32>
    %sign3A_554 = arith.extui %sign3A_553 : vector<16xi1> to vector<16xi32>
    %sign3A_555 = arith.subi %sign3A_550, %sign3A_554 : vector<16xi32>
    %sign3A_556 = arith.constant 0 : i32
    %sign3A_557 = arith.cmpi sgt, %jit3A_544, %sign3A_556 : i32
    %sign3A_558 = arith.extui %sign3A_557 : i1 to i32
    %sign3A_559 = arith.constant 0 : i32
    %sign3A_560 = arith.cmpi slt, %jit3A_544, %sign3A_559 : i32
    %sign3A_561 = arith.extui %sign3A_560 : i1 to i32
    %sign3A_562 = arith.subi %sign3A_558, %sign3A_561 : i32
    %ne3A_563 = vector.broadcast %sign3A_562 : i32 to vector<16xi32>
    %ne3A_564 = arith.cmpi ne, %sign3A_555, %ne3A_563 : vector<16xi32>
    %rem3A_565 = vector.broadcast %jit3A_544 : i32 to vector<16xi32>
    %rem3A_566 = arith.remsi %add3A_543, %rem3A_565 : vector<16xi32>
    %ne3A_567 = arith.constant 0 : i32
    %ne3A_568 = vector.broadcast %ne3A_567 : i32 to vector<16xi32>
    %ne3A_569 = arith.cmpi ne, %rem3A_566, %ne3A_568 : vector<16xi32>
    %and3A_570 = arith.andi %ne3A_564, %ne3A_569 : vector<16xi1>
    %sub3A_571 = arith.constant 1 : i32
    %sub3A_572 = vector.broadcast %sub3A_571 : i32 to vector<16xi32>
    %sub3A_573 = arith.subi %div3A_546, %sub3A_572 : vector<16xi32>
    %select_n3A_574 = arith.select %and3A_570, %sub3A_573, %div3A_546 : vector<16xi1>, vector<16xi32>
    %mul3A_575 = arith.constant 4920 : i32
    %mul3A_576 = vector.broadcast %mul3A_575 : i32 to vector<16xi32>
    %mul3A_577 = arith.muli %select_n3A_574, %mul3A_576 : vector<16xi32>
    %sub3A_578 = arith.subi %add3A_543, %mul3A_577 : vector<16xi32>
    %mul3A_579 = arith.constant 8192 : i32
    %mul3A_580 = vector.broadcast %mul3A_579 : i32 to vector<16xi32>
    %mul3A_581 = arith.muli %select_n3A_574, %mul3A_580 : vector<16xi32>
    %add3A_582 = arith.addi %sub3A_578, %mul3A_581 : vector<16xi32>
    %gather3A_583 = tpu.vector_load_idx %arg6[%add3A_582] : memref<32768xi32, #tpu.memory_space<vmem>>[vector<16xi32>], vector<16xi32>,
    %swap3A_584 = arith.constant 48 : index
    %swap3A_585 = tpu.vector_load %arg7[%swap3A_584] {strides = array<i32>} : memref<64xi32, #tpu.memory_space<vmem>>, vector<16xi32>,
    tpu.vector_store %arg7[%swap3A_584], %gather3A_583 {strides = array<i32>} : memref<64xi32, #tpu.memory_space<vmem>>, vector<16xi32>,
    %dma_start3A_586 = arith.constant 0 : i32
    %dma_start3A_587 = arith.constant 0 : i32
    %dma_start3A_588 = tpu.memref_slice %arg3[%dma_start3A_586, %dma_start3A_587] : memref<32768x768xf32, #tpu.memory_space<hbm>> -> memref<32768x768xf32, #tpu.memory_space<hbm>>
    tpu.enqueue_indirect_dma source(%dma_start3A_588 : memref<32768x768xf32, #tpu.memory_space<hbm>>) target(%arg8 : memref<64x768xf32, #tpu.memory_space<vmem>>) offsets(%arg7 : memref<64xi32, #tpu.memory_space<vmem>>) semaphore(%arg9 : memref<!tpu.dma_semaphore, #tpu.memory_space<semaphore_mem>>)
    %dma_wait3A_589 = arith.constant 0 : i32
    %dma_wait3A_590 = arith.constant 0 : i32
    %dma_wait3A_591 = tpu.memref_slice %arg3[%dma_wait3A_589, %dma_wait3A_590] : memref<32768x768xf32, #tpu.memory_space<hbm>> -> memref<32768x768xf32, #tpu.memory_space<hbm>>
    tpu.wait_indirect_dma semaphore(%arg9 : memref<!tpu.dma_semaphore, #tpu.memory_space<semaphore_mem>>) src(%dma_wait3A_591 : memref<32768x768xf32, #tpu.memory_space<hbm>>) dst(%arg8 : memref<64x768xf32, #tpu.memory_space<vmem>>)
    "tpu.region"() ({
      %run_scoped3A = tpu.sem_alloc : memref<!tpu.dma_semaphore, #tpu.memory_space<semaphore_mem>>
      %dma_start3A_1992 = arith.constant 0 : i32
      %dma_start3A_1993 = tpu.memref_slice %arg4[%min3A_397, %dma_start3A_1992] : memref<19680x768xf32, #tpu.memory_space<hbm>> -> memref<64x768xf32, #tpu.memory_space<hbm>>
      %dma_start3A_1994 = arith.constant 0 : i32
      %dma_start3A_1995 = tpu.memref_slice %arg4[%min3A_397, %dma_start3A_1994] : memref<19680x768xf32, #tpu.memory_space<hbm>> -> memref<64x768xf32, #tpu.memory_space<hbm>>
      tpu.enqueue_dma source(%arg8 : memref<64x768xf32, #tpu.memory_space<vmem>>) target(%dma_start3A_1995 : memref<64x768xf32, #tpu.memory_space<hbm>>) target_semaphore(%run_scoped3A : memref<!tpu.dma_semaphore, #tpu.memory_space<semaphore_mem>>)
      %dma_wait3A_1996 = arith.constant 0 : i32
      %dma_wait3A_1997 = tpu.memref_slice %arg4[%min3A_397, %dma_wait3A_1996] : memref<19680x768xf32, #tpu.memory_space<hbm>> -> memref<64x768xf32, #tpu.memory_space<hbm>>
      %dma_wait3A_1998 = arith.constant 0 : i32
      %dma_wait3A_1999 = tpu.memref_slice %arg4[%min3A_397, %dma_wait3A_1998] : memref<19680x768xf32, #tpu.memory_space<hbm>> -> memref<64x768xf32, #tpu.memory_space<hbm>>
      tpu.wait_dma2 semaphore(%run_scoped3A : memref<!tpu.dma_semaphore, #tpu.memory_space<semaphore_mem>>) src(%arg8 : memref<64x768xf32, #tpu.memory_space<vmem>>) dst(%dma_wait3A_1999 : memref<64x768xf32, #tpu.memory_space<hbm>>)
      tpu.yield
    }) : () -> ()
    %add3A_592 = arith.constant 96 : i32
    %add3A_593 = arith.addi %add3A, %add3A_592 : i32
    %mul3A_594 = arith.constant 64 : i32
    %mul3A_595 = arith.muli %add3A_593, %mul3A_594 : i32
    %min3A_596 = arith.constant 19616 : i32
    %min3A_597 = arith.minsi %mul3A_595, %min3A_596 : i32
    %iota3A_598 = tpu.iota {dimensions = array<i32: 0>} : vector<16xi32>
    %add3A_599 = arith.constant 0 : i32
    %add3A_600 = arith.addi %min3A_597, %add3A_599 : i32
    %add3A_601 = vector.broadcast %add3A_600 : i32 to vector<16xi32>
    %add3A_602 = arith.addi %iota3A_598, %add3A_601 : vector<16xi32>
    %jit3A_603 = arith.constant 4920 : i32
    %div3A_604 = vector.broadcast %jit3A_603 : i32 to vector<16xi32>
    %div3A_605 = arith.divsi %add3A_602, %div3A_604 : vector<16xi32>
    %sign3A_606 = arith.constant 0 : i32
    %sign3A_607 = vector.broadcast %sign3A_606 : i32 to vector<16xi32>
    %sign3A_608 = arith.cmpi sgt, %add3A_602, %sign3A_607 : vector<16xi32>
    %sign3A_609 = arith.extui %sign3A_608 : vector<16xi1> to vector<16xi32>
    %sign3A_610 = arith.constant 0 : i32
    %sign3A_611 = vector.broadcast %sign3A_610 : i32 to vector<16xi32>
    %sign3A_612 = arith.cmpi slt, %add3A_602, %sign3A_611 : vector<16xi32>
    %sign3A_613 = arith.extui %sign3A_612 : vector<16xi1> to vector<16xi32>
    %sign3A_614 = arith.subi %sign3A_609, %sign3A_613 : vector<16xi32>
    %sign3A_615 = arith.constant 0 : i32
    %sign3A_616 = arith.cmpi sgt, %jit3A_603, %sign3A_615 : i32
    %sign3A_617 = arith.extui %sign3A_616 : i1 to i32
    %sign3A_618 = arith.constant 0 : i32
    %sign3A_619 = arith.cmpi slt, %jit3A_603, %sign3A_618 : i32
    %sign3A_620 = arith.extui %sign3A_619 : i1 to i32
    %sign3A_621 = arith.subi %sign3A_617, %sign3A_620 : i32
    %ne3A_622 = vector.broadcast %sign3A_621 : i32 to vector<16xi32>
    %ne3A_623 = arith.cmpi ne, %sign3A_614, %ne3A_622 : vector<16xi32>
    %rem3A_624 = vector.broadcast %jit3A_603 : i32 to vector<16xi32>
    %rem3A_625 = arith.remsi %add3A_602, %rem3A_624 : vector<16xi32>
    %ne3A_626 = arith.constant 0 : i32
    %ne3A_627 = vector.broadcast %ne3A_626 : i32 to vector<16xi32>
    %ne3A_628 = arith.cmpi ne, %rem3A_625, %ne3A_627 : vector<16xi32>
    %and3A_629 = arith.andi %ne3A_623, %ne3A_628 : vector<16xi1>
    %sub3A_630 = arith.constant 1 : i32
    %sub3A_631 = vector.broadcast %sub3A_630 : i32 to vector<16xi32>
    %sub3A_632 = arith.subi %div3A_605, %sub3A_631 : vector<16xi32>
    %select_n3A_633 = arith.select %and3A_629, %sub3A_632, %div3A_605 : vector<16xi1>, vector<16xi32>
    %mul3A_634 = arith.constant 4920 : i32
    %mul3A_635 = vector.broadcast %mul3A_634 : i32 to vector<16xi32>
    %mul3A_636 = arith.muli %select_n3A_633, %mul3A_635 : vector<16xi32>
    %sub3A_637 = arith.subi %add3A_602, %mul3A_636 : vector<16xi32>
    %mul3A_638 = arith.constant 8192 : i32
    %mul3A_639 = vector.broadcast %mul3A_638 : i32 to vector<16xi32>
    %mul3A_640 = arith.muli %select_n3A_633, %mul3A_639 : vector<16xi32>
    %add3A_641 = arith.addi %sub3A_637, %mul3A_640 : vector<16xi32>
    %gather3A_642 = tpu.vector_load_idx %arg6[%add3A_641] : memref<32768xi32, #tpu.memory_space<vmem>>[vector<16xi32>], vector<16xi32>,
    %swap3A_643 = arith.constant 0 : index
    %swap3A_644 = tpu.vector_load %arg7[%swap3A_643] {strides = array<i32>} : memref<64xi32, #tpu.memory_space<vmem>>, vector<16xi32>,
    tpu.vector_store %arg7[%swap3A_643], %gather3A_642 {strides = array<i32>} : memref<64xi32, #tpu.memory_space<vmem>>, vector<16xi32>,
    %iota3A_645 = tpu.iota {dimensions = array<i32: 0>} : vector<16xi32>
    %add3A_646 = arith.constant 16 : i32
    %add3A_647 = arith.addi %min3A_597, %add3A_646 : i32
    %add3A_648 = vector.broadcast %add3A_647 : i32 to vector<16xi32>
    %add3A_649 = arith.addi %iota3A_645, %add3A_648 : vector<16xi32>
    %jit3A_650 = arith.constant 4920 : i32
    %div3A_651 = vector.broadcast %jit3A_650 : i32 to vector<16xi32>
    %div3A_652 = arith.divsi %add3A_649, %div3A_651 : vector<16xi32>
    %sign3A_653 = arith.constant 0 : i32
    %sign3A_654 = vector.broadcast %sign3A_653 : i32 to vector<16xi32>
    %sign3A_655 = arith.cmpi sgt, %add3A_649, %sign3A_654 : vector<16xi32>
    %sign3A_656 = arith.extui %sign3A_655 : vector<16xi1> to vector<16xi32>
    %sign3A_657 = arith.constant 0 : i32
    %sign3A_658 = vector.broadcast %sign3A_657 : i32 to vector<16xi32>
    %sign3A_659 = arith.cmpi slt, %add3A_649, %sign3A_658 : vector<16xi32>
    %sign3A_660 = arith.extui %sign3A_659 : vector<16xi1> to vector<16xi32>
    %sign3A_661 = arith.subi %sign3A_656, %sign3A_660 : vector<16xi32>
    %sign3A_662 = arith.constant 0 : i32
    %sign3A_663 = arith.cmpi sgt, %jit3A_650, %sign3A_662 : i32
    %sign3A_664 = arith.extui %sign3A_663 : i1 to i32
    %sign3A_665 = arith.constant 0 : i32
    %sign3A_666 = arith.cmpi slt, %jit3A_650, %sign3A_665 : i32
    %sign3A_667 = arith.extui %sign3A_666 : i1 to i32
    %sign3A_668 = arith.subi %sign3A_664, %sign3A_667 : i32
    %ne3A_669 = vector.broadcast %sign3A_668 : i32 to vector<16xi32>
    %ne3A_670 = arith.cmpi ne, %sign3A_661, %ne3A_669 : vector<16xi32>
    %rem3A_671 = vector.broadcast %jit3A_650 : i32 to vector<16xi32>
    %rem3A_672 = arith.remsi %add3A_649, %rem3A_671 : vector<16xi32>
    %ne3A_673 = arith.constant 0 : i32
    %ne3A_674 = vector.broadcast %ne3A_673 : i32 to vector<16xi32>
    %ne3A_675 = arith.cmpi ne, %rem3A_672, %ne3A_674 : vector<16xi32>
    %and3A_676 = arith.andi %ne3A_670, %ne3A_675 : vector<16xi1>
    %sub3A_677 = arith.constant 1 : i32
    %sub3A_678 = vector.broadcast %sub3A_677 : i32 to vector<16xi32>
    %sub3A_679 = arith.subi %div3A_652, %sub3A_678 : vector<16xi32>
    %select_n3A_680 = arith.select %and3A_676, %sub3A_679, %div3A_652 : vector<16xi1>, vector<16xi32>
    %mul3A_681 = arith.constant 4920 : i32
    %mul3A_682 = vector.broadcast %mul3A_681 : i32 to vector<16xi32>
    %mul3A_683 = arith.muli %select_n3A_680, %mul3A_682 : vector<16xi32>
    %sub3A_684 = arith.subi %add3A_649, %mul3A_683 : vector<16xi32>
    %mul3A_685 = arith.constant 8192 : i32
    %mul3A_686 = vector.broadcast %mul3A_685 : i32 to vector<16xi32>
    %mul3A_687 = arith.muli %select_n3A_680, %mul3A_686 : vector<16xi32>
    %add3A_688 = arith.addi %sub3A_684, %mul3A_687 : vector<16xi32>
    %gather3A_689 = tpu.vector_load_idx %arg6[%add3A_688] : memref<32768xi32, #tpu.memory_space<vmem>>[vector<16xi32>], vector<16xi32>,
    %swap3A_690 = arith.constant 16 : index
    %swap3A_691 = tpu.vector_load %arg7[%swap3A_690] {strides = array<i32>} : memref<64xi32, #tpu.memory_space<vmem>>, vector<16xi32>,
    tpu.vector_store %arg7[%swap3A_690], %gather3A_689 {strides = array<i32>} : memref<64xi32, #tpu.memory_space<vmem>>, vector<16xi32>,
    %iota3A_692 = tpu.iota {dimensions = array<i32: 0>} : vector<16xi32>
    %add3A_693 = arith.constant 32 : i32
    %add3A_694 = arith.addi %min3A_597, %add3A_693 : i32
    %add3A_695 = vector.broadcast %add3A_694 : i32 to vector<16xi32>
    %add3A_696 = arith.addi %iota3A_692, %add3A_695 : vector<16xi32>
    %jit3A_697 = arith.constant 4920 : i32
    %div3A_698 = vector.broadcast %jit3A_697 : i32 to vector<16xi32>
    %div3A_699 = arith.divsi %add3A_696, %div3A_698 : vector<16xi32>
    %sign3A_700 = arith.constant 0 : i32
    %sign3A_701 = vector.broadcast %sign3A_700 : i32 to vector<16xi32>
    %sign3A_702 = arith.cmpi sgt, %add3A_696, %sign3A_701 : vector<16xi32>
    %sign3A_703 = arith.extui %sign3A_702 : vector<16xi1> to vector<16xi32>
    %sign3A_704 = arith.constant 0 : i32
    %sign3A_705 = vector.broadcast %sign3A_704 : i32 to vector<16xi32>
    %sign3A_706 = arith.cmpi slt, %add3A_696, %sign3A_705 : vector<16xi32>
    %sign3A_707 = arith.extui %sign3A_706 : vector<16xi1> to vector<16xi32>
    %sign3A_708 = arith.subi %sign3A_703, %sign3A_707 : vector<16xi32>
    %sign3A_709 = arith.constant 0 : i32
    %sign3A_710 = arith.cmpi sgt, %jit3A_697, %sign3A_709 : i32
    %sign3A_711 = arith.extui %sign3A_710 : i1 to i32
    %sign3A_712 = arith.constant 0 : i32
    %sign3A_713 = arith.cmpi slt, %jit3A_697, %sign3A_712 : i32
    %sign3A_714 = arith.extui %sign3A_713 : i1 to i32
    %sign3A_715 = arith.subi %sign3A_711, %sign3A_714 : i32
    %ne3A_716 = vector.broadcast %sign3A_715 : i32 to vector<16xi32>
    %ne3A_717 = arith.cmpi ne, %sign3A_708, %ne3A_716 : vector<16xi32>
    %rem3A_718 = vector.broadcast %jit3A_697 : i32 to vector<16xi32>
    %rem3A_719 = arith.remsi %add3A_696, %rem3A_718 : vector<16xi32>
    %ne3A_720 = arith.constant 0 : i32
    %ne3A_721 = vector.broadcast %ne3A_720 : i32 to vector<16xi32>
    %ne3A_722 = arith.cmpi ne, %rem3A_719, %ne3A_721 : vector<16xi32>
    %and3A_723 = arith.andi %ne3A_717, %ne3A_722 : vector<16xi1>
    %sub3A_724 = arith.constant 1 : i32
    %sub3A_725 = vector.broadcast %sub3A_724 : i32 to vector<16xi32>
    %sub3A_726 = arith.subi %div3A_699, %sub3A_725 : vector<16xi32>
    %select_n3A_727 = arith.select %and3A_723, %sub3A_726, %div3A_699 : vector<16xi1>, vector<16xi32>
    %mul3A_728 = arith.constant 4920 : i32
    %mul3A_729 = vector.broadcast %mul3A_728 : i32 to vector<16xi32>
    %mul3A_730 = arith.muli %select_n3A_727, %mul3A_729 : vector<16xi32>
    %sub3A_731 = arith.subi %add3A_696, %mul3A_730 : vector<16xi32>
    %mul3A_732 = arith.constant 8192 : i32
    %mul3A_733 = vector.broadcast %mul3A_732 : i32 to vector<16xi32>
    %mul3A_734 = arith.muli %select_n3A_727, %mul3A_733 : vector<16xi32>
    %add3A_735 = arith.addi %sub3A_731, %mul3A_734 : vector<16xi32>
    %gather3A_736 = tpu.vector_load_idx %arg6[%add3A_735] : memref<32768xi32, #tpu.memory_space<vmem>>[vector<16xi32>], vector<16xi32>,
    %swap3A_737 = arith.constant 32 : index
    %swap3A_738 = tpu.vector_load %arg7[%swap3A_737] {strides = array<i32>} : memref<64xi32, #tpu.memory_space<vmem>>, vector<16xi32>,
    tpu.vector_store %arg7[%swap3A_737], %gather3A_736 {strides = array<i32>} : memref<64xi32, #tpu.memory_space<vmem>>, vector<16xi32>,
    %iota3A_739 = tpu.iota {dimensions = array<i32: 0>} : vector<16xi32>
    %add3A_740 = arith.constant 48 : i32
    %add3A_741 = arith.addi %min3A_597, %add3A_740 : i32
    %add3A_742 = vector.broadcast %add3A_741 : i32 to vector<16xi32>
    %add3A_743 = arith.addi %iota3A_739, %add3A_742 : vector<16xi32>
    %jit3A_744 = arith.constant 4920 : i32
    %div3A_745 = vector.broadcast %jit3A_744 : i32 to vector<16xi32>
    %div3A_746 = arith.divsi %add3A_743, %div3A_745 : vector<16xi32>
    %sign3A_747 = arith.constant 0 : i32
    %sign3A_748 = vector.broadcast %sign3A_747 : i32 to vector<16xi32>
    %sign3A_749 = arith.cmpi sgt, %add3A_743, %sign3A_748 : vector<16xi32>
    %sign3A_750 = arith.extui %sign3A_749 : vector<16xi1> to vector<16xi32>
    %sign3A_751 = arith.constant 0 : i32
    %sign3A_752 = vector.broadcast %sign3A_751 : i32 to vector<16xi32>
    %sign3A_753 = arith.cmpi slt, %add3A_743, %sign3A_752 : vector<16xi32>
    %sign3A_754 = arith.extui %sign3A_753 : vector<16xi1> to vector<16xi32>
    %sign3A_755 = arith.subi %sign3A_750, %sign3A_754 : vector<16xi32>
    %sign3A_756 = arith.constant 0 : i32
    %sign3A_757 = arith.cmpi sgt, %jit3A_744, %sign3A_756 : i32
    %sign3A_758 = arith.extui %sign3A_757 : i1 to i32
    %sign3A_759 = arith.constant 0 : i32
    %sign3A_760 = arith.cmpi slt, %jit3A_744, %sign3A_759 : i32
    %sign3A_761 = arith.extui %sign3A_760 : i1 to i32
    %sign3A_762 = arith.subi %sign3A_758, %sign3A_761 : i32
    %ne3A_763 = vector.broadcast %sign3A_762 : i32 to vector<16xi32>
    %ne3A_764 = arith.cmpi ne, %sign3A_755, %ne3A_763 : vector<16xi32>
    %rem3A_765 = vector.broadcast %jit3A_744 : i32 to vector<16xi32>
    %rem3A_766 = arith.remsi %add3A_743, %rem3A_765 : vector<16xi32>
    %ne3A_767 = arith.constant 0 : i32
    %ne3A_768 = vector.broadcast %ne3A_767 : i32 to vector<16xi32>
    %ne3A_769 = arith.cmpi ne, %rem3A_766, %ne3A_768 : vector<16xi32>
    %and3A_770 = arith.andi %ne3A_764, %ne3A_769 : vector<16xi1>
    %sub3A_771 = arith.constant 1 : i32
    %sub3A_772 = vector.broadcast %sub3A_771 : i32 to vector<16xi32>
    %sub3A_773 = arith.subi %div3A_746, %sub3A_772 : vector<16xi32>
    %select_n3A_774 = arith.select %and3A_770, %sub3A_773, %div3A_746 : vector<16xi1>, vector<16xi32>
    %mul3A_775 = arith.constant 4920 : i32
    %mul3A_776 = vector.broadcast %mul3A_775 : i32 to vector<16xi32>
    %mul3A_777 = arith.muli %select_n3A_774, %mul3A_776 : vector<16xi32>
    %sub3A_778 = arith.subi %add3A_743, %mul3A_777 : vector<16xi32>
    %mul3A_779 = arith.constant 8192 : i32
    %mul3A_780 = vector.broadcast %mul3A_779 : i32 to vector<16xi32>
    %mul3A_781 = arith.muli %select_n3A_774, %mul3A_780 : vector<16xi32>
    %add3A_782 = arith.addi %sub3A_778, %mul3A_781 : vector<16xi32>
    %gather3A_783 = tpu.vector_load_idx %arg6[%add3A_782] : memref<32768xi32, #tpu.memory_space<vmem>>[vector<16xi32>], vector<16xi32>,
    %swap3A_784 = arith.constant 48 : index
    %swap3A_785 = tpu.vector_load %arg7[%swap3A_784] {strides = array<i32>} : memref<64xi32, #tpu.memory_space<vmem>>, vector<16xi32>,
    tpu.vector_store %arg7[%swap3A_784], %gather3A_783 {strides = array<i32>} : memref<64xi32, #tpu.memory_space<vmem>>, vector<16xi32>,
    %dma_start3A_786 = arith.constant 0 : i32
    %dma_start3A_787 = arith.constant 0 : i32
    %dma_start3A_788 = tpu.memref_slice %arg3[%dma_start3A_786, %dma_start3A_787] : memref<32768x768xf32, #tpu.memory_space<hbm>> -> memref<32768x768xf32, #tpu.memory_space<hbm>>
    tpu.enqueue_indirect_dma source(%dma_start3A_788 : memref<32768x768xf32, #tpu.memory_space<hbm>>) target(%arg8 : memref<64x768xf32, #tpu.memory_space<vmem>>) offsets(%arg7 : memref<64xi32, #tpu.memory_space<vmem>>) semaphore(%arg9 : memref<!tpu.dma_semaphore, #tpu.memory_space<semaphore_mem>>)
    %dma_wait3A_789 = arith.constant 0 : i32
    %dma_wait3A_790 = arith.constant 0 : i32
    %dma_wait3A_791 = tpu.memref_slice %arg3[%dma_wait3A_789, %dma_wait3A_790] : memref<32768x768xf32, #tpu.memory_space<hbm>> -> memref<32768x768xf32, #tpu.memory_space<hbm>>
    tpu.wait_indirect_dma semaphore(%arg9 : memref<!tpu.dma_semaphore, #tpu.memory_space<semaphore_mem>>) src(%dma_wait3A_791 : memref<32768x768xf32, #tpu.memory_space<hbm>>) dst(%arg8 : memref<64x768xf32, #tpu.memory_space<vmem>>)
    "tpu.region"() ({
      %run_scoped3A = tpu.sem_alloc : memref<!tpu.dma_semaphore, #tpu.memory_space<semaphore_mem>>
      %dma_start3A_1992 = arith.constant 0 : i32
      %dma_start3A_1993 = tpu.memref_slice %arg4[%min3A_597, %dma_start3A_1992] : memref<19680x768xf32, #tpu.memory_space<hbm>> -> memref<64x768xf32, #tpu.memory_space<hbm>>
      %dma_start3A_1994 = arith.constant 0 : i32
      %dma_start3A_1995 = tpu.memref_slice %arg4[%min3A_597, %dma_start3A_1994] : memref<19680x768xf32, #tpu.memory_space<hbm>> -> memref<64x768xf32, #tpu.memory_space<hbm>>
      tpu.enqueue_dma source(%arg8 : memref<64x768xf32, #tpu.memory_space<vmem>>) target(%dma_start3A_1995 : memref<64x768xf32, #tpu.memory_space<hbm>>) target_semaphore(%run_scoped3A : memref<!tpu.dma_semaphore, #tpu.memory_space<semaphore_mem>>)
      %dma_wait3A_1996 = arith.constant 0 : i32
      %dma_wait3A_1997 = tpu.memref_slice %arg4[%min3A_597, %dma_wait3A_1996] : memref<19680x768xf32, #tpu.memory_space<hbm>> -> memref<64x768xf32, #tpu.memory_space<hbm>>
      %dma_wait3A_1998 = arith.constant 0 : i32
      %dma_wait3A_1999 = tpu.memref_slice %arg4[%min3A_597, %dma_wait3A_1998] : memref<19680x768xf32, #tpu.memory_space<hbm>> -> memref<64x768xf32, #tpu.memory_space<hbm>>
      tpu.wait_dma2 semaphore(%run_scoped3A : memref<!tpu.dma_semaphore, #tpu.memory_space<semaphore_mem>>) src(%arg8 : memref<64x768xf32, #tpu.memory_space<vmem>>) dst(%dma_wait3A_1999 : memref<64x768xf32, #tpu.memory_space<hbm>>)
      tpu.yield
    }) : () -> ()
    %add3A_792 = arith.constant 128 : i32
    %add3A_793 = arith.addi %add3A, %add3A_792 : i32
    %mul3A_794 = arith.constant 64 : i32
    %mul3A_795 = arith.muli %add3A_793, %mul3A_794 : i32
    %min3A_796 = arith.constant 19616 : i32
    %min3A_797 = arith.minsi %mul3A_795, %min3A_796 : i32
    %iota3A_798 = tpu.iota {dimensions = array<i32: 0>} : vector<16xi32>
    %add3A_799 = arith.constant 0 : i32
    %add3A_800 = arith.addi %min3A_797, %add3A_799 : i32
    %add3A_801 = vector.broadcast %add3A_800 : i32 to vector<16xi32>
    %add3A_802 = arith.addi %iota3A_798, %add3A_801 : vector<16xi32>
    %jit3A_803 = arith.constant 4920 : i32
    %div3A_804 = vector.broadcast %jit3A_803 : i32 to vector<16xi32>
    %div3A_805 = arith.divsi %add3A_802, %div3A_804 : vector<16xi32>
    %sign3A_806 = arith.constant 0 : i32
    %sign3A_807 = vector.broadcast %sign3A_806 : i32 to vector<16xi32>
    %sign3A_808 = arith.cmpi sgt, %add3A_802, %sign3A_807 : vector<16xi32>
    %sign3A_809 = arith.extui %sign3A_808 : vector<16xi1> to vector<16xi32>
    %sign3A_810 = arith.constant 0 : i32
    %sign3A_811 = vector.broadcast %sign3A_810 : i32 to vector<16xi32>
    %sign3A_812 = arith.cmpi slt, %add3A_802, %sign3A_811 : vector<16xi32>
    %sign3A_813 = arith.extui %sign3A_812 : vector<16xi1> to vector<16xi32>
    %sign3A_814 = arith.subi %sign3A_809, %sign3A_813 : vector<16xi32>
    %sign3A_815 = arith.constant 0 : i32
    %sign3A_816 = arith.cmpi sgt, %jit3A_803, %sign3A_815 : i32
    %sign3A_817 = arith.extui %sign3A_816 : i1 to i32
    %sign3A_818 = arith.constant 0 : i32
    %sign3A_819 = arith.cmpi slt, %jit3A_803, %sign3A_818 : i32
    %sign3A_820 = arith.extui %sign3A_819 : i1 to i32
    %sign3A_821 = arith.subi %sign3A_817, %sign3A_820 : i32
    %ne3A_822 = vector.broadcast %sign3A_821 : i32 to vector<16xi32>
    %ne3A_823 = arith.cmpi ne, %sign3A_814, %ne3A_822 : vector<16xi32>
    %rem3A_824 = vector.broadcast %jit3A_803 : i32 to vector<16xi32>
    %rem3A_825 = arith.remsi %add3A_802, %rem3A_824 : vector<16xi32>
    %ne3A_826 = arith.constant 0 : i32
    %ne3A_827 = vector.broadcast %ne3A_826 : i32 to vector<16xi32>
    %ne3A_828 = arith.cmpi ne, %rem3A_825, %ne3A_827 : vector<16xi32>
    %and3A_829 = arith.andi %ne3A_823, %ne3A_828 : vector<16xi1>
    %sub3A_830 = arith.constant 1 : i32
    %sub3A_831 = vector.broadcast %sub3A_830 : i32 to vector<16xi32>
    %sub3A_832 = arith.subi %div3A_805, %sub3A_831 : vector<16xi32>
    %select_n3A_833 = arith.select %and3A_829, %sub3A_832, %div3A_805 : vector<16xi1>, vector<16xi32>
    %mul3A_834 = arith.constant 4920 : i32
    %mul3A_835 = vector.broadcast %mul3A_834 : i32 to vector<16xi32>
    %mul3A_836 = arith.muli %select_n3A_833, %mul3A_835 : vector<16xi32>
    %sub3A_837 = arith.subi %add3A_802, %mul3A_836 : vector<16xi32>
    %mul3A_838 = arith.constant 8192 : i32
    %mul3A_839 = vector.broadcast %mul3A_838 : i32 to vector<16xi32>
    %mul3A_840 = arith.muli %select_n3A_833, %mul3A_839 : vector<16xi32>
    %add3A_841 = arith.addi %sub3A_837, %mul3A_840 : vector<16xi32>
    %gather3A_842 = tpu.vector_load_idx %arg6[%add3A_841] : memref<32768xi32, #tpu.memory_space<vmem>>[vector<16xi32>], vector<16xi32>,
    %swap3A_843 = arith.constant 0 : index
    %swap3A_844 = tpu.vector_load %arg7[%swap3A_843] {strides = array<i32>} : memref<64xi32, #tpu.memory_space<vmem>>, vector<16xi32>,
    tpu.vector_store %arg7[%swap3A_843], %gather3A_842 {strides = array<i32>} : memref<64xi32, #tpu.memory_space<vmem>>, vector<16xi32>,
    %iota3A_845 = tpu.iota {dimensions = array<i32: 0>} : vector<16xi32>
    %add3A_846 = arith.constant 16 : i32
    %add3A_847 = arith.addi %min3A_797, %add3A_846 : i32
    %add3A_848 = vector.broadcast %add3A_847 : i32 to vector<16xi32>
    %add3A_849 = arith.addi %iota3A_845, %add3A_848 : vector<16xi32>
    %jit3A_850 = arith.constant 4920 : i32
    %div3A_851 = vector.broadcast %jit3A_850 : i32 to vector<16xi32>
    %div3A_852 = arith.divsi %add3A_849, %div3A_851 : vector<16xi32>
    %sign3A_853 = arith.constant 0 : i32
    %sign3A_854 = vector.broadcast %sign3A_853 : i32 to vector<16xi32>
    %sign3A_855 = arith.cmpi sgt, %add3A_849, %sign3A_854 : vector<16xi32>
    %sign3A_856 = arith.extui %sign3A_855 : vector<16xi1> to vector<16xi32>
    %sign3A_857 = arith.constant 0 : i32
    %sign3A_858 = vector.broadcast %sign3A_857 : i32 to vector<16xi32>
    %sign3A_859 = arith.cmpi slt, %add3A_849, %sign3A_858 : vector<16xi32>
    %sign3A_860 = arith.extui %sign3A_859 : vector<16xi1> to vector<16xi32>
    %sign3A_861 = arith.subi %sign3A_856, %sign3A_860 : vector<16xi32>
    %sign3A_862 = arith.constant 0 : i32
    %sign3A_863 = arith.cmpi sgt, %jit3A_850, %sign3A_862 : i32
    %sign3A_864 = arith.extui %sign3A_863 : i1 to i32
    %sign3A_865 = arith.constant 0 : i32
    %sign3A_866 = arith.cmpi slt, %jit3A_850, %sign3A_865 : i32
    %sign3A_867 = arith.extui %sign3A_866 : i1 to i32
    %sign3A_868 = arith.subi %sign3A_864, %sign3A_867 : i32
    %ne3A_869 = vector.broadcast %sign3A_868 : i32 to vector<16xi32>
    %ne3A_870 = arith.cmpi ne, %sign3A_861, %ne3A_869 : vector<16xi32>
    %rem3A_871 = vector.broadcast %jit3A_850 : i32 to vector<16xi32>
    %rem3A_872 = arith.remsi %add3A_849, %rem3A_871 : vector<16xi32>
    %ne3A_873 = arith.constant 0 : i32
    %ne3A_874 = vector.broadcast %ne3A_873 : i32 to vector<16xi32>
    %ne3A_875 = arith.cmpi ne, %rem3A_872, %ne3A_874 : vector<16xi32>
    %and3A_876 = arith.andi %ne3A_870, %ne3A_875 : vector<16xi1>
    %sub3A_877 = arith.constant 1 : i32
    %sub3A_878 = vector.broadcast %sub3A_877 : i32 to vector<16xi32>
    %sub3A_879 = arith.subi %div3A_852, %sub3A_878 : vector<16xi32>
    %select_n3A_880 = arith.select %and3A_876, %sub3A_879, %div3A_852 : vector<16xi1>, vector<16xi32>
    %mul3A_881 = arith.constant 4920 : i32
    %mul3A_882 = vector.broadcast %mul3A_881 : i32 to vector<16xi32>
    %mul3A_883 = arith.muli %select_n3A_880, %mul3A_882 : vector<16xi32>
    %sub3A_884 = arith.subi %add3A_849, %mul3A_883 : vector<16xi32>
    %mul3A_885 = arith.constant 8192 : i32
    %mul3A_886 = vector.broadcast %mul3A_885 : i32 to vector<16xi32>
    %mul3A_887 = arith.muli %select_n3A_880, %mul3A_886 : vector<16xi32>
    %add3A_888 = arith.addi %sub3A_884, %mul3A_887 : vector<16xi32>
    %gather3A_889 = tpu.vector_load_idx %arg6[%add3A_888] : memref<32768xi32, #tpu.memory_space<vmem>>[vector<16xi32>], vector<16xi32>,
    %swap3A_890 = arith.constant 16 : index
    %swap3A_891 = tpu.vector_load %arg7[%swap3A_890] {strides = array<i32>} : memref<64xi32, #tpu.memory_space<vmem>>, vector<16xi32>,
    tpu.vector_store %arg7[%swap3A_890], %gather3A_889 {strides = array<i32>} : memref<64xi32, #tpu.memory_space<vmem>>, vector<16xi32>,
    %iota3A_892 = tpu.iota {dimensions = array<i32: 0>} : vector<16xi32>
    %add3A_893 = arith.constant 32 : i32
    %add3A_894 = arith.addi %min3A_797, %add3A_893 : i32
    %add3A_895 = vector.broadcast %add3A_894 : i32 to vector<16xi32>
    %add3A_896 = arith.addi %iota3A_892, %add3A_895 : vector<16xi32>
    %jit3A_897 = arith.constant 4920 : i32
    %div3A_898 = vector.broadcast %jit3A_897 : i32 to vector<16xi32>
    %div3A_899 = arith.divsi %add3A_896, %div3A_898 : vector<16xi32>
    %sign3A_900 = arith.constant 0 : i32
    %sign3A_901 = vector.broadcast %sign3A_900 : i32 to vector<16xi32>
    %sign3A_902 = arith.cmpi sgt, %add3A_896, %sign3A_901 : vector<16xi32>
    %sign3A_903 = arith.extui %sign3A_902 : vector<16xi1> to vector<16xi32>
    %sign3A_904 = arith.constant 0 : i32
    %sign3A_905 = vector.broadcast %sign3A_904 : i32 to vector<16xi32>
    %sign3A_906 = arith.cmpi slt, %add3A_896, %sign3A_905 : vector<16xi32>
    %sign3A_907 = arith.extui %sign3A_906 : vector<16xi1> to vector<16xi32>
    %sign3A_908 = arith.subi %sign3A_903, %sign3A_907 : vector<16xi32>
    %sign3A_909 = arith.constant 0 : i32
    %sign3A_910 = arith.cmpi sgt, %jit3A_897, %sign3A_909 : i32
    %sign3A_911 = arith.extui %sign3A_910 : i1 to i32
    %sign3A_912 = arith.constant 0 : i32
    %sign3A_913 = arith.cmpi slt, %jit3A_897, %sign3A_912 : i32
    %sign3A_914 = arith.extui %sign3A_913 : i1 to i32
    %sign3A_915 = arith.subi %sign3A_911, %sign3A_914 : i32
    %ne3A_916 = vector.broadcast %sign3A_915 : i32 to vector<16xi32>
    %ne3A_917 = arith.cmpi ne, %sign3A_908, %ne3A_916 : vector<16xi32>
    %rem3A_918 = vector.broadcast %jit3A_897 : i32 to vector<16xi32>
    %rem3A_919 = arith.remsi %add3A_896, %rem3A_918 : vector<16xi32>
    %ne3A_920 = arith.constant 0 : i32
    %ne3A_921 = vector.broadcast %ne3A_920 : i32 to vector<16xi32>
    %ne3A_922 = arith.cmpi ne, %rem3A_919, %ne3A_921 : vector<16xi32>
    %and3A_923 = arith.andi %ne3A_917, %ne3A_922 : vector<16xi1>
    %sub3A_924 = arith.constant 1 : i32
    %sub3A_925 = vector.broadcast %sub3A_924 : i32 to vector<16xi32>
    %sub3A_926 = arith.subi %div3A_899, %sub3A_925 : vector<16xi32>
    %select_n3A_927 = arith.select %and3A_923, %sub3A_926, %div3A_899 : vector<16xi1>, vector<16xi32>
    %mul3A_928 = arith.constant 4920 : i32
    %mul3A_929 = vector.broadcast %mul3A_928 : i32 to vector<16xi32>
    %mul3A_930 = arith.muli %select_n3A_927, %mul3A_929 : vector<16xi32>
    %sub3A_931 = arith.subi %add3A_896, %mul3A_930 : vector<16xi32>
    %mul3A_932 = arith.constant 8192 : i32
    %mul3A_933 = vector.broadcast %mul3A_932 : i32 to vector<16xi32>
    %mul3A_934 = arith.muli %select_n3A_927, %mul3A_933 : vector<16xi32>
    %add3A_935 = arith.addi %sub3A_931, %mul3A_934 : vector<16xi32>
    %gather3A_936 = tpu.vector_load_idx %arg6[%add3A_935] : memref<32768xi32, #tpu.memory_space<vmem>>[vector<16xi32>], vector<16xi32>,
    %swap3A_937 = arith.constant 32 : index
    %swap3A_938 = tpu.vector_load %arg7[%swap3A_937] {strides = array<i32>} : memref<64xi32, #tpu.memory_space<vmem>>, vector<16xi32>,
    tpu.vector_store %arg7[%swap3A_937], %gather3A_936 {strides = array<i32>} : memref<64xi32, #tpu.memory_space<vmem>>, vector<16xi32>,
    %iota3A_939 = tpu.iota {dimensions = array<i32: 0>} : vector<16xi32>
    %add3A_940 = arith.constant 48 : i32
    %add3A_941 = arith.addi %min3A_797, %add3A_940 : i32
    %add3A_942 = vector.broadcast %add3A_941 : i32 to vector<16xi32>
    %add3A_943 = arith.addi %iota3A_939, %add3A_942 : vector<16xi32>
    %jit3A_944 = arith.constant 4920 : i32
    %div3A_945 = vector.broadcast %jit3A_944 : i32 to vector<16xi32>
    %div3A_946 = arith.divsi %add3A_943, %div3A_945 : vector<16xi32>
    %sign3A_947 = arith.constant 0 : i32
    %sign3A_948 = vector.broadcast %sign3A_947 : i32 to vector<16xi32>
    %sign3A_949 = arith.cmpi sgt, %add3A_943, %sign3A_948 : vector<16xi32>
    %sign3A_950 = arith.extui %sign3A_949 : vector<16xi1> to vector<16xi32>
    %sign3A_951 = arith.constant 0 : i32
    %sign3A_952 = vector.broadcast %sign3A_951 : i32 to vector<16xi32>
    %sign3A_953 = arith.cmpi slt, %add3A_943, %sign3A_952 : vector<16xi32>
    %sign3A_954 = arith.extui %sign3A_953 : vector<16xi1> to vector<16xi32>
    %sign3A_955 = arith.subi %sign3A_950, %sign3A_954 : vector<16xi32>
    %sign3A_956 = arith.constant 0 : i32
    %sign3A_957 = arith.cmpi sgt, %jit3A_944, %sign3A_956 : i32
    %sign3A_958 = arith.extui %sign3A_957 : i1 to i32
    %sign3A_959 = arith.constant 0 : i32
    %sign3A_960 = arith.cmpi slt, %jit3A_944, %sign3A_959 : i32
    %sign3A_961 = arith.extui %sign3A_960 : i1 to i32
    %sign3A_962 = arith.subi %sign3A_958, %sign3A_961 : i32
    %ne3A_963 = vector.broadcast %sign3A_962 : i32 to vector<16xi32>
    %ne3A_964 = arith.cmpi ne, %sign3A_955, %ne3A_963 : vector<16xi32>
    %rem3A_965 = vector.broadcast %jit3A_944 : i32 to vector<16xi32>
    %rem3A_966 = arith.remsi %add3A_943, %rem3A_965 : vector<16xi32>
    %ne3A_967 = arith.constant 0 : i32
    %ne3A_968 = vector.broadcast %ne3A_967 : i32 to vector<16xi32>
    %ne3A_969 = arith.cmpi ne, %rem3A_966, %ne3A_968 : vector<16xi32>
    %and3A_970 = arith.andi %ne3A_964, %ne3A_969 : vector<16xi1>
    %sub3A_971 = arith.constant 1 : i32
    %sub3A_972 = vector.broadcast %sub3A_971 : i32 to vector<16xi32>
    %sub3A_973 = arith.subi %div3A_946, %sub3A_972 : vector<16xi32>
    %select_n3A_974 = arith.select %and3A_970, %sub3A_973, %div3A_946 : vector<16xi1>, vector<16xi32>
    %mul3A_975 = arith.constant 4920 : i32
    %mul3A_976 = vector.broadcast %mul3A_975 : i32 to vector<16xi32>
    %mul3A_977 = arith.muli %select_n3A_974, %mul3A_976 : vector<16xi32>
    %sub3A_978 = arith.subi %add3A_943, %mul3A_977 : vector<16xi32>
    %mul3A_979 = arith.constant 8192 : i32
    %mul3A_980 = vector.broadcast %mul3A_979 : i32 to vector<16xi32>
    %mul3A_981 = arith.muli %select_n3A_974, %mul3A_980 : vector<16xi32>
    %add3A_982 = arith.addi %sub3A_978, %mul3A_981 : vector<16xi32>
    %gather3A_983 = tpu.vector_load_idx %arg6[%add3A_982] : memref<32768xi32, #tpu.memory_space<vmem>>[vector<16xi32>], vector<16xi32>,
    %swap3A_984 = arith.constant 48 : index
    %swap3A_985 = tpu.vector_load %arg7[%swap3A_984] {strides = array<i32>} : memref<64xi32, #tpu.memory_space<vmem>>, vector<16xi32>,
    tpu.vector_store %arg7[%swap3A_984], %gather3A_983 {strides = array<i32>} : memref<64xi32, #tpu.memory_space<vmem>>, vector<16xi32>,
    %dma_start3A_986 = arith.constant 0 : i32
    %dma_start3A_987 = arith.constant 0 : i32
    %dma_start3A_988 = tpu.memref_slice %arg3[%dma_start3A_986, %dma_start3A_987] : memref<32768x768xf32, #tpu.memory_space<hbm>> -> memref<32768x768xf32, #tpu.memory_space<hbm>>
    tpu.enqueue_indirect_dma source(%dma_start3A_988 : memref<32768x768xf32, #tpu.memory_space<hbm>>) target(%arg8 : memref<64x768xf32, #tpu.memory_space<vmem>>) offsets(%arg7 : memref<64xi32, #tpu.memory_space<vmem>>) semaphore(%arg9 : memref<!tpu.dma_semaphore, #tpu.memory_space<semaphore_mem>>)
    %dma_wait3A_989 = arith.constant 0 : i32
    %dma_wait3A_990 = arith.constant 0 : i32
    %dma_wait3A_991 = tpu.memref_slice %arg3[%dma_wait3A_989, %dma_wait3A_990] : memref<32768x768xf32, #tpu.memory_space<hbm>> -> memref<32768x768xf32, #tpu.memory_space<hbm>>
    tpu.wait_indirect_dma semaphore(%arg9 : memref<!tpu.dma_semaphore, #tpu.memory_space<semaphore_mem>>) src(%dma_wait3A_991 : memref<32768x768xf32, #tpu.memory_space<hbm>>) dst(%arg8 : memref<64x768xf32, #tpu.memory_space<vmem>>)
    "tpu.region"() ({
      %run_scoped3A = tpu.sem_alloc : memref<!tpu.dma_semaphore, #tpu.memory_space<semaphore_mem>>
      %dma_start3A_1992 = arith.constant 0 : i32
      %dma_start3A_1993 = tpu.memref_slice %arg4[%min3A_797, %dma_start3A_1992] : memref<19680x768xf32, #tpu.memory_space<hbm>> -> memref<64x768xf32, #tpu.memory_space<hbm>>
      %dma_start3A_1994 = arith.constant 0 : i32
      %dma_start3A_1995 = tpu.memref_slice %arg4[%min3A_797, %dma_start3A_1994] : memref<19680x768xf32, #tpu.memory_space<hbm>> -> memref<64x768xf32, #tpu.memory_space<hbm>>
      tpu.enqueue_dma source(%arg8 : memref<64x768xf32, #tpu.memory_space<vmem>>) target(%dma_start3A_1995 : memref<64x768xf32, #tpu.memory_space<hbm>>) target_semaphore(%run_scoped3A : memref<!tpu.dma_semaphore, #tpu.memory_space<semaphore_mem>>)
      %dma_wait3A_1996 = arith.constant 0 : i32
      %dma_wait3A_1997 = tpu.memref_slice %arg4[%min3A_797, %dma_wait3A_1996] : memref<19680x768xf32, #tpu.memory_space<hbm>> -> memref<64x768xf32, #tpu.memory_space<hbm>>
      %dma_wait3A_1998 = arith.constant 0 : i32
      %dma_wait3A_1999 = tpu.memref_slice %arg4[%min3A_797, %dma_wait3A_1998] : memref<19680x768xf32, #tpu.memory_space<hbm>> -> memref<64x768xf32, #tpu.memory_space<hbm>>
      tpu.wait_dma2 semaphore(%run_scoped3A : memref<!tpu.dma_semaphore, #tpu.memory_space<semaphore_mem>>) src(%arg8 : memref<64x768xf32, #tpu.memory_space<vmem>>) dst(%dma_wait3A_1999 : memref<64x768xf32, #tpu.memory_space<hbm>>)
      tpu.yield
    }) : () -> ()
    %add3A_992 = arith.constant 160 : i32
    %add3A_993 = arith.addi %add3A, %add3A_992 : i32
    %mul3A_994 = arith.constant 64 : i32
    %mul3A_995 = arith.muli %add3A_993, %mul3A_994 : i32
    %min3A_996 = arith.constant 19616 : i32
    %min3A_997 = arith.minsi %mul3A_995, %min3A_996 : i32
    %iota3A_998 = tpu.iota {dimensions = array<i32: 0>} : vector<16xi32>
    %add3A_999 = arith.constant 0 : i32
    %add3A_1000 = arith.addi %min3A_997, %add3A_999 : i32
    %add3A_1001 = vector.broadcast %add3A_1000 : i32 to vector<16xi32>
    %add3A_1002 = arith.addi %iota3A_998, %add3A_1001 : vector<16xi32>
    %jit3A_1003 = arith.constant 4920 : i32
    %div3A_1004 = vector.broadcast %jit3A_1003 : i32 to vector<16xi32>
    %div3A_1005 = arith.divsi %add3A_1002, %div3A_1004 : vector<16xi32>
    %sign3A_1006 = arith.constant 0 : i32
    %sign3A_1007 = vector.broadcast %sign3A_1006 : i32 to vector<16xi32>
    %sign3A_1008 = arith.cmpi sgt, %add3A_1002, %sign3A_1007 : vector<16xi32>
    %sign3A_1009 = arith.extui %sign3A_1008 : vector<16xi1> to vector<16xi32>
    %sign3A_1010 = arith.constant 0 : i32
    %sign3A_1011 = vector.broadcast %sign3A_1010 : i32 to vector<16xi32>
    %sign3A_1012 = arith.cmpi slt, %add3A_1002, %sign3A_1011 : vector<16xi32>
    %sign3A_1013 = arith.extui %sign3A_1012 : vector<16xi1> to vector<16xi32>
    %sign3A_1014 = arith.subi %sign3A_1009, %sign3A_1013 : vector<16xi32>
    %sign3A_1015 = arith.constant 0 : i32
    %sign3A_1016 = arith.cmpi sgt, %jit3A_1003, %sign3A_1015 : i32
    %sign3A_1017 = arith.extui %sign3A_1016 : i1 to i32
    %sign3A_1018 = arith.constant 0 : i32
    %sign3A_1019 = arith.cmpi slt, %jit3A_1003, %sign3A_1018 : i32
    %sign3A_1020 = arith.extui %sign3A_1019 : i1 to i32
    %sign3A_1021 = arith.subi %sign3A_1017, %sign3A_1020 : i32
    %ne3A_1022 = vector.broadcast %sign3A_1021 : i32 to vector<16xi32>
    %ne3A_1023 = arith.cmpi ne, %sign3A_1014, %ne3A_1022 : vector<16xi32>
    %rem3A_1024 = vector.broadcast %jit3A_1003 : i32 to vector<16xi32>
    %rem3A_1025 = arith.remsi %add3A_1002, %rem3A_1024 : vector<16xi32>
    %ne3A_1026 = arith.constant 0 : i32
    %ne3A_1027 = vector.broadcast %ne3A_1026 : i32 to vector<16xi32>
    %ne3A_1028 = arith.cmpi ne, %rem3A_1025, %ne3A_1027 : vector<16xi32>
    %and3A_1029 = arith.andi %ne3A_1023, %ne3A_1028 : vector<16xi1>
    %sub3A_1030 = arith.constant 1 : i32
    %sub3A_1031 = vector.broadcast %sub3A_1030 : i32 to vector<16xi32>
    %sub3A_1032 = arith.subi %div3A_1005, %sub3A_1031 : vector<16xi32>
    %select_n3A_1033 = arith.select %and3A_1029, %sub3A_1032, %div3A_1005 : vector<16xi1>, vector<16xi32>
    %mul3A_1034 = arith.constant 4920 : i32
    %mul3A_1035 = vector.broadcast %mul3A_1034 : i32 to vector<16xi32>
    %mul3A_1036 = arith.muli %select_n3A_1033, %mul3A_1035 : vector<16xi32>
    %sub3A_1037 = arith.subi %add3A_1002, %mul3A_1036 : vector<16xi32>
    %mul3A_1038 = arith.constant 8192 : i32
    %mul3A_1039 = vector.broadcast %mul3A_1038 : i32 to vector<16xi32>
    %mul3A_1040 = arith.muli %select_n3A_1033, %mul3A_1039 : vector<16xi32>
    %add3A_1041 = arith.addi %sub3A_1037, %mul3A_1040 : vector<16xi32>
    %gather3A_1042 = tpu.vector_load_idx %arg6[%add3A_1041] : memref<32768xi32, #tpu.memory_space<vmem>>[vector<16xi32>], vector<16xi32>,
    %swap3A_1043 = arith.constant 0 : index
    %swap3A_1044 = tpu.vector_load %arg7[%swap3A_1043] {strides = array<i32>} : memref<64xi32, #tpu.memory_space<vmem>>, vector<16xi32>,
    tpu.vector_store %arg7[%swap3A_1043], %gather3A_1042 {strides = array<i32>} : memref<64xi32, #tpu.memory_space<vmem>>, vector<16xi32>,
    %iota3A_1045 = tpu.iota {dimensions = array<i32: 0>} : vector<16xi32>
    %add3A_1046 = arith.constant 16 : i32
    %add3A_1047 = arith.addi %min3A_997, %add3A_1046 : i32
    %add3A_1048 = vector.broadcast %add3A_1047 : i32 to vector<16xi32>
    %add3A_1049 = arith.addi %iota3A_1045, %add3A_1048 : vector<16xi32>
    %jit3A_1050 = arith.constant 4920 : i32
    %div3A_1051 = vector.broadcast %jit3A_1050 : i32 to vector<16xi32>
    %div3A_1052 = arith.divsi %add3A_1049, %div3A_1051 : vector<16xi32>
    %sign3A_1053 = arith.constant 0 : i32
    %sign3A_1054 = vector.broadcast %sign3A_1053 : i32 to vector<16xi32>
    %sign3A_1055 = arith.cmpi sgt, %add3A_1049, %sign3A_1054 : vector<16xi32>
    %sign3A_1056 = arith.extui %sign3A_1055 : vector<16xi1> to vector<16xi32>
    %sign3A_1057 = arith.constant 0 : i32
    %sign3A_1058 = vector.broadcast %sign3A_1057 : i32 to vector<16xi32>
    %sign3A_1059 = arith.cmpi slt, %add3A_1049, %sign3A_1058 : vector<16xi32>
    %sign3A_1060 = arith.extui %sign3A_1059 : vector<16xi1> to vector<16xi32>
    %sign3A_1061 = arith.subi %sign3A_1056, %sign3A_1060 : vector<16xi32>
    %sign3A_1062 = arith.constant 0 : i32
    %sign3A_1063 = arith.cmpi sgt, %jit3A_1050, %sign3A_1062 : i32
    %sign3A_1064 = arith.extui %sign3A_1063 : i1 to i32
    %sign3A_1065 = arith.constant 0 : i32
    %sign3A_1066 = arith.cmpi slt, %jit3A_1050, %sign3A_1065 : i32
    %sign3A_1067 = arith.extui %sign3A_1066 : i1 to i32
    %sign3A_1068 = arith.subi %sign3A_1064, %sign3A_1067 : i32
    %ne3A_1069 = vector.broadcast %sign3A_1068 : i32 to vector<16xi32>
    %ne3A_1070 = arith.cmpi ne, %sign3A_1061, %ne3A_1069 : vector<16xi32>
    %rem3A_1071 = vector.broadcast %jit3A_1050 : i32 to vector<16xi32>
    %rem3A_1072 = arith.remsi %add3A_1049, %rem3A_1071 : vector<16xi32>
    %ne3A_1073 = arith.constant 0 : i32
    %ne3A_1074 = vector.broadcast %ne3A_1073 : i32 to vector<16xi32>
    %ne3A_1075 = arith.cmpi ne, %rem3A_1072, %ne3A_1074 : vector<16xi32>
    %and3A_1076 = arith.andi %ne3A_1070, %ne3A_1075 : vector<16xi1>
    %sub3A_1077 = arith.constant 1 : i32
    %sub3A_1078 = vector.broadcast %sub3A_1077 : i32 to vector<16xi32>
    %sub3A_1079 = arith.subi %div3A_1052, %sub3A_1078 : vector<16xi32>
    %select_n3A_1080 = arith.select %and3A_1076, %sub3A_1079, %div3A_1052 : vector<16xi1>, vector<16xi32>
    %mul3A_1081 = arith.constant 4920 : i32
    %mul3A_1082 = vector.broadcast %mul3A_1081 : i32 to vector<16xi32>
    %mul3A_1083 = arith.muli %select_n3A_1080, %mul3A_1082 : vector<16xi32>
    %sub3A_1084 = arith.subi %add3A_1049, %mul3A_1083 : vector<16xi32>
    %mul3A_1085 = arith.constant 8192 : i32
    %mul3A_1086 = vector.broadcast %mul3A_1085 : i32 to vector<16xi32>
    %mul3A_1087 = arith.muli %select_n3A_1080, %mul3A_1086 : vector<16xi32>
    %add3A_1088 = arith.addi %sub3A_1084, %mul3A_1087 : vector<16xi32>
    %gather3A_1089 = tpu.vector_load_idx %arg6[%add3A_1088] : memref<32768xi32, #tpu.memory_space<vmem>>[vector<16xi32>], vector<16xi32>,
    %swap3A_1090 = arith.constant 16 : index
    %swap3A_1091 = tpu.vector_load %arg7[%swap3A_1090] {strides = array<i32>} : memref<64xi32, #tpu.memory_space<vmem>>, vector<16xi32>,
    tpu.vector_store %arg7[%swap3A_1090], %gather3A_1089 {strides = array<i32>} : memref<64xi32, #tpu.memory_space<vmem>>, vector<16xi32>,
    %iota3A_1092 = tpu.iota {dimensions = array<i32: 0>} : vector<16xi32>
    %add3A_1093 = arith.constant 32 : i32
    %add3A_1094 = arith.addi %min3A_997, %add3A_1093 : i32
    %add3A_1095 = vector.broadcast %add3A_1094 : i32 to vector<16xi32>
    %add3A_1096 = arith.addi %iota3A_1092, %add3A_1095 : vector<16xi32>
    %jit3A_1097 = arith.constant 4920 : i32
    %div3A_1098 = vector.broadcast %jit3A_1097 : i32 to vector<16xi32>
    %div3A_1099 = arith.divsi %add3A_1096, %div3A_1098 : vector<16xi32>
    %sign3A_1100 = arith.constant 0 : i32
    %sign3A_1101 = vector.broadcast %sign3A_1100 : i32 to vector<16xi32>
    %sign3A_1102 = arith.cmpi sgt, %add3A_1096, %sign3A_1101 : vector<16xi32>
    %sign3A_1103 = arith.extui %sign3A_1102 : vector<16xi1> to vector<16xi32>
    %sign3A_1104 = arith.constant 0 : i32
    %sign3A_1105 = vector.broadcast %sign3A_1104 : i32 to vector<16xi32>
    %sign3A_1106 = arith.cmpi slt, %add3A_1096, %sign3A_1105 : vector<16xi32>
    %sign3A_1107 = arith.extui %sign3A_1106 : vector<16xi1> to vector<16xi32>
    %sign3A_1108 = arith.subi %sign3A_1103, %sign3A_1107 : vector<16xi32>
    %sign3A_1109 = arith.constant 0 : i32
    %sign3A_1110 = arith.cmpi sgt, %jit3A_1097, %sign3A_1109 : i32
    %sign3A_1111 = arith.extui %sign3A_1110 : i1 to i32
    %sign3A_1112 = arith.constant 0 : i32
    %sign3A_1113 = arith.cmpi slt, %jit3A_1097, %sign3A_1112 : i32
    %sign3A_1114 = arith.extui %sign3A_1113 : i1 to i32
    %sign3A_1115 = arith.subi %sign3A_1111, %sign3A_1114 : i32
    %ne3A_1116 = vector.broadcast %sign3A_1115 : i32 to vector<16xi32>
    %ne3A_1117 = arith.cmpi ne, %sign3A_1108, %ne3A_1116 : vector<16xi32>
    %rem3A_1118 = vector.broadcast %jit3A_1097 : i32 to vector<16xi32>
    %rem3A_1119 = arith.remsi %add3A_1096, %rem3A_1118 : vector<16xi32>
    %ne3A_1120 = arith.constant 0 : i32
    %ne3A_1121 = vector.broadcast %ne3A_1120 : i32 to vector<16xi32>
    %ne3A_1122 = arith.cmpi ne, %rem3A_1119, %ne3A_1121 : vector<16xi32>
    %and3A_1123 = arith.andi %ne3A_1117, %ne3A_1122 : vector<16xi1>
    %sub3A_1124 = arith.constant 1 : i32
    %sub3A_1125 = vector.broadcast %sub3A_1124 : i32 to vector<16xi32>
    %sub3A_1126 = arith.subi %div3A_1099, %sub3A_1125 : vector<16xi32>
    %select_n3A_1127 = arith.select %and3A_1123, %sub3A_1126, %div3A_1099 : vector<16xi1>, vector<16xi32>
    %mul3A_1128 = arith.constant 4920 : i32
    %mul3A_1129 = vector.broadcast %mul3A_1128 : i32 to vector<16xi32>
    %mul3A_1130 = arith.muli %select_n3A_1127, %mul3A_1129 : vector<16xi32>
    %sub3A_1131 = arith.subi %add3A_1096, %mul3A_1130 : vector<16xi32>
    %mul3A_1132 = arith.constant 8192 : i32
    %mul3A_1133 = vector.broadcast %mul3A_1132 : i32 to vector<16xi32>
    %mul3A_1134 = arith.muli %select_n3A_1127, %mul3A_1133 : vector<16xi32>
    %add3A_1135 = arith.addi %sub3A_1131, %mul3A_1134 : vector<16xi32>
    %gather3A_1136 = tpu.vector_load_idx %arg6[%add3A_1135] : memref<32768xi32, #tpu.memory_space<vmem>>[vector<16xi32>], vector<16xi32>,
    %swap3A_1137 = arith.constant 32 : index
    %swap3A_1138 = tpu.vector_load %arg7[%swap3A_1137] {strides = array<i32>} : memref<64xi32, #tpu.memory_space<vmem>>, vector<16xi32>,
    tpu.vector_store %arg7[%swap3A_1137], %gather3A_1136 {strides = array<i32>} : memref<64xi32, #tpu.memory_space<vmem>>, vector<16xi32>,
    %iota3A_1139 = tpu.iota {dimensions = array<i32: 0>} : vector<16xi32>
    %add3A_1140 = arith.constant 48 : i32
    %add3A_1141 = arith.addi %min3A_997, %add3A_1140 : i32
    %add3A_1142 = vector.broadcast %add3A_1141 : i32 to vector<16xi32>
    %add3A_1143 = arith.addi %iota3A_1139, %add3A_1142 : vector<16xi32>
    %jit3A_1144 = arith.constant 4920 : i32
    %div3A_1145 = vector.broadcast %jit3A_1144 : i32 to vector<16xi32>
    %div3A_1146 = arith.divsi %add3A_1143, %div3A_1145 : vector<16xi32>
    %sign3A_1147 = arith.constant 0 : i32
    %sign3A_1148 = vector.broadcast %sign3A_1147 : i32 to vector<16xi32>
    %sign3A_1149 = arith.cmpi sgt, %add3A_1143, %sign3A_1148 : vector<16xi32>
    %sign3A_1150 = arith.extui %sign3A_1149 : vector<16xi1> to vector<16xi32>
    %sign3A_1151 = arith.constant 0 : i32
    %sign3A_1152 = vector.broadcast %sign3A_1151 : i32 to vector<16xi32>
    %sign3A_1153 = arith.cmpi slt, %add3A_1143, %sign3A_1152 : vector<16xi32>
    %sign3A_1154 = arith.extui %sign3A_1153 : vector<16xi1> to vector<16xi32>
    %sign3A_1155 = arith.subi %sign3A_1150, %sign3A_1154 : vector<16xi32>
    %sign3A_1156 = arith.constant 0 : i32
    %sign3A_1157 = arith.cmpi sgt, %jit3A_1144, %sign3A_1156 : i32
    %sign3A_1158 = arith.extui %sign3A_1157 : i1 to i32
    %sign3A_1159 = arith.constant 0 : i32
    %sign3A_1160 = arith.cmpi slt, %jit3A_1144, %sign3A_1159 : i32
    %sign3A_1161 = arith.extui %sign3A_1160 : i1 to i32
    %sign3A_1162 = arith.subi %sign3A_1158, %sign3A_1161 : i32
    %ne3A_1163 = vector.broadcast %sign3A_1162 : i32 to vector<16xi32>
    %ne3A_1164 = arith.cmpi ne, %sign3A_1155, %ne3A_1163 : vector<16xi32>
    %rem3A_1165 = vector.broadcast %jit3A_1144 : i32 to vector<16xi32>
    %rem3A_1166 = arith.remsi %add3A_1143, %rem3A_1165 : vector<16xi32>
    %ne3A_1167 = arith.constant 0 : i32
    %ne3A_1168 = vector.broadcast %ne3A_1167 : i32 to vector<16xi32>
    %ne3A_1169 = arith.cmpi ne, %rem3A_1166, %ne3A_1168 : vector<16xi32>
    %and3A_1170 = arith.andi %ne3A_1164, %ne3A_1169 : vector<16xi1>
    %sub3A_1171 = arith.constant 1 : i32
    %sub3A_1172 = vector.broadcast %sub3A_1171 : i32 to vector<16xi32>
    %sub3A_1173 = arith.subi %div3A_1146, %sub3A_1172 : vector<16xi32>
    %select_n3A_1174 = arith.select %and3A_1170, %sub3A_1173, %div3A_1146 : vector<16xi1>, vector<16xi32>
    %mul3A_1175 = arith.constant 4920 : i32
    %mul3A_1176 = vector.broadcast %mul3A_1175 : i32 to vector<16xi32>
    %mul3A_1177 = arith.muli %select_n3A_1174, %mul3A_1176 : vector<16xi32>
    %sub3A_1178 = arith.subi %add3A_1143, %mul3A_1177 : vector<16xi32>
    %mul3A_1179 = arith.constant 8192 : i32
    %mul3A_1180 = vector.broadcast %mul3A_1179 : i32 to vector<16xi32>
    %mul3A_1181 = arith.muli %select_n3A_1174, %mul3A_1180 : vector<16xi32>
    %add3A_1182 = arith.addi %sub3A_1178, %mul3A_1181 : vector<16xi32>
    %gather3A_1183 = tpu.vector_load_idx %arg6[%add3A_1182] : memref<32768xi32, #tpu.memory_space<vmem>>[vector<16xi32>], vector<16xi32>,
    %swap3A_1184 = arith.constant 48 : index
    %swap3A_1185 = tpu.vector_load %arg7[%swap3A_1184] {strides = array<i32>} : memref<64xi32, #tpu.memory_space<vmem>>, vector<16xi32>,
    tpu.vector_store %arg7[%swap3A_1184], %gather3A_1183 {strides = array<i32>} : memref<64xi32, #tpu.memory_space<vmem>>, vector<16xi32>,
    %dma_start3A_1186 = arith.constant 0 : i32
    %dma_start3A_1187 = arith.constant 0 : i32
    %dma_start3A_1188 = tpu.memref_slice %arg3[%dma_start3A_1186, %dma_start3A_1187] : memref<32768x768xf32, #tpu.memory_space<hbm>> -> memref<32768x768xf32, #tpu.memory_space<hbm>>
    tpu.enqueue_indirect_dma source(%dma_start3A_1188 : memref<32768x768xf32, #tpu.memory_space<hbm>>) target(%arg8 : memref<64x768xf32, #tpu.memory_space<vmem>>) offsets(%arg7 : memref<64xi32, #tpu.memory_space<vmem>>) semaphore(%arg9 : memref<!tpu.dma_semaphore, #tpu.memory_space<semaphore_mem>>)
    %dma_wait3A_1189 = arith.constant 0 : i32
    %dma_wait3A_1190 = arith.constant 0 : i32
    %dma_wait3A_1191 = tpu.memref_slice %arg3[%dma_wait3A_1189, %dma_wait3A_1190] : memref<32768x768xf32, #tpu.memory_space<hbm>> -> memref<32768x768xf32, #tpu.memory_space<hbm>>
    tpu.wait_indirect_dma semaphore(%arg9 : memref<!tpu.dma_semaphore, #tpu.memory_space<semaphore_mem>>) src(%dma_wait3A_1191 : memref<32768x768xf32, #tpu.memory_space<hbm>>) dst(%arg8 : memref<64x768xf32, #tpu.memory_space<vmem>>)
    "tpu.region"() ({
      %run_scoped3A = tpu.sem_alloc : memref<!tpu.dma_semaphore, #tpu.memory_space<semaphore_mem>>
      %dma_start3A_1992 = arith.constant 0 : i32
      %dma_start3A_1993 = tpu.memref_slice %arg4[%min3A_997, %dma_start3A_1992] : memref<19680x768xf32, #tpu.memory_space<hbm>> -> memref<64x768xf32, #tpu.memory_space<hbm>>
      %dma_start3A_1994 = arith.constant 0 : i32
      %dma_start3A_1995 = tpu.memref_slice %arg4[%min3A_997, %dma_start3A_1994] : memref<19680x768xf32, #tpu.memory_space<hbm>> -> memref<64x768xf32, #tpu.memory_space<hbm>>
      tpu.enqueue_dma source(%arg8 : memref<64x768xf32, #tpu.memory_space<vmem>>) target(%dma_start3A_1995 : memref<64x768xf32, #tpu.memory_space<hbm>>) target_semaphore(%run_scoped3A : memref<!tpu.dma_semaphore, #tpu.memory_space<semaphore_mem>>)
      %dma_wait3A_1996 = arith.constant 0 : i32
      %dma_wait3A_1997 = tpu.memref_slice %arg4[%min3A_997, %dma_wait3A_1996] : memref<19680x768xf32, #tpu.memory_space<hbm>> -> memref<64x768xf32, #tpu.memory_space<hbm>>
      %dma_wait3A_1998 = arith.constant 0 : i32
      %dma_wait3A_1999 = tpu.memref_slice %arg4[%min3A_997, %dma_wait3A_1998] : memref<19680x768xf32, #tpu.memory_space<hbm>> -> memref<64x768xf32, #tpu.memory_space<hbm>>
      tpu.wait_dma2 semaphore(%run_scoped3A : memref<!tpu.dma_semaphore, #tpu.memory_space<semaphore_mem>>) src(%arg8 : memref<64x768xf32, #tpu.memory_space<vmem>>) dst(%dma_wait3A_1999 : memref<64x768xf32, #tpu.memory_space<hbm>>)
      tpu.yield
    }) : () -> ()
    %add3A_1192 = arith.constant 192 : i32
    %add3A_1193 = arith.addi %add3A, %add3A_1192 : i32
    %mul3A_1194 = arith.constant 64 : i32
    %mul3A_1195 = arith.muli %add3A_1193, %mul3A_1194 : i32
    %min3A_1196 = arith.constant 19616 : i32
    %min3A_1197 = arith.minsi %mul3A_1195, %min3A_1196 : i32
    %iota3A_1198 = tpu.iota {dimensions = array<i32: 0>} : vector<16xi32>
    %add3A_1199 = arith.constant 0 : i32
    %add3A_1200 = arith.addi %min3A_1197, %add3A_1199 : i32
    %add3A_1201 = vector.broadcast %add3A_1200 : i32 to vector<16xi32>
    %add3A_1202 = arith.addi %iota3A_1198, %add3A_1201 : vector<16xi32>
    %jit3A_1203 = arith.constant 4920 : i32
    %div3A_1204 = vector.broadcast %jit3A_1203 : i32 to vector<16xi32>
    %div3A_1205 = arith.divsi %add3A_1202, %div3A_1204 : vector<16xi32>
    %sign3A_1206 = arith.constant 0 : i32
    %sign3A_1207 = vector.broadcast %sign3A_1206 : i32 to vector<16xi32>
    %sign3A_1208 = arith.cmpi sgt, %add3A_1202, %sign3A_1207 : vector<16xi32>
    %sign3A_1209 = arith.extui %sign3A_1208 : vector<16xi1> to vector<16xi32>
    %sign3A_1210 = arith.constant 0 : i32
    %sign3A_1211 = vector.broadcast %sign3A_1210 : i32 to vector<16xi32>
    %sign3A_1212 = arith.cmpi slt, %add3A_1202, %sign3A_1211 : vector<16xi32>
    %sign3A_1213 = arith.extui %sign3A_1212 : vector<16xi1> to vector<16xi32>
    %sign3A_1214 = arith.subi %sign3A_1209, %sign3A_1213 : vector<16xi32>
    %sign3A_1215 = arith.constant 0 : i32
    %sign3A_1216 = arith.cmpi sgt, %jit3A_1203, %sign3A_1215 : i32
    %sign3A_1217 = arith.extui %sign3A_1216 : i1 to i32
    %sign3A_1218 = arith.constant 0 : i32
    %sign3A_1219 = arith.cmpi slt, %jit3A_1203, %sign3A_1218 : i32
    %sign3A_1220 = arith.extui %sign3A_1219 : i1 to i32
    %sign3A_1221 = arith.subi %sign3A_1217, %sign3A_1220 : i32
    %ne3A_1222 = vector.broadcast %sign3A_1221 : i32 to vector<16xi32>
    %ne3A_1223 = arith.cmpi ne, %sign3A_1214, %ne3A_1222 : vector<16xi32>
    %rem3A_1224 = vector.broadcast %jit3A_1203 : i32 to vector<16xi32>
    %rem3A_1225 = arith.remsi %add3A_1202, %rem3A_1224 : vector<16xi32>
    %ne3A_1226 = arith.constant 0 : i32
    %ne3A_1227 = vector.broadcast %ne3A_1226 : i32 to vector<16xi32>
    %ne3A_1228 = arith.cmpi ne, %rem3A_1225, %ne3A_1227 : vector<16xi32>
    %and3A_1229 = arith.andi %ne3A_1223, %ne3A_1228 : vector<16xi1>
    %sub3A_1230 = arith.constant 1 : i32
    %sub3A_1231 = vector.broadcast %sub3A_1230 : i32 to vector<16xi32>
    %sub3A_1232 = arith.subi %div3A_1205, %sub3A_1231 : vector<16xi32>
    %select_n3A_1233 = arith.select %and3A_1229, %sub3A_1232, %div3A_1205 : vector<16xi1>, vector<16xi32>
    %mul3A_1234 = arith.constant 4920 : i32
    %mul3A_1235 = vector.broadcast %mul3A_1234 : i32 to vector<16xi32>
    %mul3A_1236 = arith.muli %select_n3A_1233, %mul3A_1235 : vector<16xi32>
    %sub3A_1237 = arith.subi %add3A_1202, %mul3A_1236 : vector<16xi32>
    %mul3A_1238 = arith.constant 8192 : i32
    %mul3A_1239 = vector.broadcast %mul3A_1238 : i32 to vector<16xi32>
    %mul3A_1240 = arith.muli %select_n3A_1233, %mul3A_1239 : vector<16xi32>
    %add3A_1241 = arith.addi %sub3A_1237, %mul3A_1240 : vector<16xi32>
    %gather3A_1242 = tpu.vector_load_idx %arg6[%add3A_1241] : memref<32768xi32, #tpu.memory_space<vmem>>[vector<16xi32>], vector<16xi32>,
    %swap3A_1243 = arith.constant 0 : index
    %swap3A_1244 = tpu.vector_load %arg7[%swap3A_1243] {strides = array<i32>} : memref<64xi32, #tpu.memory_space<vmem>>, vector<16xi32>,
    tpu.vector_store %arg7[%swap3A_1243], %gather3A_1242 {strides = array<i32>} : memref<64xi32, #tpu.memory_space<vmem>>, vector<16xi32>,
    %iota3A_1245 = tpu.iota {dimensions = array<i32: 0>} : vector<16xi32>
    %add3A_1246 = arith.constant 16 : i32
    %add3A_1247 = arith.addi %min3A_1197, %add3A_1246 : i32
    %add3A_1248 = vector.broadcast %add3A_1247 : i32 to vector<16xi32>
    %add3A_1249 = arith.addi %iota3A_1245, %add3A_1248 : vector<16xi32>
    %jit3A_1250 = arith.constant 4920 : i32
    %div3A_1251 = vector.broadcast %jit3A_1250 : i32 to vector<16xi32>
    %div3A_1252 = arith.divsi %add3A_1249, %div3A_1251 : vector<16xi32>
    %sign3A_1253 = arith.constant 0 : i32
    %sign3A_1254 = vector.broadcast %sign3A_1253 : i32 to vector<16xi32>
    %sign3A_1255 = arith.cmpi sgt, %add3A_1249, %sign3A_1254 : vector<16xi32>
    %sign3A_1256 = arith.extui %sign3A_1255 : vector<16xi1> to vector<16xi32>
    %sign3A_1257 = arith.constant 0 : i32
    %sign3A_1258 = vector.broadcast %sign3A_1257 : i32 to vector<16xi32>
    %sign3A_1259 = arith.cmpi slt, %add3A_1249, %sign3A_1258 : vector<16xi32>
    %sign3A_1260 = arith.extui %sign3A_1259 : vector<16xi1> to vector<16xi32>
    %sign3A_1261 = arith.subi %sign3A_1256, %sign3A_1260 : vector<16xi32>
    %sign3A_1262 = arith.constant 0 : i32
    %sign3A_1263 = arith.cmpi sgt, %jit3A_1250, %sign3A_1262 : i32
    %sign3A_1264 = arith.extui %sign3A_1263 : i1 to i32
    %sign3A_1265 = arith.constant 0 : i32
    %sign3A_1266 = arith.cmpi slt, %jit3A_1250, %sign3A_1265 : i32
    %sign3A_1267 = arith.extui %sign3A_1266 : i1 to i32
    %sign3A_1268 = arith.subi %sign3A_1264, %sign3A_1267 : i32
    %ne3A_1269 = vector.broadcast %sign3A_1268 : i32 to vector<16xi32>
    %ne3A_1270 = arith.cmpi ne, %sign3A_1261, %ne3A_1269 : vector<16xi32>
    %rem3A_1271 = vector.broadcast %jit3A_1250 : i32 to vector<16xi32>
    %rem3A_1272 = arith.remsi %add3A_1249, %rem3A_1271 : vector<16xi32>
    %ne3A_1273 = arith.constant 0 : i32
    %ne3A_1274 = vector.broadcast %ne3A_1273 : i32 to vector<16xi32>
    %ne3A_1275 = arith.cmpi ne, %rem3A_1272, %ne3A_1274 : vector<16xi32>
    %and3A_1276 = arith.andi %ne3A_1270, %ne3A_1275 : vector<16xi1>
    %sub3A_1277 = arith.constant 1 : i32
    %sub3A_1278 = vector.broadcast %sub3A_1277 : i32 to vector<16xi32>
    %sub3A_1279 = arith.subi %div3A_1252, %sub3A_1278 : vector<16xi32>
    %select_n3A_1280 = arith.select %and3A_1276, %sub3A_1279, %div3A_1252 : vector<16xi1>, vector<16xi32>
    %mul3A_1281 = arith.constant 4920 : i32
    %mul3A_1282 = vector.broadcast %mul3A_1281 : i32 to vector<16xi32>
    %mul3A_1283 = arith.muli %select_n3A_1280, %mul3A_1282 : vector<16xi32>
    %sub3A_1284 = arith.subi %add3A_1249, %mul3A_1283 : vector<16xi32>
    %mul3A_1285 = arith.constant 8192 : i32
    %mul3A_1286 = vector.broadcast %mul3A_1285 : i32 to vector<16xi32>
    %mul3A_1287 = arith.muli %select_n3A_1280, %mul3A_1286 : vector<16xi32>
    %add3A_1288 = arith.addi %sub3A_1284, %mul3A_1287 : vector<16xi32>
    %gather3A_1289 = tpu.vector_load_idx %arg6[%add3A_1288] : memref<32768xi32, #tpu.memory_space<vmem>>[vector<16xi32>], vector<16xi32>,
    %swap3A_1290 = arith.constant 16 : index
    %swap3A_1291 = tpu.vector_load %arg7[%swap3A_1290] {strides = array<i32>} : memref<64xi32, #tpu.memory_space<vmem>>, vector<16xi32>,
    tpu.vector_store %arg7[%swap3A_1290], %gather3A_1289 {strides = array<i32>} : memref<64xi32, #tpu.memory_space<vmem>>, vector<16xi32>,
    %iota3A_1292 = tpu.iota {dimensions = array<i32: 0>} : vector<16xi32>
    %add3A_1293 = arith.constant 32 : i32
    %add3A_1294 = arith.addi %min3A_1197, %add3A_1293 : i32
    %add3A_1295 = vector.broadcast %add3A_1294 : i32 to vector<16xi32>
    %add3A_1296 = arith.addi %iota3A_1292, %add3A_1295 : vector<16xi32>
    %jit3A_1297 = arith.constant 4920 : i32
    %div3A_1298 = vector.broadcast %jit3A_1297 : i32 to vector<16xi32>
    %div3A_1299 = arith.divsi %add3A_1296, %div3A_1298 : vector<16xi32>
    %sign3A_1300 = arith.constant 0 : i32
    %sign3A_1301 = vector.broadcast %sign3A_1300 : i32 to vector<16xi32>
    %sign3A_1302 = arith.cmpi sgt, %add3A_1296, %sign3A_1301 : vector<16xi32>
    %sign3A_1303 = arith.extui %sign3A_1302 : vector<16xi1> to vector<16xi32>
    %sign3A_1304 = arith.constant 0 : i32
    %sign3A_1305 = vector.broadcast %sign3A_1304 : i32 to vector<16xi32>
    %sign3A_1306 = arith.cmpi slt, %add3A_1296, %sign3A_1305 : vector<16xi32>
    %sign3A_1307 = arith.extui %sign3A_1306 : vector<16xi1> to vector<16xi32>
    %sign3A_1308 = arith.subi %sign3A_1303, %sign3A_1307 : vector<16xi32>
    %sign3A_1309 = arith.constant 0 : i32
    %sign3A_1310 = arith.cmpi sgt, %jit3A_1297, %sign3A_1309 : i32
    %sign3A_1311 = arith.extui %sign3A_1310 : i1 to i32
    %sign3A_1312 = arith.constant 0 : i32
    %sign3A_1313 = arith.cmpi slt, %jit3A_1297, %sign3A_1312 : i32
    %sign3A_1314 = arith.extui %sign3A_1313 : i1 to i32
    %sign3A_1315 = arith.subi %sign3A_1311, %sign3A_1314 : i32
    %ne3A_1316 = vector.broadcast %sign3A_1315 : i32 to vector<16xi32>
    %ne3A_1317 = arith.cmpi ne, %sign3A_1308, %ne3A_1316 : vector<16xi32>
    %rem3A_1318 = vector.broadcast %jit3A_1297 : i32 to vector<16xi32>
    %rem3A_1319 = arith.remsi %add3A_1296, %rem3A_1318 : vector<16xi32>
    %ne3A_1320 = arith.constant 0 : i32
    %ne3A_1321 = vector.broadcast %ne3A_1320 : i32 to vector<16xi32>
    %ne3A_1322 = arith.cmpi ne, %rem3A_1319, %ne3A_1321 : vector<16xi32>
    %and3A_1323 = arith.andi %ne3A_1317, %ne3A_1322 : vector<16xi1>
    %sub3A_1324 = arith.constant 1 : i32
    %sub3A_1325 = vector.broadcast %sub3A_1324 : i32 to vector<16xi32>
    %sub3A_1326 = arith.subi %div3A_1299, %sub3A_1325 : vector<16xi32>
    %select_n3A_1327 = arith.select %and3A_1323, %sub3A_1326, %div3A_1299 : vector<16xi1>, vector<16xi32>
    %mul3A_1328 = arith.constant 4920 : i32
    %mul3A_1329 = vector.broadcast %mul3A_1328 : i32 to vector<16xi32>
    %mul3A_1330 = arith.muli %select_n3A_1327, %mul3A_1329 : vector<16xi32>
    %sub3A_1331 = arith.subi %add3A_1296, %mul3A_1330 : vector<16xi32>
    %mul3A_1332 = arith.constant 8192 : i32
    %mul3A_1333 = vector.broadcast %mul3A_1332 : i32 to vector<16xi32>
    %mul3A_1334 = arith.muli %select_n3A_1327, %mul3A_1333 : vector<16xi32>
    %add3A_1335 = arith.addi %sub3A_1331, %mul3A_1334 : vector<16xi32>
    %gather3A_1336 = tpu.vector_load_idx %arg6[%add3A_1335] : memref<32768xi32, #tpu.memory_space<vmem>>[vector<16xi32>], vector<16xi32>,
    %swap3A_1337 = arith.constant 32 : index
    %swap3A_1338 = tpu.vector_load %arg7[%swap3A_1337] {strides = array<i32>} : memref<64xi32, #tpu.memory_space<vmem>>, vector<16xi32>,
    tpu.vector_store %arg7[%swap3A_1337], %gather3A_1336 {strides = array<i32>} : memref<64xi32, #tpu.memory_space<vmem>>, vector<16xi32>,
    %iota3A_1339 = tpu.iota {dimensions = array<i32: 0>} : vector<16xi32>
    %add3A_1340 = arith.constant 48 : i32
    %add3A_1341 = arith.addi %min3A_1197, %add3A_1340 : i32
    %add3A_1342 = vector.broadcast %add3A_1341 : i32 to vector<16xi32>
    %add3A_1343 = arith.addi %iota3A_1339, %add3A_1342 : vector<16xi32>
    %jit3A_1344 = arith.constant 4920 : i32
    %div3A_1345 = vector.broadcast %jit3A_1344 : i32 to vector<16xi32>
    %div3A_1346 = arith.divsi %add3A_1343, %div3A_1345 : vector<16xi32>
    %sign3A_1347 = arith.constant 0 : i32
    %sign3A_1348 = vector.broadcast %sign3A_1347 : i32 to vector<16xi32>
    %sign3A_1349 = arith.cmpi sgt, %add3A_1343, %sign3A_1348 : vector<16xi32>
    %sign3A_1350 = arith.extui %sign3A_1349 : vector<16xi1> to vector<16xi32>
    %sign3A_1351 = arith.constant 0 : i32
    %sign3A_1352 = vector.broadcast %sign3A_1351 : i32 to vector<16xi32>
    %sign3A_1353 = arith.cmpi slt, %add3A_1343, %sign3A_1352 : vector<16xi32>
    %sign3A_1354 = arith.extui %sign3A_1353 : vector<16xi1> to vector<16xi32>
    %sign3A_1355 = arith.subi %sign3A_1350, %sign3A_1354 : vector<16xi32>
    %sign3A_1356 = arith.constant 0 : i32
    %sign3A_1357 = arith.cmpi sgt, %jit3A_1344, %sign3A_1356 : i32
    %sign3A_1358 = arith.extui %sign3A_1357 : i1 to i32
    %sign3A_1359 = arith.constant 0 : i32
    %sign3A_1360 = arith.cmpi slt, %jit3A_1344, %sign3A_1359 : i32
    %sign3A_1361 = arith.extui %sign3A_1360 : i1 to i32
    %sign3A_1362 = arith.subi %sign3A_1358, %sign3A_1361 : i32
    %ne3A_1363 = vector.broadcast %sign3A_1362 : i32 to vector<16xi32>
    %ne3A_1364 = arith.cmpi ne, %sign3A_1355, %ne3A_1363 : vector<16xi32>
    %rem3A_1365 = vector.broadcast %jit3A_1344 : i32 to vector<16xi32>
    %rem3A_1366 = arith.remsi %add3A_1343, %rem3A_1365 : vector<16xi32>
    %ne3A_1367 = arith.constant 0 : i32
    %ne3A_1368 = vector.broadcast %ne3A_1367 : i32 to vector<16xi32>
    %ne3A_1369 = arith.cmpi ne, %rem3A_1366, %ne3A_1368 : vector<16xi32>
    %and3A_1370 = arith.andi %ne3A_1364, %ne3A_1369 : vector<16xi1>
    %sub3A_1371 = arith.constant 1 : i32
    %sub3A_1372 = vector.broadcast %sub3A_1371 : i32 to vector<16xi32>
    %sub3A_1373 = arith.subi %div3A_1346, %sub3A_1372 : vector<16xi32>
    %select_n3A_1374 = arith.select %and3A_1370, %sub3A_1373, %div3A_1346 : vector<16xi1>, vector<16xi32>
    %mul3A_1375 = arith.constant 4920 : i32
    %mul3A_1376 = vector.broadcast %mul3A_1375 : i32 to vector<16xi32>
    %mul3A_1377 = arith.muli %select_n3A_1374, %mul3A_1376 : vector<16xi32>
    %sub3A_1378 = arith.subi %add3A_1343, %mul3A_1377 : vector<16xi32>
    %mul3A_1379 = arith.constant 8192 : i32
    %mul3A_1380 = vector.broadcast %mul3A_1379 : i32 to vector<16xi32>
    %mul3A_1381 = arith.muli %select_n3A_1374, %mul3A_1380 : vector<16xi32>
    %add3A_1382 = arith.addi %sub3A_1378, %mul3A_1381 : vector<16xi32>
    %gather3A_1383 = tpu.vector_load_idx %arg6[%add3A_1382] : memref<32768xi32, #tpu.memory_space<vmem>>[vector<16xi32>], vector<16xi32>,
    %swap3A_1384 = arith.constant 48 : index
    %swap3A_1385 = tpu.vector_load %arg7[%swap3A_1384] {strides = array<i32>} : memref<64xi32, #tpu.memory_space<vmem>>, vector<16xi32>,
    tpu.vector_store %arg7[%swap3A_1384], %gather3A_1383 {strides = array<i32>} : memref<64xi32, #tpu.memory_space<vmem>>, vector<16xi32>,
    %dma_start3A_1386 = arith.constant 0 : i32
    %dma_start3A_1387 = arith.constant 0 : i32
    %dma_start3A_1388 = tpu.memref_slice %arg3[%dma_start3A_1386, %dma_start3A_1387] : memref<32768x768xf32, #tpu.memory_space<hbm>> -> memref<32768x768xf32, #tpu.memory_space<hbm>>
    tpu.enqueue_indirect_dma source(%dma_start3A_1388 : memref<32768x768xf32, #tpu.memory_space<hbm>>) target(%arg8 : memref<64x768xf32, #tpu.memory_space<vmem>>) offsets(%arg7 : memref<64xi32, #tpu.memory_space<vmem>>) semaphore(%arg9 : memref<!tpu.dma_semaphore, #tpu.memory_space<semaphore_mem>>)
    %dma_wait3A_1389 = arith.constant 0 : i32
    %dma_wait3A_1390 = arith.constant 0 : i32
    %dma_wait3A_1391 = tpu.memref_slice %arg3[%dma_wait3A_1389, %dma_wait3A_1390] : memref<32768x768xf32, #tpu.memory_space<hbm>> -> memref<32768x768xf32, #tpu.memory_space<hbm>>
    tpu.wait_indirect_dma semaphore(%arg9 : memref<!tpu.dma_semaphore, #tpu.memory_space<semaphore_mem>>) src(%dma_wait3A_1391 : memref<32768x768xf32, #tpu.memory_space<hbm>>) dst(%arg8 : memref<64x768xf32, #tpu.memory_space<vmem>>)
    "tpu.region"() ({
      %run_scoped3A = tpu.sem_alloc : memref<!tpu.dma_semaphore, #tpu.memory_space<semaphore_mem>>
      %dma_start3A_1992 = arith.constant 0 : i32
      %dma_start3A_1993 = tpu.memref_slice %arg4[%min3A_1197, %dma_start3A_1992] : memref<19680x768xf32, #tpu.memory_space<hbm>> -> memref<64x768xf32, #tpu.memory_space<hbm>>
      %dma_start3A_1994 = arith.constant 0 : i32
      %dma_start3A_1995 = tpu.memref_slice %arg4[%min3A_1197, %dma_start3A_1994] : memref<19680x768xf32, #tpu.memory_space<hbm>> -> memref<64x768xf32, #tpu.memory_space<hbm>>
      tpu.enqueue_dma source(%arg8 : memref<64x768xf32, #tpu.memory_space<vmem>>) target(%dma_start3A_1995 : memref<64x768xf32, #tpu.memory_space<hbm>>) target_semaphore(%run_scoped3A : memref<!tpu.dma_semaphore, #tpu.memory_space<semaphore_mem>>)
      %dma_wait3A_1996 = arith.constant 0 : i32
      %dma_wait3A_1997 = tpu.memref_slice %arg4[%min3A_1197, %dma_wait3A_1996] : memref<19680x768xf32, #tpu.memory_space<hbm>> -> memref<64x768xf32, #tpu.memory_space<hbm>>
      %dma_wait3A_1998 = arith.constant 0 : i32
      %dma_wait3A_1999 = tpu.memref_slice %arg4[%min3A_1197, %dma_wait3A_1998] : memref<19680x768xf32, #tpu.memory_space<hbm>> -> memref<64x768xf32, #tpu.memory_space<hbm>>
      tpu.wait_dma2 semaphore(%run_scoped3A : memref<!tpu.dma_semaphore, #tpu.memory_space<semaphore_mem>>) src(%arg8 : memref<64x768xf32, #tpu.memory_space<vmem>>) dst(%dma_wait3A_1999 : memref<64x768xf32, #tpu.memory_space<hbm>>)
      tpu.yield
    }) : () -> ()
    %add3A_1392 = arith.constant 224 : i32
    %add3A_1393 = arith.addi %add3A, %add3A_1392 : i32
    %mul3A_1394 = arith.constant 64 : i32
    %mul3A_1395 = arith.muli %add3A_1393, %mul3A_1394 : i32
    %min3A_1396 = arith.constant 19616 : i32
    %min3A_1397 = arith.minsi %mul3A_1395, %min3A_1396 : i32
    %iota3A_1398 = tpu.iota {dimensions = array<i32: 0>} : vector<16xi32>
    %add3A_1399 = arith.constant 0 : i32
    %add3A_1400 = arith.addi %min3A_1397, %add3A_1399 : i32
    %add3A_1401 = vector.broadcast %add3A_1400 : i32 to vector<16xi32>
    %add3A_1402 = arith.addi %iota3A_1398, %add3A_1401 : vector<16xi32>
    %jit3A_1403 = arith.constant 4920 : i32
    %div3A_1404 = vector.broadcast %jit3A_1403 : i32 to vector<16xi32>
    %div3A_1405 = arith.divsi %add3A_1402, %div3A_1404 : vector<16xi32>
    %sign3A_1406 = arith.constant 0 : i32
    %sign3A_1407 = vector.broadcast %sign3A_1406 : i32 to vector<16xi32>
    %sign3A_1408 = arith.cmpi sgt, %add3A_1402, %sign3A_1407 : vector<16xi32>
    %sign3A_1409 = arith.extui %sign3A_1408 : vector<16xi1> to vector<16xi32>
    %sign3A_1410 = arith.constant 0 : i32
    %sign3A_1411 = vector.broadcast %sign3A_1410 : i32 to vector<16xi32>
    %sign3A_1412 = arith.cmpi slt, %add3A_1402, %sign3A_1411 : vector<16xi32>
    %sign3A_1413 = arith.extui %sign3A_1412 : vector<16xi1> to vector<16xi32>
    %sign3A_1414 = arith.subi %sign3A_1409, %sign3A_1413 : vector<16xi32>
    %sign3A_1415 = arith.constant 0 : i32
    %sign3A_1416 = arith.cmpi sgt, %jit3A_1403, %sign3A_1415 : i32
    %sign3A_1417 = arith.extui %sign3A_1416 : i1 to i32
    %sign3A_1418 = arith.constant 0 : i32
    %sign3A_1419 = arith.cmpi slt, %jit3A_1403, %sign3A_1418 : i32
    %sign3A_1420 = arith.extui %sign3A_1419 : i1 to i32
    %sign3A_1421 = arith.subi %sign3A_1417, %sign3A_1420 : i32
    %ne3A_1422 = vector.broadcast %sign3A_1421 : i32 to vector<16xi32>
    %ne3A_1423 = arith.cmpi ne, %sign3A_1414, %ne3A_1422 : vector<16xi32>
    %rem3A_1424 = vector.broadcast %jit3A_1403 : i32 to vector<16xi32>
    %rem3A_1425 = arith.remsi %add3A_1402, %rem3A_1424 : vector<16xi32>
    %ne3A_1426 = arith.constant 0 : i32
    %ne3A_1427 = vector.broadcast %ne3A_1426 : i32 to vector<16xi32>
    %ne3A_1428 = arith.cmpi ne, %rem3A_1425, %ne3A_1427 : vector<16xi32>
    %and3A_1429 = arith.andi %ne3A_1423, %ne3A_1428 : vector<16xi1>
    %sub3A_1430 = arith.constant 1 : i32
    %sub3A_1431 = vector.broadcast %sub3A_1430 : i32 to vector<16xi32>
    %sub3A_1432 = arith.subi %div3A_1405, %sub3A_1431 : vector<16xi32>
    %select_n3A_1433 = arith.select %and3A_1429, %sub3A_1432, %div3A_1405 : vector<16xi1>, vector<16xi32>
    %mul3A_1434 = arith.constant 4920 : i32
    %mul3A_1435 = vector.broadcast %mul3A_1434 : i32 to vector<16xi32>
    %mul3A_1436 = arith.muli %select_n3A_1433, %mul3A_1435 : vector<16xi32>
    %sub3A_1437 = arith.subi %add3A_1402, %mul3A_1436 : vector<16xi32>
    %mul3A_1438 = arith.constant 8192 : i32
    %mul3A_1439 = vector.broadcast %mul3A_1438 : i32 to vector<16xi32>
    %mul3A_1440 = arith.muli %select_n3A_1433, %mul3A_1439 : vector<16xi32>
    %add3A_1441 = arith.addi %sub3A_1437, %mul3A_1440 : vector<16xi32>
    %gather3A_1442 = tpu.vector_load_idx %arg6[%add3A_1441] : memref<32768xi32, #tpu.memory_space<vmem>>[vector<16xi32>], vector<16xi32>,
    %swap3A_1443 = arith.constant 0 : index
    %swap3A_1444 = tpu.vector_load %arg7[%swap3A_1443] {strides = array<i32>} : memref<64xi32, #tpu.memory_space<vmem>>, vector<16xi32>,
    tpu.vector_store %arg7[%swap3A_1443], %gather3A_1442 {strides = array<i32>} : memref<64xi32, #tpu.memory_space<vmem>>, vector<16xi32>,
    %iota3A_1445 = tpu.iota {dimensions = array<i32: 0>} : vector<16xi32>
    %add3A_1446 = arith.constant 16 : i32
    %add3A_1447 = arith.addi %min3A_1397, %add3A_1446 : i32
    %add3A_1448 = vector.broadcast %add3A_1447 : i32 to vector<16xi32>
    %add3A_1449 = arith.addi %iota3A_1445, %add3A_1448 : vector<16xi32>
    %jit3A_1450 = arith.constant 4920 : i32
    %div3A_1451 = vector.broadcast %jit3A_1450 : i32 to vector<16xi32>
    %div3A_1452 = arith.divsi %add3A_1449, %div3A_1451 : vector<16xi32>
    %sign3A_1453 = arith.constant 0 : i32
    %sign3A_1454 = vector.broadcast %sign3A_1453 : i32 to vector<16xi32>
    %sign3A_1455 = arith.cmpi sgt, %add3A_1449, %sign3A_1454 : vector<16xi32>
    %sign3A_1456 = arith.extui %sign3A_1455 : vector<16xi1> to vector<16xi32>
    %sign3A_1457 = arith.constant 0 : i32
    %sign3A_1458 = vector.broadcast %sign3A_1457 : i32 to vector<16xi32>
    %sign3A_1459 = arith.cmpi slt, %add3A_1449, %sign3A_1458 : vector<16xi32>
    %sign3A_1460 = arith.extui %sign3A_1459 : vector<16xi1> to vector<16xi32>
    %sign3A_1461 = arith.subi %sign3A_1456, %sign3A_1460 : vector<16xi32>
    %sign3A_1462 = arith.constant 0 : i32
    %sign3A_1463 = arith.cmpi sgt, %jit3A_1450, %sign3A_1462 : i32
    %sign3A_1464 = arith.extui %sign3A_1463 : i1 to i32
    %sign3A_1465 = arith.constant 0 : i32
    %sign3A_1466 = arith.cmpi slt, %jit3A_1450, %sign3A_1465 : i32
    %sign3A_1467 = arith.extui %sign3A_1466 : i1 to i32
    %sign3A_1468 = arith.subi %sign3A_1464, %sign3A_1467 : i32
    %ne3A_1469 = vector.broadcast %sign3A_1468 : i32 to vector<16xi32>
    %ne3A_1470 = arith.cmpi ne, %sign3A_1461, %ne3A_1469 : vector<16xi32>
    %rem3A_1471 = vector.broadcast %jit3A_1450 : i32 to vector<16xi32>
    %rem3A_1472 = arith.remsi %add3A_1449, %rem3A_1471 : vector<16xi32>
    %ne3A_1473 = arith.constant 0 : i32
    %ne3A_1474 = vector.broadcast %ne3A_1473 : i32 to vector<16xi32>
    %ne3A_1475 = arith.cmpi ne, %rem3A_1472, %ne3A_1474 : vector<16xi32>
    %and3A_1476 = arith.andi %ne3A_1470, %ne3A_1475 : vector<16xi1>
    %sub3A_1477 = arith.constant 1 : i32
    %sub3A_1478 = vector.broadcast %sub3A_1477 : i32 to vector<16xi32>
    %sub3A_1479 = arith.subi %div3A_1452, %sub3A_1478 : vector<16xi32>
    %select_n3A_1480 = arith.select %and3A_1476, %sub3A_1479, %div3A_1452 : vector<16xi1>, vector<16xi32>
    %mul3A_1481 = arith.constant 4920 : i32
    %mul3A_1482 = vector.broadcast %mul3A_1481 : i32 to vector<16xi32>
    %mul3A_1483 = arith.muli %select_n3A_1480, %mul3A_1482 : vector<16xi32>
    %sub3A_1484 = arith.subi %add3A_1449, %mul3A_1483 : vector<16xi32>
    %mul3A_1485 = arith.constant 8192 : i32
    %mul3A_1486 = vector.broadcast %mul3A_1485 : i32 to vector<16xi32>
    %mul3A_1487 = arith.muli %select_n3A_1480, %mul3A_1486 : vector<16xi32>
    %add3A_1488 = arith.addi %sub3A_1484, %mul3A_1487 : vector<16xi32>
    %gather3A_1489 = tpu.vector_load_idx %arg6[%add3A_1488] : memref<32768xi32, #tpu.memory_space<vmem>>[vector<16xi32>], vector<16xi32>,
    %swap3A_1490 = arith.constant 16 : index
    %swap3A_1491 = tpu.vector_load %arg7[%swap3A_1490] {strides = array<i32>} : memref<64xi32, #tpu.memory_space<vmem>>, vector<16xi32>,
    tpu.vector_store %arg7[%swap3A_1490], %gather3A_1489 {strides = array<i32>} : memref<64xi32, #tpu.memory_space<vmem>>, vector<16xi32>,
    %iota3A_1492 = tpu.iota {dimensions = array<i32: 0>} : vector<16xi32>
    %add3A_1493 = arith.constant 32 : i32
    %add3A_1494 = arith.addi %min3A_1397, %add3A_1493 : i32
    %add3A_1495 = vector.broadcast %add3A_1494 : i32 to vector<16xi32>
    %add3A_1496 = arith.addi %iota3A_1492, %add3A_1495 : vector<16xi32>
    %jit3A_1497 = arith.constant 4920 : i32
    %div3A_1498 = vector.broadcast %jit3A_1497 : i32 to vector<16xi32>
    %div3A_1499 = arith.divsi %add3A_1496, %div3A_1498 : vector<16xi32>
    %sign3A_1500 = arith.constant 0 : i32
    %sign3A_1501 = vector.broadcast %sign3A_1500 : i32 to vector<16xi32>
    %sign3A_1502 = arith.cmpi sgt, %add3A_1496, %sign3A_1501 : vector<16xi32>
    %sign3A_1503 = arith.extui %sign3A_1502 : vector<16xi1> to vector<16xi32>
    %sign3A_1504 = arith.constant 0 : i32
    %sign3A_1505 = vector.broadcast %sign3A_1504 : i32 to vector<16xi32>
    %sign3A_1506 = arith.cmpi slt, %add3A_1496, %sign3A_1505 : vector<16xi32>
    %sign3A_1507 = arith.extui %sign3A_1506 : vector<16xi1> to vector<16xi32>
    %sign3A_1508 = arith.subi %sign3A_1503, %sign3A_1507 : vector<16xi32>
    %sign3A_1509 = arith.constant 0 : i32
    %sign3A_1510 = arith.cmpi sgt, %jit3A_1497, %sign3A_1509 : i32
    %sign3A_1511 = arith.extui %sign3A_1510 : i1 to i32
    %sign3A_1512 = arith.constant 0 : i32
    %sign3A_1513 = arith.cmpi slt, %jit3A_1497, %sign3A_1512 : i32
    %sign3A_1514 = arith.extui %sign3A_1513 : i1 to i32
    %sign3A_1515 = arith.subi %sign3A_1511, %sign3A_1514 : i32
    %ne3A_1516 = vector.broadcast %sign3A_1515 : i32 to vector<16xi32>
    %ne3A_1517 = arith.cmpi ne, %sign3A_1508, %ne3A_1516 : vector<16xi32>
    %rem3A_1518 = vector.broadcast %jit3A_1497 : i32 to vector<16xi32>
    %rem3A_1519 = arith.remsi %add3A_1496, %rem3A_1518 : vector<16xi32>
    %ne3A_1520 = arith.constant 0 : i32
    %ne3A_1521 = vector.broadcast %ne3A_1520 : i32 to vector<16xi32>
    %ne3A_1522 = arith.cmpi ne, %rem3A_1519, %ne3A_1521 : vector<16xi32>
    %and3A_1523 = arith.andi %ne3A_1517, %ne3A_1522 : vector<16xi1>
    %sub3A_1524 = arith.constant 1 : i32
    %sub3A_1525 = vector.broadcast %sub3A_1524 : i32 to vector<16xi32>
    %sub3A_1526 = arith.subi %div3A_1499, %sub3A_1525 : vector<16xi32>
    %select_n3A_1527 = arith.select %and3A_1523, %sub3A_1526, %div3A_1499 : vector<16xi1>, vector<16xi32>
    %mul3A_1528 = arith.constant 4920 : i32
    %mul3A_1529 = vector.broadcast %mul3A_1528 : i32 to vector<16xi32>
    %mul3A_1530 = arith.muli %select_n3A_1527, %mul3A_1529 : vector<16xi32>
    %sub3A_1531 = arith.subi %add3A_1496, %mul3A_1530 : vector<16xi32>
    %mul3A_1532 = arith.constant 8192 : i32
    %mul3A_1533 = vector.broadcast %mul3A_1532 : i32 to vector<16xi32>
    %mul3A_1534 = arith.muli %select_n3A_1527, %mul3A_1533 : vector<16xi32>
    %add3A_1535 = arith.addi %sub3A_1531, %mul3A_1534 : vector<16xi32>
    %gather3A_1536 = tpu.vector_load_idx %arg6[%add3A_1535] : memref<32768xi32, #tpu.memory_space<vmem>>[vector<16xi32>], vector<16xi32>,
    %swap3A_1537 = arith.constant 32 : index
    %swap3A_1538 = tpu.vector_load %arg7[%swap3A_1537] {strides = array<i32>} : memref<64xi32, #tpu.memory_space<vmem>>, vector<16xi32>,
    tpu.vector_store %arg7[%swap3A_1537], %gather3A_1536 {strides = array<i32>} : memref<64xi32, #tpu.memory_space<vmem>>, vector<16xi32>,
    %iota3A_1539 = tpu.iota {dimensions = array<i32: 0>} : vector<16xi32>
    %add3A_1540 = arith.constant 48 : i32
    %add3A_1541 = arith.addi %min3A_1397, %add3A_1540 : i32
    %add3A_1542 = vector.broadcast %add3A_1541 : i32 to vector<16xi32>
    %add3A_1543 = arith.addi %iota3A_1539, %add3A_1542 : vector<16xi32>
    %jit3A_1544 = arith.constant 4920 : i32
    %div3A_1545 = vector.broadcast %jit3A_1544 : i32 to vector<16xi32>
    %div3A_1546 = arith.divsi %add3A_1543, %div3A_1545 : vector<16xi32>
    %sign3A_1547 = arith.constant 0 : i32
    %sign3A_1548 = vector.broadcast %sign3A_1547 : i32 to vector<16xi32>
    %sign3A_1549 = arith.cmpi sgt, %add3A_1543, %sign3A_1548 : vector<16xi32>
    %sign3A_1550 = arith.extui %sign3A_1549 : vector<16xi1> to vector<16xi32>
    %sign3A_1551 = arith.constant 0 : i32
    %sign3A_1552 = vector.broadcast %sign3A_1551 : i32 to vector<16xi32>
    %sign3A_1553 = arith.cmpi slt, %add3A_1543, %sign3A_1552 : vector<16xi32>
    %sign3A_1554 = arith.extui %sign3A_1553 : vector<16xi1> to vector<16xi32>
    %sign3A_1555 = arith.subi %sign3A_1550, %sign3A_1554 : vector<16xi32>
    %sign3A_1556 = arith.constant 0 : i32
    %sign3A_1557 = arith.cmpi sgt, %jit3A_1544, %sign3A_1556 : i32
    %sign3A_1558 = arith.extui %sign3A_1557 : i1 to i32
    %sign3A_1559 = arith.constant 0 : i32
    %sign3A_1560 = arith.cmpi slt, %jit3A_1544, %sign3A_1559 : i32
    %sign3A_1561 = arith.extui %sign3A_1560 : i1 to i32
    %sign3A_1562 = arith.subi %sign3A_1558, %sign3A_1561 : i32
    %ne3A_1563 = vector.broadcast %sign3A_1562 : i32 to vector<16xi32>
    %ne3A_1564 = arith.cmpi ne, %sign3A_1555, %ne3A_1563 : vector<16xi32>
    %rem3A_1565 = vector.broadcast %jit3A_1544 : i32 to vector<16xi32>
    %rem3A_1566 = arith.remsi %add3A_1543, %rem3A_1565 : vector<16xi32>
    %ne3A_1567 = arith.constant 0 : i32
    %ne3A_1568 = vector.broadcast %ne3A_1567 : i32 to vector<16xi32>
    %ne3A_1569 = arith.cmpi ne, %rem3A_1566, %ne3A_1568 : vector<16xi32>
    %and3A_1570 = arith.andi %ne3A_1564, %ne3A_1569 : vector<16xi1>
    %sub3A_1571 = arith.constant 1 : i32
    %sub3A_1572 = vector.broadcast %sub3A_1571 : i32 to vector<16xi32>
    %sub3A_1573 = arith.subi %div3A_1546, %sub3A_1572 : vector<16xi32>
    %select_n3A_1574 = arith.select %and3A_1570, %sub3A_1573, %div3A_1546 : vector<16xi1>, vector<16xi32>
    %mul3A_1575 = arith.constant 4920 : i32
    %mul3A_1576 = vector.broadcast %mul3A_1575 : i32 to vector<16xi32>
    %mul3A_1577 = arith.muli %select_n3A_1574, %mul3A_1576 : vector<16xi32>
    %sub3A_1578 = arith.subi %add3A_1543, %mul3A_1577 : vector<16xi32>
    %mul3A_1579 = arith.constant 8192 : i32
    %mul3A_1580 = vector.broadcast %mul3A_1579 : i32 to vector<16xi32>
    %mul3A_1581 = arith.muli %select_n3A_1574, %mul3A_1580 : vector<16xi32>
    %add3A_1582 = arith.addi %sub3A_1578, %mul3A_1581 : vector<16xi32>
    %gather3A_1583 = tpu.vector_load_idx %arg6[%add3A_1582] : memref<32768xi32, #tpu.memory_space<vmem>>[vector<16xi32>], vector<16xi32>,
    %swap3A_1584 = arith.constant 48 : index
    %swap3A_1585 = tpu.vector_load %arg7[%swap3A_1584] {strides = array<i32>} : memref<64xi32, #tpu.memory_space<vmem>>, vector<16xi32>,
    tpu.vector_store %arg7[%swap3A_1584], %gather3A_1583 {strides = array<i32>} : memref<64xi32, #tpu.memory_space<vmem>>, vector<16xi32>,
    %dma_start3A_1586 = arith.constant 0 : i32
    %dma_start3A_1587 = arith.constant 0 : i32
    %dma_start3A_1588 = tpu.memref_slice %arg3[%dma_start3A_1586, %dma_start3A_1587] : memref<32768x768xf32, #tpu.memory_space<hbm>> -> memref<32768x768xf32, #tpu.memory_space<hbm>>
    tpu.enqueue_indirect_dma source(%dma_start3A_1588 : memref<32768x768xf32, #tpu.memory_space<hbm>>) target(%arg8 : memref<64x768xf32, #tpu.memory_space<vmem>>) offsets(%arg7 : memref<64xi32, #tpu.memory_space<vmem>>) semaphore(%arg9 : memref<!tpu.dma_semaphore, #tpu.memory_space<semaphore_mem>>)
    %dma_wait3A_1589 = arith.constant 0 : i32
    %dma_wait3A_1590 = arith.constant 0 : i32
    %dma_wait3A_1591 = tpu.memref_slice %arg3[%dma_wait3A_1589, %dma_wait3A_1590] : memref<32768x768xf32, #tpu.memory_space<hbm>> -> memref<32768x768xf32, #tpu.memory_space<hbm>>
    tpu.wait_indirect_dma semaphore(%arg9 : memref<!tpu.dma_semaphore, #tpu.memory_space<semaphore_mem>>) src(%dma_wait3A_1591 : memref<32768x768xf32, #tpu.memory_space<hbm>>) dst(%arg8 : memref<64x768xf32, #tpu.memory_space<vmem>>)
    "tpu.region"() ({
      %run_scoped3A = tpu.sem_alloc : memref<!tpu.dma_semaphore, #tpu.memory_space<semaphore_mem>>
      %dma_start3A_1992 = arith.constant 0 : i32
      %dma_start3A_1993 = tpu.memref_slice %arg4[%min3A_1397, %dma_start3A_1992] : memref<19680x768xf32, #tpu.memory_space<hbm>> -> memref<64x768xf32, #tpu.memory_space<hbm>>
      %dma_start3A_1994 = arith.constant 0 : i32
      %dma_start3A_1995 = tpu.memref_slice %arg4[%min3A_1397, %dma_start3A_1994] : memref<19680x768xf32, #tpu.memory_space<hbm>> -> memref<64x768xf32, #tpu.memory_space<hbm>>
      tpu.enqueue_dma source(%arg8 : memref<64x768xf32, #tpu.memory_space<vmem>>) target(%dma_start3A_1995 : memref<64x768xf32, #tpu.memory_space<hbm>>) target_semaphore(%run_scoped3A : memref<!tpu.dma_semaphore, #tpu.memory_space<semaphore_mem>>)
      %dma_wait3A_1996 = arith.constant 0 : i32
      %dma_wait3A_1997 = tpu.memref_slice %arg4[%min3A_1397, %dma_wait3A_1996] : memref<19680x768xf32, #tpu.memory_space<hbm>> -> memref<64x768xf32, #tpu.memory_space<hbm>>
      %dma_wait3A_1998 = arith.constant 0 : i32
      %dma_wait3A_1999 = tpu.memref_slice %arg4[%min3A_1397, %dma_wait3A_1998] : memref<19680x768xf32, #tpu.memory_space<hbm>> -> memref<64x768xf32, #tpu.memory_space<hbm>>
      tpu.wait_dma2 semaphore(%run_scoped3A : memref<!tpu.dma_semaphore, #tpu.memory_space<semaphore_mem>>) src(%arg8 : memref<64x768xf32, #tpu.memory_space<vmem>>) dst(%dma_wait3A_1999 : memref<64x768xf32, #tpu.memory_space<hbm>>)
      tpu.yield
    }) : () -> ()
    %add3A_1592 = arith.constant 256 : i32
    %add3A_1593 = arith.addi %add3A, %add3A_1592 : i32
    %mul3A_1594 = arith.constant 64 : i32
    %mul3A_1595 = arith.muli %add3A_1593, %mul3A_1594 : i32
    %min3A_1596 = arith.constant 19616 : i32
    %min3A_1597 = arith.minsi %mul3A_1595, %min3A_1596 : i32
    %iota3A_1598 = tpu.iota {dimensions = array<i32: 0>} : vector<16xi32>
    %add3A_1599 = arith.constant 0 : i32
    %add3A_1600 = arith.addi %min3A_1597, %add3A_1599 : i32
    %add3A_1601 = vector.broadcast %add3A_1600 : i32 to vector<16xi32>
    %add3A_1602 = arith.addi %iota3A_1598, %add3A_1601 : vector<16xi32>
    %jit3A_1603 = arith.constant 4920 : i32
    %div3A_1604 = vector.broadcast %jit3A_1603 : i32 to vector<16xi32>
    %div3A_1605 = arith.divsi %add3A_1602, %div3A_1604 : vector<16xi32>
    %sign3A_1606 = arith.constant 0 : i32
    %sign3A_1607 = vector.broadcast %sign3A_1606 : i32 to vector<16xi32>
    %sign3A_1608 = arith.cmpi sgt, %add3A_1602, %sign3A_1607 : vector<16xi32>
    %sign3A_1609 = arith.extui %sign3A_1608 : vector<16xi1> to vector<16xi32>
    %sign3A_1610 = arith.constant 0 : i32
    %sign3A_1611 = vector.broadcast %sign3A_1610 : i32 to vector<16xi32>
    %sign3A_1612 = arith.cmpi slt, %add3A_1602, %sign3A_1611 : vector<16xi32>
    %sign3A_1613 = arith.extui %sign3A_1612 : vector<16xi1> to vector<16xi32>
    %sign3A_1614 = arith.subi %sign3A_1609, %sign3A_1613 : vector<16xi32>
    %sign3A_1615 = arith.constant 0 : i32
    %sign3A_1616 = arith.cmpi sgt, %jit3A_1603, %sign3A_1615 : i32
    %sign3A_1617 = arith.extui %sign3A_1616 : i1 to i32
    %sign3A_1618 = arith.constant 0 : i32
    %sign3A_1619 = arith.cmpi slt, %jit3A_1603, %sign3A_1618 : i32
    %sign3A_1620 = arith.extui %sign3A_1619 : i1 to i32
    %sign3A_1621 = arith.subi %sign3A_1617, %sign3A_1620 : i32
    %ne3A_1622 = vector.broadcast %sign3A_1621 : i32 to vector<16xi32>
    %ne3A_1623 = arith.cmpi ne, %sign3A_1614, %ne3A_1622 : vector<16xi32>
    %rem3A_1624 = vector.broadcast %jit3A_1603 : i32 to vector<16xi32>
    %rem3A_1625 = arith.remsi %add3A_1602, %rem3A_1624 : vector<16xi32>
    %ne3A_1626 = arith.constant 0 : i32
    %ne3A_1627 = vector.broadcast %ne3A_1626 : i32 to vector<16xi32>
    %ne3A_1628 = arith.cmpi ne, %rem3A_1625, %ne3A_1627 : vector<16xi32>
    %and3A_1629 = arith.andi %ne3A_1623, %ne3A_1628 : vector<16xi1>
    %sub3A_1630 = arith.constant 1 : i32
    %sub3A_1631 = vector.broadcast %sub3A_1630 : i32 to vector<16xi32>
    %sub3A_1632 = arith.subi %div3A_1605, %sub3A_1631 : vector<16xi32>
    %select_n3A_1633 = arith.select %and3A_1629, %sub3A_1632, %div3A_1605 : vector<16xi1>, vector<16xi32>
    %mul3A_1634 = arith.constant 4920 : i32
    %mul3A_1635 = vector.broadcast %mul3A_1634 : i32 to vector<16xi32>
    %mul3A_1636 = arith.muli %select_n3A_1633, %mul3A_1635 : vector<16xi32>
    %sub3A_1637 = arith.subi %add3A_1602, %mul3A_1636 : vector<16xi32>
    %mul3A_1638 = arith.constant 8192 : i32
    %mul3A_1639 = vector.broadcast %mul3A_1638 : i32 to vector<16xi32>
    %mul3A_1640 = arith.muli %select_n3A_1633, %mul3A_1639 : vector<16xi32>
    %add3A_1641 = arith.addi %sub3A_1637, %mul3A_1640 : vector<16xi32>
    %gather3A_1642 = tpu.vector_load_idx %arg6[%add3A_1641] : memref<32768xi32, #tpu.memory_space<vmem>>[vector<16xi32>], vector<16xi32>,
    %swap3A_1643 = arith.constant 0 : index
    %swap3A_1644 = tpu.vector_load %arg7[%swap3A_1643] {strides = array<i32>} : memref<64xi32, #tpu.memory_space<vmem>>, vector<16xi32>,
    tpu.vector_store %arg7[%swap3A_1643], %gather3A_1642 {strides = array<i32>} : memref<64xi32, #tpu.memory_space<vmem>>, vector<16xi32>,
    %iota3A_1645 = tpu.iota {dimensions = array<i32: 0>} : vector<16xi32>
    %add3A_1646 = arith.constant 16 : i32
    %add3A_1647 = arith.addi %min3A_1597, %add3A_1646 : i32
    %add3A_1648 = vector.broadcast %add3A_1647 : i32 to vector<16xi32>
    %add3A_1649 = arith.addi %iota3A_1645, %add3A_1648 : vector<16xi32>
    %jit3A_1650 = arith.constant 4920 : i32
    %div3A_1651 = vector.broadcast %jit3A_1650 : i32 to vector<16xi32>
    %div3A_1652 = arith.divsi %add3A_1649, %div3A_1651 : vector<16xi32>
    %sign3A_1653 = arith.constant 0 : i32
    %sign3A_1654 = vector.broadcast %sign3A_1653 : i32 to vector<16xi32>
    %sign3A_1655 = arith.cmpi sgt, %add3A_1649, %sign3A_1654 : vector<16xi32>
    %sign3A_1656 = arith.extui %sign3A_1655 : vector<16xi1> to vector<16xi32>
    %sign3A_1657 = arith.constant 0 : i32
    %sign3A_1658 = vector.broadcast %sign3A_1657 : i32 to vector<16xi32>
    %sign3A_1659 = arith.cmpi slt, %add3A_1649, %sign3A_1658 : vector<16xi32>
    %sign3A_1660 = arith.extui %sign3A_1659 : vector<16xi1> to vector<16xi32>
    %sign3A_1661 = arith.subi %sign3A_1656, %sign3A_1660 : vector<16xi32>
    %sign3A_1662 = arith.constant 0 : i32
    %sign3A_1663 = arith.cmpi sgt, %jit3A_1650, %sign3A_1662 : i32
    %sign3A_1664 = arith.extui %sign3A_1663 : i1 to i32
    %sign3A_1665 = arith.constant 0 : i32
    %sign3A_1666 = arith.cmpi slt, %jit3A_1650, %sign3A_1665 : i32
    %sign3A_1667 = arith.extui %sign3A_1666 : i1 to i32
    %sign3A_1668 = arith.subi %sign3A_1664, %sign3A_1667 : i32
    %ne3A_1669 = vector.broadcast %sign3A_1668 : i32 to vector<16xi32>
    %ne3A_1670 = arith.cmpi ne, %sign3A_1661, %ne3A_1669 : vector<16xi32>
    %rem3A_1671 = vector.broadcast %jit3A_1650 : i32 to vector<16xi32>
    %rem3A_1672 = arith.remsi %add3A_1649, %rem3A_1671 : vector<16xi32>
    %ne3A_1673 = arith.constant 0 : i32
    %ne3A_1674 = vector.broadcast %ne3A_1673 : i32 to vector<16xi32>
    %ne3A_1675 = arith.cmpi ne, %rem3A_1672, %ne3A_1674 : vector<16xi32>
    %and3A_1676 = arith.andi %ne3A_1670, %ne3A_1675 : vector<16xi1>
    %sub3A_1677 = arith.constant 1 : i32
    %sub3A_1678 = vector.broadcast %sub3A_1677 : i32 to vector<16xi32>
    %sub3A_1679 = arith.subi %div3A_1652, %sub3A_1678 : vector<16xi32>
    %select_n3A_1680 = arith.select %and3A_1676, %sub3A_1679, %div3A_1652 : vector<16xi1>, vector<16xi32>
    %mul3A_1681 = arith.constant 4920 : i32
    %mul3A_1682 = vector.broadcast %mul3A_1681 : i32 to vector<16xi32>
    %mul3A_1683 = arith.muli %select_n3A_1680, %mul3A_1682 : vector<16xi32>
    %sub3A_1684 = arith.subi %add3A_1649, %mul3A_1683 : vector<16xi32>
    %mul3A_1685 = arith.constant 8192 : i32
    %mul3A_1686 = vector.broadcast %mul3A_1685 : i32 to vector<16xi32>
    %mul3A_1687 = arith.muli %select_n3A_1680, %mul3A_1686 : vector<16xi32>
    %add3A_1688 = arith.addi %sub3A_1684, %mul3A_1687 : vector<16xi32>
    %gather3A_1689 = tpu.vector_load_idx %arg6[%add3A_1688] : memref<32768xi32, #tpu.memory_space<vmem>>[vector<16xi32>], vector<16xi32>,
    %swap3A_1690 = arith.constant 16 : index
    %swap3A_1691 = tpu.vector_load %arg7[%swap3A_1690] {strides = array<i32>} : memref<64xi32, #tpu.memory_space<vmem>>, vector<16xi32>,
    tpu.vector_store %arg7[%swap3A_1690], %gather3A_1689 {strides = array<i32>} : memref<64xi32, #tpu.memory_space<vmem>>, vector<16xi32>,
    %iota3A_1692 = tpu.iota {dimensions = array<i32: 0>} : vector<16xi32>
    %add3A_1693 = arith.constant 32 : i32
    %add3A_1694 = arith.addi %min3A_1597, %add3A_1693 : i32
    %add3A_1695 = vector.broadcast %add3A_1694 : i32 to vector<16xi32>
    %add3A_1696 = arith.addi %iota3A_1692, %add3A_1695 : vector<16xi32>
    %jit3A_1697 = arith.constant 4920 : i32
    %div3A_1698 = vector.broadcast %jit3A_1697 : i32 to vector<16xi32>
    %div3A_1699 = arith.divsi %add3A_1696, %div3A_1698 : vector<16xi32>
    %sign3A_1700 = arith.constant 0 : i32
    %sign3A_1701 = vector.broadcast %sign3A_1700 : i32 to vector<16xi32>
    %sign3A_1702 = arith.cmpi sgt, %add3A_1696, %sign3A_1701 : vector<16xi32>
    %sign3A_1703 = arith.extui %sign3A_1702 : vector<16xi1> to vector<16xi32>
    %sign3A_1704 = arith.constant 0 : i32
    %sign3A_1705 = vector.broadcast %sign3A_1704 : i32 to vector<16xi32>
    %sign3A_1706 = arith.cmpi slt, %add3A_1696, %sign3A_1705 : vector<16xi32>
    %sign3A_1707 = arith.extui %sign3A_1706 : vector<16xi1> to vector<16xi32>
    %sign3A_1708 = arith.subi %sign3A_1703, %sign3A_1707 : vector<16xi32>
    %sign3A_1709 = arith.constant 0 : i32
    %sign3A_1710 = arith.cmpi sgt, %jit3A_1697, %sign3A_1709 : i32
    %sign3A_1711 = arith.extui %sign3A_1710 : i1 to i32
    %sign3A_1712 = arith.constant 0 : i32
    %sign3A_1713 = arith.cmpi slt, %jit3A_1697, %sign3A_1712 : i32
    %sign3A_1714 = arith.extui %sign3A_1713 : i1 to i32
    %sign3A_1715 = arith.subi %sign3A_1711, %sign3A_1714 : i32
    %ne3A_1716 = vector.broadcast %sign3A_1715 : i32 to vector<16xi32>
    %ne3A_1717 = arith.cmpi ne, %sign3A_1708, %ne3A_1716 : vector<16xi32>
    %rem3A_1718 = vector.broadcast %jit3A_1697 : i32 to vector<16xi32>
    %rem3A_1719 = arith.remsi %add3A_1696, %rem3A_1718 : vector<16xi32>
    %ne3A_1720 = arith.constant 0 : i32
    %ne3A_1721 = vector.broadcast %ne3A_1720 : i32 to vector<16xi32>
    %ne3A_1722 = arith.cmpi ne, %rem3A_1719, %ne3A_1721 : vector<16xi32>
    %and3A_1723 = arith.andi %ne3A_1717, %ne3A_1722 : vector<16xi1>
    %sub3A_1724 = arith.constant 1 : i32
    %sub3A_1725 = vector.broadcast %sub3A_1724 : i32 to vector<16xi32>
    %sub3A_1726 = arith.subi %div3A_1699, %sub3A_1725 : vector<16xi32>
    %select_n3A_1727 = arith.select %and3A_1723, %sub3A_1726, %div3A_1699 : vector<16xi1>, vector<16xi32>
    %mul3A_1728 = arith.constant 4920 : i32
    %mul3A_1729 = vector.broadcast %mul3A_1728 : i32 to vector<16xi32>
    %mul3A_1730 = arith.muli %select_n3A_1727, %mul3A_1729 : vector<16xi32>
    %sub3A_1731 = arith.subi %add3A_1696, %mul3A_1730 : vector<16xi32>
    %mul3A_1732 = arith.constant 8192 : i32
    %mul3A_1733 = vector.broadcast %mul3A_1732 : i32 to vector<16xi32>
    %mul3A_1734 = arith.muli %select_n3A_1727, %mul3A_1733 : vector<16xi32>
    %add3A_1735 = arith.addi %sub3A_1731, %mul3A_1734 : vector<16xi32>
    %gather3A_1736 = tpu.vector_load_idx %arg6[%add3A_1735] : memref<32768xi32, #tpu.memory_space<vmem>>[vector<16xi32>], vector<16xi32>,
    %swap3A_1737 = arith.constant 32 : index
    %swap3A_1738 = tpu.vector_load %arg7[%swap3A_1737] {strides = array<i32>} : memref<64xi32, #tpu.memory_space<vmem>>, vector<16xi32>,
    tpu.vector_store %arg7[%swap3A_1737], %gather3A_1736 {strides = array<i32>} : memref<64xi32, #tpu.memory_space<vmem>>, vector<16xi32>,
    %iota3A_1739 = tpu.iota {dimensions = array<i32: 0>} : vector<16xi32>
    %add3A_1740 = arith.constant 48 : i32
    %add3A_1741 = arith.addi %min3A_1597, %add3A_1740 : i32
    %add3A_1742 = vector.broadcast %add3A_1741 : i32 to vector<16xi32>
    %add3A_1743 = arith.addi %iota3A_1739, %add3A_1742 : vector<16xi32>
    %jit3A_1744 = arith.constant 4920 : i32
    %div3A_1745 = vector.broadcast %jit3A_1744 : i32 to vector<16xi32>
    %div3A_1746 = arith.divsi %add3A_1743, %div3A_1745 : vector<16xi32>
    %sign3A_1747 = arith.constant 0 : i32
    %sign3A_1748 = vector.broadcast %sign3A_1747 : i32 to vector<16xi32>
    %sign3A_1749 = arith.cmpi sgt, %add3A_1743, %sign3A_1748 : vector<16xi32>
    %sign3A_1750 = arith.extui %sign3A_1749 : vector<16xi1> to vector<16xi32>
    %sign3A_1751 = arith.constant 0 : i32
    %sign3A_1752 = vector.broadcast %sign3A_1751 : i32 to vector<16xi32>
    %sign3A_1753 = arith.cmpi slt, %add3A_1743, %sign3A_1752 : vector<16xi32>
    %sign3A_1754 = arith.extui %sign3A_1753 : vector<16xi1> to vector<16xi32>
    %sign3A_1755 = arith.subi %sign3A_1750, %sign3A_1754 : vector<16xi32>
    %sign3A_1756 = arith.constant 0 : i32
    %sign3A_1757 = arith.cmpi sgt, %jit3A_1744, %sign3A_1756 : i32
    %sign3A_1758 = arith.extui %sign3A_1757 : i1 to i32
    %sign3A_1759 = arith.constant 0 : i32
    %sign3A_1760 = arith.cmpi slt, %jit3A_1744, %sign3A_1759 : i32
    %sign3A_1761 = arith.extui %sign3A_1760 : i1 to i32
    %sign3A_1762 = arith.subi %sign3A_1758, %sign3A_1761 : i32
    %ne3A_1763 = vector.broadcast %sign3A_1762 : i32 to vector<16xi32>
    %ne3A_1764 = arith.cmpi ne, %sign3A_1755, %ne3A_1763 : vector<16xi32>
    %rem3A_1765 = vector.broadcast %jit3A_1744 : i32 to vector<16xi32>
    %rem3A_1766 = arith.remsi %add3A_1743, %rem3A_1765 : vector<16xi32>
    %ne3A_1767 = arith.constant 0 : i32
    %ne3A_1768 = vector.broadcast %ne3A_1767 : i32 to vector<16xi32>
    %ne3A_1769 = arith.cmpi ne, %rem3A_1766, %ne3A_1768 : vector<16xi32>
    %and3A_1770 = arith.andi %ne3A_1764, %ne3A_1769 : vector<16xi1>
    %sub3A_1771 = arith.constant 1 : i32
    %sub3A_1772 = vector.broadcast %sub3A_1771 : i32 to vector<16xi32>
    %sub3A_1773 = arith.subi %div3A_1746, %sub3A_1772 : vector<16xi32>
    %select_n3A_1774 = arith.select %and3A_1770, %sub3A_1773, %div3A_1746 : vector<16xi1>, vector<16xi32>
    %mul3A_1775 = arith.constant 4920 : i32
    %mul3A_1776 = vector.broadcast %mul3A_1775 : i32 to vector<16xi32>
    %mul3A_1777 = arith.muli %select_n3A_1774, %mul3A_1776 : vector<16xi32>
    %sub3A_1778 = arith.subi %add3A_1743, %mul3A_1777 : vector<16xi32>
    %mul3A_1779 = arith.constant 8192 : i32
    %mul3A_1780 = vector.broadcast %mul3A_1779 : i32 to vector<16xi32>
    %mul3A_1781 = arith.muli %select_n3A_1774, %mul3A_1780 : vector<16xi32>
    %add3A_1782 = arith.addi %sub3A_1778, %mul3A_1781 : vector<16xi32>
    %gather3A_1783 = tpu.vector_load_idx %arg6[%add3A_1782] : memref<32768xi32, #tpu.memory_space<vmem>>[vector<16xi32>], vector<16xi32>,
    %swap3A_1784 = arith.constant 48 : index
    %swap3A_1785 = tpu.vector_load %arg7[%swap3A_1784] {strides = array<i32>} : memref<64xi32, #tpu.memory_space<vmem>>, vector<16xi32>,
    tpu.vector_store %arg7[%swap3A_1784], %gather3A_1783 {strides = array<i32>} : memref<64xi32, #tpu.memory_space<vmem>>, vector<16xi32>,
    %dma_start3A_1786 = arith.constant 0 : i32
    %dma_start3A_1787 = arith.constant 0 : i32
    %dma_start3A_1788 = tpu.memref_slice %arg3[%dma_start3A_1786, %dma_start3A_1787] : memref<32768x768xf32, #tpu.memory_space<hbm>> -> memref<32768x768xf32, #tpu.memory_space<hbm>>
    tpu.enqueue_indirect_dma source(%dma_start3A_1788 : memref<32768x768xf32, #tpu.memory_space<hbm>>) target(%arg8 : memref<64x768xf32, #tpu.memory_space<vmem>>) offsets(%arg7 : memref<64xi32, #tpu.memory_space<vmem>>) semaphore(%arg9 : memref<!tpu.dma_semaphore, #tpu.memory_space<semaphore_mem>>)
    %dma_wait3A_1789 = arith.constant 0 : i32
    %dma_wait3A_1790 = arith.constant 0 : i32
    %dma_wait3A_1791 = tpu.memref_slice %arg3[%dma_wait3A_1789, %dma_wait3A_1790] : memref<32768x768xf32, #tpu.memory_space<hbm>> -> memref<32768x768xf32, #tpu.memory_space<hbm>>
    tpu.wait_indirect_dma semaphore(%arg9 : memref<!tpu.dma_semaphore, #tpu.memory_space<semaphore_mem>>) src(%dma_wait3A_1791 : memref<32768x768xf32, #tpu.memory_space<hbm>>) dst(%arg8 : memref<64x768xf32, #tpu.memory_space<vmem>>)
    "tpu.region"() ({
      %run_scoped3A = tpu.sem_alloc : memref<!tpu.dma_semaphore, #tpu.memory_space<semaphore_mem>>
      %dma_start3A_1992 = arith.constant 0 : i32
      %dma_start3A_1993 = tpu.memref_slice %arg4[%min3A_1597, %dma_start3A_1992] : memref<19680x768xf32, #tpu.memory_space<hbm>> -> memref<64x768xf32, #tpu.memory_space<hbm>>
      %dma_start3A_1994 = arith.constant 0 : i32
      %dma_start3A_1995 = tpu.memref_slice %arg4[%min3A_1597, %dma_start3A_1994] : memref<19680x768xf32, #tpu.memory_space<hbm>> -> memref<64x768xf32, #tpu.memory_space<hbm>>
      tpu.enqueue_dma source(%arg8 : memref<64x768xf32, #tpu.memory_space<vmem>>) target(%dma_start3A_1995 : memref<64x768xf32, #tpu.memory_space<hbm>>) target_semaphore(%run_scoped3A : memref<!tpu.dma_semaphore, #tpu.memory_space<semaphore_mem>>)
      %dma_wait3A_1996 = arith.constant 0 : i32
      %dma_wait3A_1997 = tpu.memref_slice %arg4[%min3A_1597, %dma_wait3A_1996] : memref<19680x768xf32, #tpu.memory_space<hbm>> -> memref<64x768xf32, #tpu.memory_space<hbm>>
      %dma_wait3A_1998 = arith.constant 0 : i32
      %dma_wait3A_1999 = tpu.memref_slice %arg4[%min3A_1597, %dma_wait3A_1998] : memref<19680x768xf32, #tpu.memory_space<hbm>> -> memref<64x768xf32, #tpu.memory_space<hbm>>
      tpu.wait_dma2 semaphore(%run_scoped3A : memref<!tpu.dma_semaphore, #tpu.memory_space<semaphore_mem>>) src(%arg8 : memref<64x768xf32, #tpu.memory_space<vmem>>) dst(%dma_wait3A_1999 : memref<64x768xf32, #tpu.memory_space<hbm>>)
      tpu.yield
    }) : () -> ()
    %add3A_1792 = arith.constant 288 : i32
    %add3A_1793 = arith.addi %add3A, %add3A_1792 : i32
    %mul3A_1794 = arith.constant 64 : i32
    %mul3A_1795 = arith.muli %add3A_1793, %mul3A_1794 : i32
    %min3A_1796 = arith.constant 19616 : i32
    %min3A_1797 = arith.minsi %mul3A_1795, %min3A_1796 : i32
    %iota3A_1798 = tpu.iota {dimensions = array<i32: 0>} : vector<16xi32>
    %add3A_1799 = arith.constant 0 : i32
    %add3A_1800 = arith.addi %min3A_1797, %add3A_1799 : i32
    %add3A_1801 = vector.broadcast %add3A_1800 : i32 to vector<16xi32>
    %add3A_1802 = arith.addi %iota3A_1798, %add3A_1801 : vector<16xi32>
    %jit3A_1803 = arith.constant 4920 : i32
    %div3A_1804 = vector.broadcast %jit3A_1803 : i32 to vector<16xi32>
    %div3A_1805 = arith.divsi %add3A_1802, %div3A_1804 : vector<16xi32>
    %sign3A_1806 = arith.constant 0 : i32
    %sign3A_1807 = vector.broadcast %sign3A_1806 : i32 to vector<16xi32>
    %sign3A_1808 = arith.cmpi sgt, %add3A_1802, %sign3A_1807 : vector<16xi32>
    %sign3A_1809 = arith.extui %sign3A_1808 : vector<16xi1> to vector<16xi32>
    %sign3A_1810 = arith.constant 0 : i32
    %sign3A_1811 = vector.broadcast %sign3A_1810 : i32 to vector<16xi32>
    %sign3A_1812 = arith.cmpi slt, %add3A_1802, %sign3A_1811 : vector<16xi32>
    %sign3A_1813 = arith.extui %sign3A_1812 : vector<16xi1> to vector<16xi32>
    %sign3A_1814 = arith.subi %sign3A_1809, %sign3A_1813 : vector<16xi32>
    %sign3A_1815 = arith.constant 0 : i32
    %sign3A_1816 = arith.cmpi sgt, %jit3A_1803, %sign3A_1815 : i32
    %sign3A_1817 = arith.extui %sign3A_1816 : i1 to i32
    %sign3A_1818 = arith.constant 0 : i32
    %sign3A_1819 = arith.cmpi slt, %jit3A_1803, %sign3A_1818 : i32
    %sign3A_1820 = arith.extui %sign3A_1819 : i1 to i32
    %sign3A_1821 = arith.subi %sign3A_1817, %sign3A_1820 : i32
    %ne3A_1822 = vector.broadcast %sign3A_1821 : i32 to vector<16xi32>
    %ne3A_1823 = arith.cmpi ne, %sign3A_1814, %ne3A_1822 : vector<16xi32>
    %rem3A_1824 = vector.broadcast %jit3A_1803 : i32 to vector<16xi32>
    %rem3A_1825 = arith.remsi %add3A_1802, %rem3A_1824 : vector<16xi32>
    %ne3A_1826 = arith.constant 0 : i32
    %ne3A_1827 = vector.broadcast %ne3A_1826 : i32 to vector<16xi32>
    %ne3A_1828 = arith.cmpi ne, %rem3A_1825, %ne3A_1827 : vector<16xi32>
    %and3A_1829 = arith.andi %ne3A_1823, %ne3A_1828 : vector<16xi1>
    %sub3A_1830 = arith.constant 1 : i32
    %sub3A_1831 = vector.broadcast %sub3A_1830 : i32 to vector<16xi32>
    %sub3A_1832 = arith.subi %div3A_1805, %sub3A_1831 : vector<16xi32>
    %select_n3A_1833 = arith.select %and3A_1829, %sub3A_1832, %div3A_1805 : vector<16xi1>, vector<16xi32>
    %mul3A_1834 = arith.constant 4920 : i32
    %mul3A_1835 = vector.broadcast %mul3A_1834 : i32 to vector<16xi32>
    %mul3A_1836 = arith.muli %select_n3A_1833, %mul3A_1835 : vector<16xi32>
    %sub3A_1837 = arith.subi %add3A_1802, %mul3A_1836 : vector<16xi32>
    %mul3A_1838 = arith.constant 8192 : i32
    %mul3A_1839 = vector.broadcast %mul3A_1838 : i32 to vector<16xi32>
    %mul3A_1840 = arith.muli %select_n3A_1833, %mul3A_1839 : vector<16xi32>
    %add3A_1841 = arith.addi %sub3A_1837, %mul3A_1840 : vector<16xi32>
    %gather3A_1842 = tpu.vector_load_idx %arg6[%add3A_1841] : memref<32768xi32, #tpu.memory_space<vmem>>[vector<16xi32>], vector<16xi32>,
    %swap3A_1843 = arith.constant 0 : index
    %swap3A_1844 = tpu.vector_load %arg7[%swap3A_1843] {strides = array<i32>} : memref<64xi32, #tpu.memory_space<vmem>>, vector<16xi32>,
    tpu.vector_store %arg7[%swap3A_1843], %gather3A_1842 {strides = array<i32>} : memref<64xi32, #tpu.memory_space<vmem>>, vector<16xi32>,
    %iota3A_1845 = tpu.iota {dimensions = array<i32: 0>} : vector<16xi32>
    %add3A_1846 = arith.constant 16 : i32
    %add3A_1847 = arith.addi %min3A_1797, %add3A_1846 : i32
    %add3A_1848 = vector.broadcast %add3A_1847 : i32 to vector<16xi32>
    %add3A_1849 = arith.addi %iota3A_1845, %add3A_1848 : vector<16xi32>
    %jit3A_1850 = arith.constant 4920 : i32
    %div3A_1851 = vector.broadcast %jit3A_1850 : i32 to vector<16xi32>
    %div3A_1852 = arith.divsi %add3A_1849, %div3A_1851 : vector<16xi32>
    %sign3A_1853 = arith.constant 0 : i32
    %sign3A_1854 = vector.broadcast %sign3A_1853 : i32 to vector<16xi32>
    %sign3A_1855 = arith.cmpi sgt, %add3A_1849, %sign3A_1854 : vector<16xi32>
    %sign3A_1856 = arith.extui %sign3A_1855 : vector<16xi1> to vector<16xi32>
    %sign3A_1857 = arith.constant 0 : i32
    %sign3A_1858 = vector.broadcast %sign3A_1857 : i32 to vector<16xi32>
    %sign3A_1859 = arith.cmpi slt, %add3A_1849, %sign3A_1858 : vector<16xi32>
    %sign3A_1860 = arith.extui %sign3A_1859 : vector<16xi1> to vector<16xi32>
    %sign3A_1861 = arith.subi %sign3A_1856, %sign3A_1860 : vector<16xi32>
    %sign3A_1862 = arith.constant 0 : i32
    %sign3A_1863 = arith.cmpi sgt, %jit3A_1850, %sign3A_1862 : i32
    %sign3A_1864 = arith.extui %sign3A_1863 : i1 to i32
    %sign3A_1865 = arith.constant 0 : i32
    %sign3A_1866 = arith.cmpi slt, %jit3A_1850, %sign3A_1865 : i32
    %sign3A_1867 = arith.extui %sign3A_1866 : i1 to i32
    %sign3A_1868 = arith.subi %sign3A_1864, %sign3A_1867 : i32
    %ne3A_1869 = vector.broadcast %sign3A_1868 : i32 to vector<16xi32>
    %ne3A_1870 = arith.cmpi ne, %sign3A_1861, %ne3A_1869 : vector<16xi32>
    %rem3A_1871 = vector.broadcast %jit3A_1850 : i32 to vector<16xi32>
    %rem3A_1872 = arith.remsi %add3A_1849, %rem3A_1871 : vector<16xi32>
    %ne3A_1873 = arith.constant 0 : i32
    %ne3A_1874 = vector.broadcast %ne3A_1873 : i32 to vector<16xi32>
    %ne3A_1875 = arith.cmpi ne, %rem3A_1872, %ne3A_1874 : vector<16xi32>
    %and3A_1876 = arith.andi %ne3A_1870, %ne3A_1875 : vector<16xi1>
    %sub3A_1877 = arith.constant 1 : i32
    %sub3A_1878 = vector.broadcast %sub3A_1877 : i32 to vector<16xi32>
    %sub3A_1879 = arith.subi %div3A_1852, %sub3A_1878 : vector<16xi32>
    %select_n3A_1880 = arith.select %and3A_1876, %sub3A_1879, %div3A_1852 : vector<16xi1>, vector<16xi32>
    %mul3A_1881 = arith.constant 4920 : i32
    %mul3A_1882 = vector.broadcast %mul3A_1881 : i32 to vector<16xi32>
    %mul3A_1883 = arith.muli %select_n3A_1880, %mul3A_1882 : vector<16xi32>
    %sub3A_1884 = arith.subi %add3A_1849, %mul3A_1883 : vector<16xi32>
    %mul3A_1885 = arith.constant 8192 : i32
    %mul3A_1886 = vector.broadcast %mul3A_1885 : i32 to vector<16xi32>
    %mul3A_1887 = arith.muli %select_n3A_1880, %mul3A_1886 : vector<16xi32>
    %add3A_1888 = arith.addi %sub3A_1884, %mul3A_1887 : vector<16xi32>
    %gather3A_1889 = tpu.vector_load_idx %arg6[%add3A_1888] : memref<32768xi32, #tpu.memory_space<vmem>>[vector<16xi32>], vector<16xi32>,
    %swap3A_1890 = arith.constant 16 : index
    %swap3A_1891 = tpu.vector_load %arg7[%swap3A_1890] {strides = array<i32>} : memref<64xi32, #tpu.memory_space<vmem>>, vector<16xi32>,
    tpu.vector_store %arg7[%swap3A_1890], %gather3A_1889 {strides = array<i32>} : memref<64xi32, #tpu.memory_space<vmem>>, vector<16xi32>,
    %iota3A_1892 = tpu.iota {dimensions = array<i32: 0>} : vector<16xi32>
    %add3A_1893 = arith.constant 32 : i32
    %add3A_1894 = arith.addi %min3A_1797, %add3A_1893 : i32
    %add3A_1895 = vector.broadcast %add3A_1894 : i32 to vector<16xi32>
    %add3A_1896 = arith.addi %iota3A_1892, %add3A_1895 : vector<16xi32>
    %jit3A_1897 = arith.constant 4920 : i32
    %div3A_1898 = vector.broadcast %jit3A_1897 : i32 to vector<16xi32>
    %div3A_1899 = arith.divsi %add3A_1896, %div3A_1898 : vector<16xi32>
    %sign3A_1900 = arith.constant 0 : i32
    %sign3A_1901 = vector.broadcast %sign3A_1900 : i32 to vector<16xi32>
    %sign3A_1902 = arith.cmpi sgt, %add3A_1896, %sign3A_1901 : vector<16xi32>
    %sign3A_1903 = arith.extui %sign3A_1902 : vector<16xi1> to vector<16xi32>
    %sign3A_1904 = arith.constant 0 : i32
    %sign3A_1905 = vector.broadcast %sign3A_1904 : i32 to vector<16xi32>
    %sign3A_1906 = arith.cmpi slt, %add3A_1896, %sign3A_1905 : vector<16xi32>
    %sign3A_1907 = arith.extui %sign3A_1906 : vector<16xi1> to vector<16xi32>
    %sign3A_1908 = arith.subi %sign3A_1903, %sign3A_1907 : vector<16xi32>
    %sign3A_1909 = arith.constant 0 : i32
    %sign3A_1910 = arith.cmpi sgt, %jit3A_1897, %sign3A_1909 : i32
    %sign3A_1911 = arith.extui %sign3A_1910 : i1 to i32
    %sign3A_1912 = arith.constant 0 : i32
    %sign3A_1913 = arith.cmpi slt, %jit3A_1897, %sign3A_1912 : i32
    %sign3A_1914 = arith.extui %sign3A_1913 : i1 to i32
    %sign3A_1915 = arith.subi %sign3A_1911, %sign3A_1914 : i32
    %ne3A_1916 = vector.broadcast %sign3A_1915 : i32 to vector<16xi32>
    %ne3A_1917 = arith.cmpi ne, %sign3A_1908, %ne3A_1916 : vector<16xi32>
    %rem3A_1918 = vector.broadcast %jit3A_1897 : i32 to vector<16xi32>
    %rem3A_1919 = arith.remsi %add3A_1896, %rem3A_1918 : vector<16xi32>
    %ne3A_1920 = arith.constant 0 : i32
    %ne3A_1921 = vector.broadcast %ne3A_1920 : i32 to vector<16xi32>
    %ne3A_1922 = arith.cmpi ne, %rem3A_1919, %ne3A_1921 : vector<16xi32>
    %and3A_1923 = arith.andi %ne3A_1917, %ne3A_1922 : vector<16xi1>
    %sub3A_1924 = arith.constant 1 : i32
    %sub3A_1925 = vector.broadcast %sub3A_1924 : i32 to vector<16xi32>
    %sub3A_1926 = arith.subi %div3A_1899, %sub3A_1925 : vector<16xi32>
    %select_n3A_1927 = arith.select %and3A_1923, %sub3A_1926, %div3A_1899 : vector<16xi1>, vector<16xi32>
    %mul3A_1928 = arith.constant 4920 : i32
    %mul3A_1929 = vector.broadcast %mul3A_1928 : i32 to vector<16xi32>
    %mul3A_1930 = arith.muli %select_n3A_1927, %mul3A_1929 : vector<16xi32>
    %sub3A_1931 = arith.subi %add3A_1896, %mul3A_1930 : vector<16xi32>
    %mul3A_1932 = arith.constant 8192 : i32
    %mul3A_1933 = vector.broadcast %mul3A_1932 : i32 to vector<16xi32>
    %mul3A_1934 = arith.muli %select_n3A_1927, %mul3A_1933 : vector<16xi32>
    %add3A_1935 = arith.addi %sub3A_1931, %mul3A_1934 : vector<16xi32>
    %gather3A_1936 = tpu.vector_load_idx %arg6[%add3A_1935] : memref<32768xi32, #tpu.memory_space<vmem>>[vector<16xi32>], vector<16xi32>,
    %swap3A_1937 = arith.constant 32 : index
    %swap3A_1938 = tpu.vector_load %arg7[%swap3A_1937] {strides = array<i32>} : memref<64xi32, #tpu.memory_space<vmem>>, vector<16xi32>,
    tpu.vector_store %arg7[%swap3A_1937], %gather3A_1936 {strides = array<i32>} : memref<64xi32, #tpu.memory_space<vmem>>, vector<16xi32>,
    %iota3A_1939 = tpu.iota {dimensions = array<i32: 0>} : vector<16xi32>
    %add3A_1940 = arith.constant 48 : i32
    %add3A_1941 = arith.addi %min3A_1797, %add3A_1940 : i32
    %add3A_1942 = vector.broadcast %add3A_1941 : i32 to vector<16xi32>
    %add3A_1943 = arith.addi %iota3A_1939, %add3A_1942 : vector<16xi32>
    %jit3A_1944 = arith.constant 4920 : i32
    %div3A_1945 = vector.broadcast %jit3A_1944 : i32 to vector<16xi32>
    %div3A_1946 = arith.divsi %add3A_1943, %div3A_1945 : vector<16xi32>
    %sign3A_1947 = arith.constant 0 : i32
    %sign3A_1948 = vector.broadcast %sign3A_1947 : i32 to vector<16xi32>
    %sign3A_1949 = arith.cmpi sgt, %add3A_1943, %sign3A_1948 : vector<16xi32>
    %sign3A_1950 = arith.extui %sign3A_1949 : vector<16xi1> to vector<16xi32>
    %sign3A_1951 = arith.constant 0 : i32
    %sign3A_1952 = vector.broadcast %sign3A_1951 : i32 to vector<16xi32>
    %sign3A_1953 = arith.cmpi slt, %add3A_1943, %sign3A_1952 : vector<16xi32>
    %sign3A_1954 = arith.extui %sign3A_1953 : vector<16xi1> to vector<16xi32>
    %sign3A_1955 = arith.subi %sign3A_1950, %sign3A_1954 : vector<16xi32>
    %sign3A_1956 = arith.constant 0 : i32
    %sign3A_1957 = arith.cmpi sgt, %jit3A_1944, %sign3A_1956 : i32
    %sign3A_1958 = arith.extui %sign3A_1957 : i1 to i32
    %sign3A_1959 = arith.constant 0 : i32
    %sign3A_1960 = arith.cmpi slt, %jit3A_1944, %sign3A_1959 : i32
    %sign3A_1961 = arith.extui %sign3A_1960 : i1 to i32
    %sign3A_1962 = arith.subi %sign3A_1958, %sign3A_1961 : i32
    %ne3A_1963 = vector.broadcast %sign3A_1962 : i32 to vector<16xi32>
    %ne3A_1964 = arith.cmpi ne, %sign3A_1955, %ne3A_1963 : vector<16xi32>
    %rem3A_1965 = vector.broadcast %jit3A_1944 : i32 to vector<16xi32>
    %rem3A_1966 = arith.remsi %add3A_1943, %rem3A_1965 : vector<16xi32>
    %ne3A_1967 = arith.constant 0 : i32
    %ne3A_1968 = vector.broadcast %ne3A_1967 : i32 to vector<16xi32>
    %ne3A_1969 = arith.cmpi ne, %rem3A_1966, %ne3A_1968 : vector<16xi32>
    %and3A_1970 = arith.andi %ne3A_1964, %ne3A_1969 : vector<16xi1>
    %sub3A_1971 = arith.constant 1 : i32
    %sub3A_1972 = vector.broadcast %sub3A_1971 : i32 to vector<16xi32>
    %sub3A_1973 = arith.subi %div3A_1946, %sub3A_1972 : vector<16xi32>
    %select_n3A_1974 = arith.select %and3A_1970, %sub3A_1973, %div3A_1946 : vector<16xi1>, vector<16xi32>
    %mul3A_1975 = arith.constant 4920 : i32
    %mul3A_1976 = vector.broadcast %mul3A_1975 : i32 to vector<16xi32>
    %mul3A_1977 = arith.muli %select_n3A_1974, %mul3A_1976 : vector<16xi32>
    %sub3A_1978 = arith.subi %add3A_1943, %mul3A_1977 : vector<16xi32>
    %mul3A_1979 = arith.constant 8192 : i32
    %mul3A_1980 = vector.broadcast %mul3A_1979 : i32 to vector<16xi32>
    %mul3A_1981 = arith.muli %select_n3A_1974, %mul3A_1980 : vector<16xi32>
    %add3A_1982 = arith.addi %sub3A_1978, %mul3A_1981 : vector<16xi32>
    %gather3A_1983 = tpu.vector_load_idx %arg6[%add3A_1982] : memref<32768xi32, #tpu.memory_space<vmem>>[vector<16xi32>], vector<16xi32>,
    %swap3A_1984 = arith.constant 48 : index
    %swap3A_1985 = tpu.vector_load %arg7[%swap3A_1984] {strides = array<i32>} : memref<64xi32, #tpu.memory_space<vmem>>, vector<16xi32>,
    tpu.vector_store %arg7[%swap3A_1984], %gather3A_1983 {strides = array<i32>} : memref<64xi32, #tpu.memory_space<vmem>>, vector<16xi32>,
    %dma_start3A_1986 = arith.constant 0 : i32
    %dma_start3A_1987 = arith.constant 0 : i32
    %dma_start3A_1988 = tpu.memref_slice %arg3[%dma_start3A_1986, %dma_start3A_1987] : memref<32768x768xf32, #tpu.memory_space<hbm>> -> memref<32768x768xf32, #tpu.memory_space<hbm>>
    tpu.enqueue_indirect_dma source(%dma_start3A_1988 : memref<32768x768xf32, #tpu.memory_space<hbm>>) target(%arg8 : memref<64x768xf32, #tpu.memory_space<vmem>>) offsets(%arg7 : memref<64xi32, #tpu.memory_space<vmem>>) semaphore(%arg9 : memref<!tpu.dma_semaphore, #tpu.memory_space<semaphore_mem>>)
    %dma_wait3A_1989 = arith.constant 0 : i32
    %dma_wait3A_1990 = arith.constant 0 : i32
    %dma_wait3A_1991 = tpu.memref_slice %arg3[%dma_wait3A_1989, %dma_wait3A_1990] : memref<32768x768xf32, #tpu.memory_space<hbm>> -> memref<32768x768xf32, #tpu.memory_space<hbm>>
    tpu.wait_indirect_dma semaphore(%arg9 : memref<!tpu.dma_semaphore, #tpu.memory_space<semaphore_mem>>) src(%dma_wait3A_1991 : memref<32768x768xf32, #tpu.memory_space<hbm>>) dst(%arg8 : memref<64x768xf32, #tpu.memory_space<vmem>>)
    "tpu.region"() ({
      %run_scoped3A = tpu.sem_alloc : memref<!tpu.dma_semaphore, #tpu.memory_space<semaphore_mem>>
      %dma_start3A_1992 = arith.constant 0 : i32
      %dma_start3A_1993 = tpu.memref_slice %arg4[%min3A_1797, %dma_start3A_1992] : memref<19680x768xf32, #tpu.memory_space<hbm>> -> memref<64x768xf32, #tpu.memory_space<hbm>>
      %dma_start3A_1994 = arith.constant 0 : i32
      %dma_start3A_1995 = tpu.memref_slice %arg4[%min3A_1797, %dma_start3A_1994] : memref<19680x768xf32, #tpu.memory_space<hbm>> -> memref<64x768xf32, #tpu.memory_space<hbm>>
      tpu.enqueue_dma source(%arg8 : memref<64x768xf32, #tpu.memory_space<vmem>>) target(%dma_start3A_1995 : memref<64x768xf32, #tpu.memory_space<hbm>>) target_semaphore(%run_scoped3A : memref<!tpu.dma_semaphore, #tpu.memory_space<semaphore_mem>>)
      %dma_wait3A_1996 = arith.constant 0 : i32
      %dma_wait3A_1997 = tpu.memref_slice %arg4[%min3A_1797, %dma_wait3A_1996] : memref<19680x768xf32, #tpu.memory_space<hbm>> -> memref<64x768xf32, #tpu.memory_space<hbm>>
      %dma_wait3A_1998 = arith.constant 0 : i32
      %dma_wait3A_1999 = tpu.memref_slice %arg4[%min3A_1797, %dma_wait3A_1998] : memref<19680x768xf32, #tpu.memory_space<hbm>> -> memref<64x768xf32, #tpu.memory_space<hbm>>
      tpu.wait_dma2 semaphore(%run_scoped3A : memref<!tpu.dma_semaphore, #tpu.memory_space<semaphore_mem>>) src(%arg8 : memref<64x768xf32, #tpu.memory_space<vmem>>) dst(%dma_wait3A_1999 : memref<64x768xf32, #tpu.memory_space<hbm>>)
      tpu.yield
    }) : () -> ()
    return
  }
}

module attributes {stable_mosaic.version = 14 : i64} {
  func.func @_rank_body(%arg0: i32, %arg1: i32, %arg2: memref<1x1x8192xf32, #tpu.memory_space<vmem>>, %arg3: memref<1x1x8192xf32, #tpu.memory_space<vmem>>, %arg4: memref<1x1024x1xf32, #tpu.memory_space<vmem>>, %arg5: memref<1x1024x1xf32, #tpu.memory_space<vmem>>, %arg6: memref<1x1024x1xi32, #tpu.memory_space<vmem>>) attributes {dimension_semantics = [#tpu.dimension_semantics<arbitrary>, #tpu.dimension_semantics<arbitrary>], iteration_bounds = array<i64: 4, 8>, scalar_prefetch = 0 : i64, scratch_operands = 0 : i64, tpu.core_type = #tpu.core_type<tc>, window_params = [{transform_indices = @transform_0, window_bounds = array<i64: 1, 1, 8192>}, {transform_indices = @transform_1, window_bounds = array<i64: 1, 1, 8192>}, {transform_indices = @transform_2, window_bounds = array<i64: 1, 1024, 1>}, {transform_indices = @transform_3, window_bounds = array<i64: 1, 1024, 1>}, {transform_indices = @transform_4, window_bounds = array<i64: 1, 1024, 1>}]} {
    %get3A = arith.constant 0 : index
    %get3A_0 = arith.constant 0 : index
    %get3A_1 = arith.constant 0 : index
    %get3A_2 = vector.load %arg2[%get3A, %get3A_0, %get3A_1] : memref<1x1x8192xf32, #tpu.memory_space<vmem>>, vector<1x1x8192xf32>
    %get3A_3 = vector.shape_cast %get3A_2 : vector<1x1x8192xf32> to vector<1x8192xf32>
    %get3A_4 = arith.constant 0 : index
    %get3A_5 = arith.constant 0 : index
    %get3A_6 = arith.constant 0 : index
    %get3A_7 = vector.load %arg3[%get3A_4, %get3A_5, %get3A_6] : memref<1x1x8192xf32, #tpu.memory_space<vmem>>, vector<1x1x8192xf32>
    %get3A_8 = vector.shape_cast %get3A_7 : vector<1x1x8192xf32> to vector<1x8192xf32>
    %add3A = arith.addf %get3A_3, %get3A_8 : vector<1x8192xf32>
    %bitcast_convert_type3A = tpu.bitcast %add3A : vector<1x8192xf32> -> vector<1x8192xi32>
    %lt3A = arith.constant 0 : i32
    %lt3A_9 = vector.broadcast %lt3A : i32 to vector<1x8192xi32>
    %lt3A_10 = arith.cmpi slt, %bitcast_convert_type3A, %lt3A_9 : vector<1x8192xi32>
    %xor3A = arith.constant 2147483647 : i32
    %xor3A_11 = vector.broadcast %xor3A : i32 to vector<1x8192xi32>
    %xor3A_12 = arith.xori %bitcast_convert_type3A, %xor3A_11 : vector<1x8192xi32>
    %select_n3A = arith.select %lt3A_10, %xor3A_12, %bitcast_convert_type3A : vector<1x8192xi1>, vector<1x8192xi32>
    %get3A_13 = arith.constant 0 : index
    %get3A_14 = arith.constant 0 : index
    %get3A_15 = arith.constant 0 : index
    %get3A_16 = vector.load %arg4[%get3A_13, %get3A_14, %get3A_15] : memref<1x1024x1xf32, #tpu.memory_space<vmem>>, vector<1x1024x1xf32>
    %get3A_17 = vector.shape_cast %get3A_16 : vector<1x1024x1xf32> to vector<1024x1xf32>
    %get3A_18 = arith.constant 0 : index
    %get3A_19 = arith.constant 0 : index
    %get3A_20 = arith.constant 0 : index
    %get3A_21 = vector.load %arg5[%get3A_18, %get3A_19, %get3A_20] : memref<1x1024x1xf32, #tpu.memory_space<vmem>>, vector<1x1024x1xf32>
    %get3A_22 = vector.shape_cast %get3A_21 : vector<1x1024x1xf32> to vector<1024x1xf32>
    %add3A_23 = arith.addf %get3A_17, %get3A_22 : vector<1024x1xf32>
    %bitcast_convert_type3A_24 = tpu.bitcast %add3A_23 : vector<1024x1xf32> -> vector<1024x1xi32>
    %lt3A_25 = arith.constant 0 : i32
    %lt3A_26 = vector.broadcast %lt3A_25 : i32 to vector<1024x1xi32>
    %lt3A_27 = arith.cmpi slt, %bitcast_convert_type3A_24, %lt3A_26 : vector<1024x1xi32>
    %xor3A_28 = arith.constant 2147483647 : i32
    %xor3A_29 = vector.broadcast %xor3A_28 : i32 to vector<1024x1xi32>
    %xor3A_30 = arith.xori %bitcast_convert_type3A_24, %xor3A_29 : vector<1024x1xi32>
    %select_n3A_31 = arith.select %lt3A_27, %xor3A_30, %bitcast_convert_type3A_24 : vector<1024x1xi1>, vector<1024x1xi32>
    %mul3A = arith.constant 1024 : i32
    %mul3A_32 = arith.muli %arg1, %mul3A : i32
    %iota3A = tpu.iota {dimensions = array<i32: 0>} : vector<1024x1xi32>
    %add3A_33 = vector.broadcast %mul3A_32 : i32 to vector<1024x1xi32>
    %add3A_34 = arith.addi %add3A_33, %iota3A : vector<1024x1xi32>
    %broadcast_in_dim3A = arith.constant 0.000000e+00 : f32
    %broadcast_in_dim3A_35 = vector.broadcast %broadcast_in_dim3A : f32 to vector<1024x1xf32>
    %slice3A = vector.extract_strided_slice %select_n3A {offsets = [0, 0], sizes = [1, 2048], strides = [1, 1]} : vector<1x8192xi32> to vector<1x2048xi32>
    %add3A_36 = arith.constant 1 : i32
    %add3A_37 = arith.addi %arg1, %add3A_36 : i32
    %mul3A_38 = arith.constant 1024 : i32
    %mul3A_39 = arith.muli %add3A_37, %mul3A_38 : i32
    %le3A = arith.constant 0 : i32
    %le3A_40 = arith.cmpi sle, %mul3A_39, %le3A : i32
    %mul3A_41 = arith.constant 1024 : i32
    %mul3A_42 = arith.muli %arg1, %mul3A_41 : i32
    %ge3A = arith.constant 2048 : i32
    %ge3A_43 = arith.cmpi sge, %mul3A_42, %ge3A : i32
    %convert_element_type3A = arith.extui %le3A_40 : i1 to i32
    %cond3A = arith.constant 0 : i32
    %cond3A_44 = arith.cmpi ne, %convert_element_type3A, %cond3A : i32
    %cond3A_45 = scf.if %cond3A_44 -> (vector<1024x1xf32>) {
      %gt3A = vector.broadcast %slice3A : vector<1x2048xi32> to vector<1024x2048xi32>
      %gt3A_101 = vector.broadcast %select_n3A_31 : vector<1024x1xi32> to vector<1024x2048xi32>
      %gt3A_102 = arith.cmpi sgt, %gt3A, %gt3A_101 : vector<1024x2048xi32>
      %jit3A = arith.constant 1.000000e+00 : f32
      %jit3A_103 = arith.constant 0.000000e+00 : f32
      %broadcast_in_dim3A_104 = vector.broadcast %jit3A : f32 to vector<1024x2048xf32>
      %broadcast_in_dim3A_105 = vector.broadcast %jit3A_103 : f32 to vector<1024x2048xf32>
      %select_n3A_106 = arith.select %gt3A_102, %broadcast_in_dim3A_104, %broadcast_in_dim3A_105 : vector<1024x2048xi1>, vector<1024x2048xf32>
      %reduce_sum3A = arith.constant dense<0.000000e+00> : vector<1024xf32>
      %reduce_sum3A_107 = vector.multi_reduction <add>, %select_n3A_106, %reduce_sum3A [1] : vector<1024x2048xf32> to vector<1024xf32>
      %broadcast_in_dim3A_108 = vector.shape_cast %reduce_sum3A_107 : vector<1024xf32> to vector<1024x1xf32>
      scf.yield %broadcast_in_dim3A_108 : vector<1024x1xf32>
    } else {
      %convert_element_type3A_101 = arith.extui %ge3A_43 : i1 to i32
      %cond3A_102 = arith.constant 0 : i32
      %cond3A_103 = arith.cmpi ne, %convert_element_type3A_101, %cond3A_102 : i32
      %cond3A_104 = scf.if %cond3A_103 -> (vector<1024x1xf32>) {
        %ge3A_105 = vector.broadcast %slice3A : vector<1x2048xi32> to vector<1024x2048xi32>
        %ge3A_106 = vector.broadcast %select_n3A_31 : vector<1024x1xi32> to vector<1024x2048xi32>
        %ge3A_107 = arith.cmpi sge, %ge3A_105, %ge3A_106 : vector<1024x2048xi32>
        %jit3A = arith.constant 1.000000e+00 : f32
        %jit3A_108 = arith.constant 0.000000e+00 : f32
        %broadcast_in_dim3A_109 = vector.broadcast %jit3A : f32 to vector<1024x2048xf32>
        %broadcast_in_dim3A_110 = vector.broadcast %jit3A_108 : f32 to vector<1024x2048xf32>
        %select_n3A_111 = arith.select %ge3A_107, %broadcast_in_dim3A_109, %broadcast_in_dim3A_110 : vector<1024x2048xi1>, vector<1024x2048xf32>
        %reduce_sum3A = arith.constant dense<0.000000e+00> : vector<1024xf32>
        %reduce_sum3A_112 = vector.multi_reduction <add>, %select_n3A_111, %reduce_sum3A [1] : vector<1024x2048xf32> to vector<1024xf32>
        %broadcast_in_dim3A_113 = vector.shape_cast %reduce_sum3A_112 : vector<1024xf32> to vector<1024x1xf32>
        scf.yield %broadcast_in_dim3A_113 : vector<1024x1xf32>
      } else {
        %iota3A_105 = tpu.iota {dimensions = array<i32: 1>} : vector<1x2048xi32>
        %add3A_106 = arith.constant 0 : i32
        %add3A_107 = vector.broadcast %add3A_106 : i32 to vector<1x2048xi32>
        %add3A_108 = arith.addi %add3A_107, %iota3A_105 : vector<1x2048xi32>
        %eq3A = vector.broadcast %slice3A : vector<1x2048xi32> to vector<1024x2048xi32>
        %eq3A_109 = vector.broadcast %select_n3A_31 : vector<1024x1xi32> to vector<1024x2048xi32>
        %eq3A_110 = arith.cmpi eq, %eq3A, %eq3A_109 : vector<1024x2048xi32>
        %lt3A_111 = vector.broadcast %add3A_108 : vector<1x2048xi32> to vector<1024x2048xi32>
        %lt3A_112 = vector.broadcast %add3A_34 : vector<1024x1xi32> to vector<1024x2048xi32>
        %lt3A_113 = arith.cmpi slt, %lt3A_111, %lt3A_112 : vector<1024x2048xi32>
        %and3A = arith.andi %eq3A_110, %lt3A_113 : vector<1024x2048xi1>
        %gt3A = vector.broadcast %slice3A : vector<1x2048xi32> to vector<1024x2048xi32>
        %gt3A_114 = vector.broadcast %select_n3A_31 : vector<1024x1xi32> to vector<1024x2048xi32>
        %gt3A_115 = arith.cmpi sgt, %gt3A, %gt3A_114 : vector<1024x2048xi32>
        %or3A = arith.ori %gt3A_115, %and3A : vector<1024x2048xi1>
        %jit3A = arith.constant 1.000000e+00 : f32
        %jit3A_116 = arith.constant 0.000000e+00 : f32
        %broadcast_in_dim3A_117 = vector.broadcast %jit3A : f32 to vector<1024x2048xf32>
        %broadcast_in_dim3A_118 = vector.broadcast %jit3A_116 : f32 to vector<1024x2048xf32>
        %select_n3A_119 = arith.select %or3A, %broadcast_in_dim3A_117, %broadcast_in_dim3A_118 : vector<1024x2048xi1>, vector<1024x2048xf32>
        %reduce_sum3A = arith.constant dense<0.000000e+00> : vector<1024xf32>
        %reduce_sum3A_120 = vector.multi_reduction <add>, %select_n3A_119, %reduce_sum3A [1] : vector<1024x2048xf32> to vector<1024xf32>
        %broadcast_in_dim3A_121 = vector.shape_cast %reduce_sum3A_120 : vector<1024xf32> to vector<1024x1xf32>
        scf.yield %broadcast_in_dim3A_121 : vector<1024x1xf32>
      }
      scf.yield %cond3A_104 : vector<1024x1xf32>
    }
    %add3A_46 = arith.addf %broadcast_in_dim3A_35, %cond3A_45 : vector<1024x1xf32>
    %slice3A_47 = vector.extract_strided_slice %select_n3A {offsets = [0, 2048], sizes = [1, 2048], strides = [1, 1]} : vector<1x8192xi32> to vector<1x2048xi32>
    %add3A_48 = arith.constant 1 : i32
    %add3A_49 = arith.addi %arg1, %add3A_48 : i32
    %mul3A_50 = arith.constant 1024 : i32
    %mul3A_51 = arith.muli %add3A_49, %mul3A_50 : i32
    %le3A_52 = arith.constant 2048 : i32
    %le3A_53 = arith.cmpi sle, %mul3A_51, %le3A_52 : i32
    %mul3A_54 = arith.constant 1024 : i32
    %mul3A_55 = arith.muli %arg1, %mul3A_54 : i32
    %ge3A_56 = arith.constant 4096 : i32
    %ge3A_57 = arith.cmpi sge, %mul3A_55, %ge3A_56 : i32
    %convert_element_type3A_58 = arith.extui %le3A_53 : i1 to i32
    %cond3A_59 = arith.constant 0 : i32
    %cond3A_60 = arith.cmpi ne, %convert_element_type3A_58, %cond3A_59 : i32
    %cond3A_61 = scf.if %cond3A_60 -> (vector<1024x1xf32>) {
      %gt3A = vector.broadcast %slice3A_47 : vector<1x2048xi32> to vector<1024x2048xi32>
      %gt3A_101 = vector.broadcast %select_n3A_31 : vector<1024x1xi32> to vector<1024x2048xi32>
      %gt3A_102 = arith.cmpi sgt, %gt3A, %gt3A_101 : vector<1024x2048xi32>
      %jit3A = arith.constant 1.000000e+00 : f32
      %jit3A_103 = arith.constant 0.000000e+00 : f32
      %broadcast_in_dim3A_104 = vector.broadcast %jit3A : f32 to vector<1024x2048xf32>
      %broadcast_in_dim3A_105 = vector.broadcast %jit3A_103 : f32 to vector<1024x2048xf32>
      %select_n3A_106 = arith.select %gt3A_102, %broadcast_in_dim3A_104, %broadcast_in_dim3A_105 : vector<1024x2048xi1>, vector<1024x2048xf32>
      %reduce_sum3A = arith.constant dense<0.000000e+00> : vector<1024xf32>
      %reduce_sum3A_107 = vector.multi_reduction <add>, %select_n3A_106, %reduce_sum3A [1] : vector<1024x2048xf32> to vector<1024xf32>
      %broadcast_in_dim3A_108 = vector.shape_cast %reduce_sum3A_107 : vector<1024xf32> to vector<1024x1xf32>
      scf.yield %broadcast_in_dim3A_108 : vector<1024x1xf32>
    } else {
      %convert_element_type3A_101 = arith.extui %ge3A_57 : i1 to i32
      %cond3A_102 = arith.constant 0 : i32
      %cond3A_103 = arith.cmpi ne, %convert_element_type3A_101, %cond3A_102 : i32
      %cond3A_104 = scf.if %cond3A_103 -> (vector<1024x1xf32>) {
        %ge3A_105 = vector.broadcast %slice3A_47 : vector<1x2048xi32> to vector<1024x2048xi32>
        %ge3A_106 = vector.broadcast %select_n3A_31 : vector<1024x1xi32> to vector<1024x2048xi32>
        %ge3A_107 = arith.cmpi sge, %ge3A_105, %ge3A_106 : vector<1024x2048xi32>
        %jit3A = arith.constant 1.000000e+00 : f32
        %jit3A_108 = arith.constant 0.000000e+00 : f32
        %broadcast_in_dim3A_109 = vector.broadcast %jit3A : f32 to vector<1024x2048xf32>
        %broadcast_in_dim3A_110 = vector.broadcast %jit3A_108 : f32 to vector<1024x2048xf32>
        %select_n3A_111 = arith.select %ge3A_107, %broadcast_in_dim3A_109, %broadcast_in_dim3A_110 : vector<1024x2048xi1>, vector<1024x2048xf32>
        %reduce_sum3A = arith.constant dense<0.000000e+00> : vector<1024xf32>
        %reduce_sum3A_112 = vector.multi_reduction <add>, %select_n3A_111, %reduce_sum3A [1] : vector<1024x2048xf32> to vector<1024xf32>
        %broadcast_in_dim3A_113 = vector.shape_cast %reduce_sum3A_112 : vector<1024xf32> to vector<1024x1xf32>
        scf.yield %broadcast_in_dim3A_113 : vector<1024x1xf32>
      } else {
        %iota3A_105 = tpu.iota {dimensions = array<i32: 1>} : vector<1x2048xi32>
        %add3A_106 = arith.constant 2048 : i32
        %add3A_107 = vector.broadcast %add3A_106 : i32 to vector<1x2048xi32>
        %add3A_108 = arith.addi %add3A_107, %iota3A_105 : vector<1x2048xi32>
        %eq3A = vector.broadcast %slice3A_47 : vector<1x2048xi32> to vector<1024x2048xi32>
        %eq3A_109 = vector.broadcast %select_n3A_31 : vector<1024x1xi32> to vector<1024x2048xi32>
        %eq3A_110 = arith.cmpi eq, %eq3A, %eq3A_109 : vector<1024x2048xi32>
        %lt3A_111 = vector.broadcast %add3A_108 : vector<1x2048xi32> to vector<1024x2048xi32>
        %lt3A_112 = vector.broadcast %add3A_34 : vector<1024x1xi32> to vector<1024x2048xi32>
        %lt3A_113 = arith.cmpi slt, %lt3A_111, %lt3A_112 : vector<1024x2048xi32>
        %and3A = arith.andi %eq3A_110, %lt3A_113 : vector<1024x2048xi1>
        %gt3A = vector.broadcast %slice3A_47 : vector<1x2048xi32> to vector<1024x2048xi32>
        %gt3A_114 = vector.broadcast %select_n3A_31 : vector<1024x1xi32> to vector<1024x2048xi32>
        %gt3A_115 = arith.cmpi sgt, %gt3A, %gt3A_114 : vector<1024x2048xi32>
        %or3A = arith.ori %gt3A_115, %and3A : vector<1024x2048xi1>
        %jit3A = arith.constant 1.000000e+00 : f32
        %jit3A_116 = arith.constant 0.000000e+00 : f32
        %broadcast_in_dim3A_117 = vector.broadcast %jit3A : f32 to vector<1024x2048xf32>
        %broadcast_in_dim3A_118 = vector.broadcast %jit3A_116 : f32 to vector<1024x2048xf32>
        %select_n3A_119 = arith.select %or3A, %broadcast_in_dim3A_117, %broadcast_in_dim3A_118 : vector<1024x2048xi1>, vector<1024x2048xf32>
        %reduce_sum3A = arith.constant dense<0.000000e+00> : vector<1024xf32>
        %reduce_sum3A_120 = vector.multi_reduction <add>, %select_n3A_119, %reduce_sum3A [1] : vector<1024x2048xf32> to vector<1024xf32>
        %broadcast_in_dim3A_121 = vector.shape_cast %reduce_sum3A_120 : vector<1024xf32> to vector<1024x1xf32>
        scf.yield %broadcast_in_dim3A_121 : vector<1024x1xf32>
      }
      scf.yield %cond3A_104 : vector<1024x1xf32>
    }
    %add3A_62 = arith.addf %add3A_46, %cond3A_61 : vector<1024x1xf32>
    %slice3A_63 = vector.extract_strided_slice %select_n3A {offsets = [0, 4096], sizes = [1, 2048], strides = [1, 1]} : vector<1x8192xi32> to vector<1x2048xi32>
    %add3A_64 = arith.constant 1 : i32
    %add3A_65 = arith.addi %arg1, %add3A_64 : i32
    %mul3A_66 = arith.constant 1024 : i32
    %mul3A_67 = arith.muli %add3A_65, %mul3A_66 : i32
    %le3A_68 = arith.constant 4096 : i32
    %le3A_69 = arith.cmpi sle, %mul3A_67, %le3A_68 : i32
    %mul3A_70 = arith.constant 1024 : i32
    %mul3A_71 = arith.muli %arg1, %mul3A_70 : i32
    %ge3A_72 = arith.constant 6144 : i32
    %ge3A_73 = arith.cmpi sge, %mul3A_71, %ge3A_72 : i32
    %convert_element_type3A_74 = arith.extui %le3A_69 : i1 to i32
    %cond3A_75 = arith.constant 0 : i32
    %cond3A_76 = arith.cmpi ne, %convert_element_type3A_74, %cond3A_75 : i32
    %cond3A_77 = scf.if %cond3A_76 -> (vector<1024x1xf32>) {
      %gt3A = vector.broadcast %slice3A_63 : vector<1x2048xi32> to vector<1024x2048xi32>
      %gt3A_101 = vector.broadcast %select_n3A_31 : vector<1024x1xi32> to vector<1024x2048xi32>
      %gt3A_102 = arith.cmpi sgt, %gt3A, %gt3A_101 : vector<1024x2048xi32>
      %jit3A = arith.constant 1.000000e+00 : f32
      %jit3A_103 = arith.constant 0.000000e+00 : f32
      %broadcast_in_dim3A_104 = vector.broadcast %jit3A : f32 to vector<1024x2048xf32>
      %broadcast_in_dim3A_105 = vector.broadcast %jit3A_103 : f32 to vector<1024x2048xf32>
      %select_n3A_106 = arith.select %gt3A_102, %broadcast_in_dim3A_104, %broadcast_in_dim3A_105 : vector<1024x2048xi1>, vector<1024x2048xf32>
      %reduce_sum3A = arith.constant dense<0.000000e+00> : vector<1024xf32>
      %reduce_sum3A_107 = vector.multi_reduction <add>, %select_n3A_106, %reduce_sum3A [1] : vector<1024x2048xf32> to vector<1024xf32>
      %broadcast_in_dim3A_108 = vector.shape_cast %reduce_sum3A_107 : vector<1024xf32> to vector<1024x1xf32>
      scf.yield %broadcast_in_dim3A_108 : vector<1024x1xf32>
    } else {
      %convert_element_type3A_101 = arith.extui %ge3A_73 : i1 to i32
      %cond3A_102 = arith.constant 0 : i32
      %cond3A_103 = arith.cmpi ne, %convert_element_type3A_101, %cond3A_102 : i32
      %cond3A_104 = scf.if %cond3A_103 -> (vector<1024x1xf32>) {
        %ge3A_105 = vector.broadcast %slice3A_63 : vector<1x2048xi32> to vector<1024x2048xi32>
        %ge3A_106 = vector.broadcast %select_n3A_31 : vector<1024x1xi32> to vector<1024x2048xi32>
        %ge3A_107 = arith.cmpi sge, %ge3A_105, %ge3A_106 : vector<1024x2048xi32>
        %jit3A = arith.constant 1.000000e+00 : f32
        %jit3A_108 = arith.constant 0.000000e+00 : f32
        %broadcast_in_dim3A_109 = vector.broadcast %jit3A : f32 to vector<1024x2048xf32>
        %broadcast_in_dim3A_110 = vector.broadcast %jit3A_108 : f32 to vector<1024x2048xf32>
        %select_n3A_111 = arith.select %ge3A_107, %broadcast_in_dim3A_109, %broadcast_in_dim3A_110 : vector<1024x2048xi1>, vector<1024x2048xf32>
        %reduce_sum3A = arith.constant dense<0.000000e+00> : vector<1024xf32>
        %reduce_sum3A_112 = vector.multi_reduction <add>, %select_n3A_111, %reduce_sum3A [1] : vector<1024x2048xf32> to vector<1024xf32>
        %broadcast_in_dim3A_113 = vector.shape_cast %reduce_sum3A_112 : vector<1024xf32> to vector<1024x1xf32>
        scf.yield %broadcast_in_dim3A_113 : vector<1024x1xf32>
      } else {
        %iota3A_105 = tpu.iota {dimensions = array<i32: 1>} : vector<1x2048xi32>
        %add3A_106 = arith.constant 4096 : i32
        %add3A_107 = vector.broadcast %add3A_106 : i32 to vector<1x2048xi32>
        %add3A_108 = arith.addi %add3A_107, %iota3A_105 : vector<1x2048xi32>
        %eq3A = vector.broadcast %slice3A_63 : vector<1x2048xi32> to vector<1024x2048xi32>
        %eq3A_109 = vector.broadcast %select_n3A_31 : vector<1024x1xi32> to vector<1024x2048xi32>
        %eq3A_110 = arith.cmpi eq, %eq3A, %eq3A_109 : vector<1024x2048xi32>
        %lt3A_111 = vector.broadcast %add3A_108 : vector<1x2048xi32> to vector<1024x2048xi32>
        %lt3A_112 = vector.broadcast %add3A_34 : vector<1024x1xi32> to vector<1024x2048xi32>
        %lt3A_113 = arith.cmpi slt, %lt3A_111, %lt3A_112 : vector<1024x2048xi32>
        %and3A = arith.andi %eq3A_110, %lt3A_113 : vector<1024x2048xi1>
        %gt3A = vector.broadcast %slice3A_63 : vector<1x2048xi32> to vector<1024x2048xi32>
        %gt3A_114 = vector.broadcast %select_n3A_31 : vector<1024x1xi32> to vector<1024x2048xi32>
        %gt3A_115 = arith.cmpi sgt, %gt3A, %gt3A_114 : vector<1024x2048xi32>
        %or3A = arith.ori %gt3A_115, %and3A : vector<1024x2048xi1>
        %jit3A = arith.constant 1.000000e+00 : f32
        %jit3A_116 = arith.constant 0.000000e+00 : f32
        %broadcast_in_dim3A_117 = vector.broadcast %jit3A : f32 to vector<1024x2048xf32>
        %broadcast_in_dim3A_118 = vector.broadcast %jit3A_116 : f32 to vector<1024x2048xf32>
        %select_n3A_119 = arith.select %or3A, %broadcast_in_dim3A_117, %broadcast_in_dim3A_118 : vector<1024x2048xi1>, vector<1024x2048xf32>
        %reduce_sum3A = arith.constant dense<0.000000e+00> : vector<1024xf32>
        %reduce_sum3A_120 = vector.multi_reduction <add>, %select_n3A_119, %reduce_sum3A [1] : vector<1024x2048xf32> to vector<1024xf32>
        %broadcast_in_dim3A_121 = vector.shape_cast %reduce_sum3A_120 : vector<1024xf32> to vector<1024x1xf32>
        scf.yield %broadcast_in_dim3A_121 : vector<1024x1xf32>
      }
      scf.yield %cond3A_104 : vector<1024x1xf32>
    }
    %add3A_78 = arith.addf %add3A_62, %cond3A_77 : vector<1024x1xf32>
    %slice3A_79 = vector.extract_strided_slice %select_n3A {offsets = [0, 6144], sizes = [1, 2048], strides = [1, 1]} : vector<1x8192xi32> to vector<1x2048xi32>
    %add3A_80 = arith.constant 1 : i32
    %add3A_81 = arith.addi %arg1, %add3A_80 : i32
    %mul3A_82 = arith.constant 1024 : i32
    %mul3A_83 = arith.muli %add3A_81, %mul3A_82 : i32
    %le3A_84 = arith.constant 6144 : i32
    %le3A_85 = arith.cmpi sle, %mul3A_83, %le3A_84 : i32
    %mul3A_86 = arith.constant 1024 : i32
    %mul3A_87 = arith.muli %arg1, %mul3A_86 : i32
    %ge3A_88 = arith.constant 8192 : i32
    %ge3A_89 = arith.cmpi sge, %mul3A_87, %ge3A_88 : i32
    %convert_element_type3A_90 = arith.extui %le3A_85 : i1 to i32
    %cond3A_91 = arith.constant 0 : i32
    %cond3A_92 = arith.cmpi ne, %convert_element_type3A_90, %cond3A_91 : i32
    %cond3A_93 = scf.if %cond3A_92 -> (vector<1024x1xf32>) {
      %gt3A = vector.broadcast %slice3A_79 : vector<1x2048xi32> to vector<1024x2048xi32>
      %gt3A_101 = vector.broadcast %select_n3A_31 : vector<1024x1xi32> to vector<1024x2048xi32>
      %gt3A_102 = arith.cmpi sgt, %gt3A, %gt3A_101 : vector<1024x2048xi32>
      %jit3A = arith.constant 1.000000e+00 : f32
      %jit3A_103 = arith.constant 0.000000e+00 : f32
      %broadcast_in_dim3A_104 = vector.broadcast %jit3A : f32 to vector<1024x2048xf32>
      %broadcast_in_dim3A_105 = vector.broadcast %jit3A_103 : f32 to vector<1024x2048xf32>
      %select_n3A_106 = arith.select %gt3A_102, %broadcast_in_dim3A_104, %broadcast_in_dim3A_105 : vector<1024x2048xi1>, vector<1024x2048xf32>
      %reduce_sum3A = arith.constant dense<0.000000e+00> : vector<1024xf32>
      %reduce_sum3A_107 = vector.multi_reduction <add>, %select_n3A_106, %reduce_sum3A [1] : vector<1024x2048xf32> to vector<1024xf32>
      %broadcast_in_dim3A_108 = vector.shape_cast %reduce_sum3A_107 : vector<1024xf32> to vector<1024x1xf32>
      scf.yield %broadcast_in_dim3A_108 : vector<1024x1xf32>
    } else {
      %convert_element_type3A_101 = arith.extui %ge3A_89 : i1 to i32
      %cond3A_102 = arith.constant 0 : i32
      %cond3A_103 = arith.cmpi ne, %convert_element_type3A_101, %cond3A_102 : i32
      %cond3A_104 = scf.if %cond3A_103 -> (vector<1024x1xf32>) {
        %ge3A_105 = vector.broadcast %slice3A_79 : vector<1x2048xi32> to vector<1024x2048xi32>
        %ge3A_106 = vector.broadcast %select_n3A_31 : vector<1024x1xi32> to vector<1024x2048xi32>
        %ge3A_107 = arith.cmpi sge, %ge3A_105, %ge3A_106 : vector<1024x2048xi32>
        %jit3A = arith.constant 1.000000e+00 : f32
        %jit3A_108 = arith.constant 0.000000e+00 : f32
        %broadcast_in_dim3A_109 = vector.broadcast %jit3A : f32 to vector<1024x2048xf32>
        %broadcast_in_dim3A_110 = vector.broadcast %jit3A_108 : f32 to vector<1024x2048xf32>
        %select_n3A_111 = arith.select %ge3A_107, %broadcast_in_dim3A_109, %broadcast_in_dim3A_110 : vector<1024x2048xi1>, vector<1024x2048xf32>
        %reduce_sum3A = arith.constant dense<0.000000e+00> : vector<1024xf32>
        %reduce_sum3A_112 = vector.multi_reduction <add>, %select_n3A_111, %reduce_sum3A [1] : vector<1024x2048xf32> to vector<1024xf32>
        %broadcast_in_dim3A_113 = vector.shape_cast %reduce_sum3A_112 : vector<1024xf32> to vector<1024x1xf32>
        scf.yield %broadcast_in_dim3A_113 : vector<1024x1xf32>
      } else {
        %iota3A_105 = tpu.iota {dimensions = array<i32: 1>} : vector<1x2048xi32>
        %add3A_106 = arith.constant 6144 : i32
        %add3A_107 = vector.broadcast %add3A_106 : i32 to vector<1x2048xi32>
        %add3A_108 = arith.addi %add3A_107, %iota3A_105 : vector<1x2048xi32>
        %eq3A = vector.broadcast %slice3A_79 : vector<1x2048xi32> to vector<1024x2048xi32>
        %eq3A_109 = vector.broadcast %select_n3A_31 : vector<1024x1xi32> to vector<1024x2048xi32>
        %eq3A_110 = arith.cmpi eq, %eq3A, %eq3A_109 : vector<1024x2048xi32>
        %lt3A_111 = vector.broadcast %add3A_108 : vector<1x2048xi32> to vector<1024x2048xi32>
        %lt3A_112 = vector.broadcast %add3A_34 : vector<1024x1xi32> to vector<1024x2048xi32>
        %lt3A_113 = arith.cmpi slt, %lt3A_111, %lt3A_112 : vector<1024x2048xi32>
        %and3A = arith.andi %eq3A_110, %lt3A_113 : vector<1024x2048xi1>
        %gt3A = vector.broadcast %slice3A_79 : vector<1x2048xi32> to vector<1024x2048xi32>
        %gt3A_114 = vector.broadcast %select_n3A_31 : vector<1024x1xi32> to vector<1024x2048xi32>
        %gt3A_115 = arith.cmpi sgt, %gt3A, %gt3A_114 : vector<1024x2048xi32>
        %or3A = arith.ori %gt3A_115, %and3A : vector<1024x2048xi1>
        %jit3A = arith.constant 1.000000e+00 : f32
        %jit3A_116 = arith.constant 0.000000e+00 : f32
        %broadcast_in_dim3A_117 = vector.broadcast %jit3A : f32 to vector<1024x2048xf32>
        %broadcast_in_dim3A_118 = vector.broadcast %jit3A_116 : f32 to vector<1024x2048xf32>
        %select_n3A_119 = arith.select %or3A, %broadcast_in_dim3A_117, %broadcast_in_dim3A_118 : vector<1024x2048xi1>, vector<1024x2048xf32>
        %reduce_sum3A = arith.constant dense<0.000000e+00> : vector<1024xf32>
        %reduce_sum3A_120 = vector.multi_reduction <add>, %select_n3A_119, %reduce_sum3A [1] : vector<1024x2048xf32> to vector<1024xf32>
        %broadcast_in_dim3A_121 = vector.shape_cast %reduce_sum3A_120 : vector<1024xf32> to vector<1024x1xf32>
        scf.yield %broadcast_in_dim3A_121 : vector<1024x1xf32>
      }
      scf.yield %cond3A_104 : vector<1024x1xf32>
    }
    %add3A_94 = arith.addf %add3A_78, %cond3A_93 : vector<1024x1xf32>
    %convert_element_type3A_95 = arith.fptosi %add3A_94 : vector<1024x1xf32> to vector<1024x1xi32>
    %swap3A = arith.constant 0 : index
    %swap3A_96 = arith.constant 0 : index
    %swap3A_97 = arith.constant 0 : index
    %swap3A_98 = vector.load %arg6[%swap3A, %swap3A_96, %swap3A_97] : memref<1x1024x1xi32, #tpu.memory_space<vmem>>, vector<1x1024x1xi32>
    %swap3A_99 = vector.shape_cast %swap3A_98 : vector<1x1024x1xi32> to vector<1024x1xi32>
    %swap3A_100 = vector.shape_cast %convert_element_type3A_95 : vector<1024x1xi32> to vector<1x1024x1xi32>
    tpu.vector_store %arg6[%swap3A, %swap3A_96, %swap3A_97], %swap3A_100 {strides = array<i32>} : memref<1x1024x1xi32, #tpu.memory_space<vmem>>, vector<1x1024x1xi32>,
    return
  }
  func.func @transform_0(%arg0: i32, %arg1: i32) -> (i32, i32, i32) {
    %c0_i32 = arith.constant 0 : i32
    %c0_i32_0 = arith.constant 0 : i32
    %c0_i32_1 = arith.constant 0 : i32
    return %arg0, %c0_i32, %c0_i32_0 : i32, i32, i32
  }
  func.func @transform_1(%arg0: i32, %arg1: i32) -> (i32, i32, i32) {
    %c0_i32 = arith.constant 0 : i32
    %c0_i32_0 = arith.constant 0 : i32
    %c0_i32_1 = arith.constant 0 : i32
    return %arg0, %c0_i32, %c0_i32_0 : i32, i32, i32
  }
  func.func @transform_2(%arg0: i32, %arg1: i32) -> (i32, i32, i32) {
    %c0_i32 = arith.constant 0 : i32
    %c0_i32_0 = arith.constant 0 : i32
    return %arg0, %arg1, %c0_i32 : i32, i32, i32
  }
  func.func @transform_3(%arg0: i32, %arg1: i32) -> (i32, i32, i32) {
    %c0_i32 = arith.constant 0 : i32
    %c0_i32_0 = arith.constant 0 : i32
    return %arg0, %arg1, %c0_i32 : i32, i32, i32
  }
  func.func @transform_4(%arg0: i32, %arg1: i32) -> (i32, i32, i32) {
    %c0_i32 = arith.constant 0 : i32
    %c0_i32_0 = arith.constant 0 : i32
    return %arg0, %arg1, %c0_i32 : i32, i32, i32
  }
}

module attributes {stable_mosaic.version = 14 : i64} {
  func.func @_extra_body(%arg0: i32, %arg1: i32, %arg2: memref<1x8192x1xf32, #tpu.memory_space<vmem>>, %arg3: memref<1x8192x1xf32, #tpu.memory_space<vmem>>, %arg4: memref<1x8192x1xi32, #tpu.memory_space<vmem>>, %arg5: memref<1x1024x768xf32, #tpu.memory_space<vmem>>, %arg6: memref<1x1x768xf32, #tpu.memory_space<vmem>>, %arg7: memref<8192x1xf32, #tpu.memory_space<vmem>>) attributes {dimension_semantics = [#tpu.dimension_semantics<arbitrary>, #tpu.dimension_semantics<arbitrary>], iteration_bounds = array<i64: 4, 8>, scalar_prefetch = 0 : i64, scratch_operands = 1 : i64, tpu.core_type = #tpu.core_type<tc>, window_params = [{transform_indices = @transform_0, window_bounds = array<i64: 1, 8192, 1>}, {transform_indices = @transform_1, window_bounds = array<i64: 1, 8192, 1>}, {transform_indices = @transform_2, window_bounds = array<i64: 1, 8192, 1>}, {transform_indices = @transform_3, window_bounds = array<i64: 1, 1024, 768>}, {transform_indices = @transform_4, window_bounds = array<i64: 1, 1, 768>}]} {
    %eq3A = arith.constant 0 : i32
    %eq3A_0 = arith.cmpi eq, %arg1, %eq3A : i32
    %convert_element_type3A = arith.extui %eq3A_0 : i1 to i32
    %cond3A = arith.constant 0 : i32
    %cond3A_1 = arith.cmpi ne, %convert_element_type3A, %cond3A : i32
    scf.if %cond3A_1 {
      %get3A_20 = arith.constant 0 : index
      %get3A_21 = arith.constant 0 : index
      %get3A_22 = arith.constant 0 : index
      %get3A_23 = vector.load %arg2[%get3A_20, %get3A_21, %get3A_22] : memref<1x8192x1xf32, #tpu.memory_space<vmem>>, vector<1x8192x1xf32>
      %get3A_24 = vector.shape_cast %get3A_23 : vector<1x8192x1xf32> to vector<8192x1xf32>
      %get3A_25 = arith.constant 0 : index
      %get3A_26 = arith.constant 0 : index
      %get3A_27 = arith.constant 0 : index
      %get3A_28 = vector.load %arg3[%get3A_25, %get3A_26, %get3A_27] : memref<1x8192x1xf32, #tpu.memory_space<vmem>>, vector<1x8192x1xf32>
      %get3A_29 = vector.shape_cast %get3A_28 : vector<1x8192x1xf32> to vector<8192x1xf32>
      %add3A = arith.addf %get3A_24, %get3A_29 : vector<8192x1xf32>
      %get3A_30 = arith.constant 0 : index
      %get3A_31 = arith.constant 0 : index
      %get3A_32 = arith.constant 0 : index
      %get3A_33 = vector.load %arg4[%get3A_30, %get3A_31, %get3A_32] : memref<1x8192x1xi32, #tpu.memory_space<vmem>>, vector<1x8192x1xi32>
      %get3A_34 = vector.shape_cast %get3A_33 : vector<1x8192x1xi32> to vector<8192x1xi32>
      %ge3A = arith.constant 4916 : i32
      %ge3A_35 = vector.broadcast %ge3A : i32 to vector<8192x1xi32>
      %ge3A_36 = arith.cmpi sge, %get3A_34, %ge3A_35 : vector<8192x1xi32>
      %jit3A = arith.constant 0xFF800000 : f32
      %broadcast_in_dim3A = vector.broadcast %jit3A : f32 to vector<8192x1xf32>
      %select_n3A = arith.select %ge3A_36, %add3A, %broadcast_in_dim3A : vector<8192x1xi1>, vector<8192x1xf32>
      %reduce_max3A = vector.shape_cast %select_n3A : vector<8192x1xf32> to vector<1x8192x1xf32>
      %reduce_max3A_37 = arith.constant dense<0xFF800000> : vector<1xf32>
      %reduce_max3A_38 = vector.multi_reduction <maximumf>, %reduce_max3A, %reduce_max3A_37 [1, 2] : vector<1x8192x1xf32> to vector<1xf32>
      %reduce_max3A_39 = vector.shape_cast %reduce_max3A_38 : vector<1xf32> to vector<1x1x1xf32>
      %reduce_max3A_40 = vector.extract %reduce_max3A_39[0, 0, 0] : f32 from vector<1x1x1xf32>
      %sub3A = vector.broadcast %reduce_max3A_40 : f32 to vector<8192x1xf32>
      %sub3A_41 = arith.subf %select_n3A, %sub3A : vector<8192x1xf32>
      %exp3A = math.exp %sub3A_41 : vector<8192x1xf32>
      %reduce_sum3A = vector.shape_cast %exp3A : vector<8192x1xf32> to vector<1x8192x1xf32>
      %reduce_sum3A_42 = arith.constant dense<0.000000e+00> : vector<1xf32>
      %reduce_sum3A_43 = vector.multi_reduction <add>, %reduce_sum3A, %reduce_sum3A_42 [1, 2] : vector<1x8192x1xf32> to vector<1xf32>
      %reduce_sum3A_44 = vector.shape_cast %reduce_sum3A_43 : vector<1xf32> to vector<1x1x1xf32>
      %reduce_sum3A_45 = vector.extract %reduce_sum3A_44[0, 0, 0] : f32 from vector<1x1x1xf32>
      %div3A = vector.broadcast %reduce_sum3A_45 : f32 to vector<8192x1xf32>
      %div3A_46 = arith.divf %exp3A, %div3A : vector<8192x1xf32>
      %swap3A = arith.constant 0 : index
      %swap3A_47 = arith.constant 0 : index
      %swap3A_48 = vector.load %arg7[%swap3A, %swap3A_47] : memref<8192x1xf32, #tpu.memory_space<vmem>>, vector<8192x1xf32>
      tpu.vector_store %arg7[%swap3A, %swap3A_47], %div3A_46 {strides = array<i32>} : memref<8192x1xf32, #tpu.memory_space<vmem>>, vector<8192x1xf32>,
    } else {
    }
    %mul3A = arith.constant 1024 : i32
    %mul3A_2 = arith.muli %arg1, %mul3A : i32
    %get3A = arith.index_cast %mul3A_2 : i32 to index
    %get3A_3 = arith.constant 0 : index
    %get3A_4 = vector.load %arg7[%get3A, %get3A_3] : memref<8192x1xf32, #tpu.memory_space<vmem>>, vector<1024x1xf32>
    %get3A_5 = arith.constant 0 : index
    %get3A_6 = arith.constant 0 : index
    %get3A_7 = arith.constant 0 : index
    %get3A_8 = vector.load %arg5[%get3A_5, %get3A_6, %get3A_7] : memref<1x1024x768xf32, #tpu.memory_space<vmem>>, vector<1x1024x768xf32>
    %get3A_9 = vector.shape_cast %get3A_8 : vector<1x1024x768xf32> to vector<1024x768xf32>
    %dot_general3A = arith.constant dense<0.000000e+00> : vector<1x768xf32>
    %dot_general3A_10 = tpu.matmul %get3A_4, %get3A_9, %dot_general3A {dimension_numbers = #tpu.dot_dimension_numbers<[0], [0], [1], [1], [0, 1, 1, 1], [], []>, transpose_lhs_hint = false} : vector<1024x1xf32>, vector<1024x768xf32>, vector<1x768xf32> -> vector<1x768xf32>
    %eq3A_11 = arith.constant 0 : i32
    %eq3A_12 = arith.cmpi eq, %arg1, %eq3A_11 : i32
    %convert_element_type3A_13 = arith.extui %eq3A_12 : i1 to i32
    %cond3A_14 = arith.constant 0 : i32
    %cond3A_15 = arith.cmpi ne, %convert_element_type3A_13, %cond3A_14 : i32
    scf.if %cond3A_15 {
      %swap3A = arith.constant 0 : index
      %swap3A_20 = arith.constant 0 : index
      %swap3A_21 = arith.constant 0 : index
      %swap3A_22 = vector.load %arg6[%swap3A, %swap3A_20, %swap3A_21] : memref<1x1x768xf32, #tpu.memory_space<vmem>>, vector<1x1x768xf32>
      %swap3A_23 = vector.shape_cast %swap3A_22 : vector<1x1x768xf32> to vector<1x768xf32>
      %swap3A_24 = vector.shape_cast %dot_general3A_10 : vector<1x768xf32> to vector<1x1x768xf32>
      tpu.vector_store %arg6[%swap3A, %swap3A_20, %swap3A_21], %swap3A_24 {strides = array<i32>} : memref<1x1x768xf32, #tpu.memory_space<vmem>>, vector<1x1x768xf32>,
    } else {
    }
    %gt3A = arith.constant 0 : i32
    %gt3A_16 = arith.cmpi sgt, %arg1, %gt3A : i32
    %convert_element_type3A_17 = arith.extui %gt3A_16 : i1 to i32
    %cond3A_18 = arith.constant 0 : i32
    %cond3A_19 = arith.cmpi ne, %convert_element_type3A_17, %cond3A_18 : i32
    scf.if %cond3A_19 {
      %get3A_20 = arith.constant 0 : index
      %get3A_21 = arith.constant 0 : index
      %get3A_22 = arith.constant 0 : index
      %get3A_23 = vector.load %arg6[%get3A_20, %get3A_21, %get3A_22] : memref<1x1x768xf32, #tpu.memory_space<vmem>>, vector<1x1x768xf32>
      %get3A_24 = vector.shape_cast %get3A_23 : vector<1x1x768xf32> to vector<1x768xf32>
      %add3A = arith.addf %get3A_24, %dot_general3A_10 : vector<1x768xf32>
      %swap3A = arith.constant 0 : index
      %swap3A_25 = arith.constant 0 : index
      %swap3A_26 = arith.constant 0 : index
      %swap3A_27 = vector.load %arg6[%swap3A, %swap3A_25, %swap3A_26] : memref<1x1x768xf32, #tpu.memory_space<vmem>>, vector<1x1x768xf32>
      %swap3A_28 = vector.shape_cast %swap3A_27 : vector<1x1x768xf32> to vector<1x768xf32>
      %swap3A_29 = vector.shape_cast %add3A : vector<1x768xf32> to vector<1x1x768xf32>
      tpu.vector_store %arg6[%swap3A, %swap3A_25, %swap3A_26], %swap3A_29 {strides = array<i32>} : memref<1x1x768xf32, #tpu.memory_space<vmem>>, vector<1x1x768xf32>,
    } else {
    }
    return
  }
  func.func @transform_0(%arg0: i32, %arg1: i32) -> (i32, i32, i32) {
    %c0_i32 = arith.constant 0 : i32
    %c0_i32_0 = arith.constant 0 : i32
    %c0_i32_1 = arith.constant 0 : i32
    return %arg0, %c0_i32, %c0_i32_0 : i32, i32, i32
  }
  func.func @transform_1(%arg0: i32, %arg1: i32) -> (i32, i32, i32) {
    %c0_i32 = arith.constant 0 : i32
    %c0_i32_0 = arith.constant 0 : i32
    %c0_i32_1 = arith.constant 0 : i32
    return %arg0, %c0_i32, %c0_i32_0 : i32, i32, i32
  }
  func.func @transform_2(%arg0: i32, %arg1: i32) -> (i32, i32, i32) {
    %c0_i32 = arith.constant 0 : i32
    %c0_i32_0 = arith.constant 0 : i32
    %c0_i32_1 = arith.constant 0 : i32
    return %arg0, %c0_i32, %c0_i32_0 : i32, i32, i32
  }
  func.func @transform_3(%arg0: i32, %arg1: i32) -> (i32, i32, i32) {
    %c0_i32 = arith.constant 0 : i32
    %c0_i32_0 = arith.constant 0 : i32
    return %arg0, %arg1, %c0_i32 : i32, i32, i32
  }
  func.func @transform_4(%arg0: i32, %arg1: i32) -> (i32, i32, i32) {
    %c0_i32 = arith.constant 0 : i32
    %c0_i32_0 = arith.constant 0 : i32
    %c0_i32_1 = arith.constant 0 : i32
    return %arg0, %c0_i32, %c0_i32_0 : i32, i32, i32
  }
}

</mosaic_0001>

<sc_bundles>
// kernel: kernel.5.cloned.1.call-start
scs
__scs_entry_jumppad:
0x0: {  	(pc) =	sbr.rel $0x88, $3  }
0x1: {  	(tag) =	ssettag $0x0;
	lr =	simm.s32 $0x1  }
0x2: {  	[smem:$0x3F9E] =	sst lr;
	_ =	strace $0xD0000000  }
0x3: {  	_ = 	snop  }
0x4: {  	_ = 	snop  }
0x5: {  	_ = 	snop  }
0x6: {  	_ = 	snop  }
0x7: {  	_ = 	snop  }
__scs_overlays_trampoline_lowered:
0x8: {  	[smem:$0x3FAD] =	sst s0  }
0x9: {  	[smem:$0x3FAE] =	sst s1  }
0xa: {  	[smem:$0x3FAF] =	sst s2  }
0xb: {  	[smem:$0x3FB0] =	sst s3  }
0xc: {  	[smem:$0x3FB1] =	sst s4  }
0xd: {  	[smem:$0x3FB2] =	sst s5  }
0xe: {  	[smem:$0x3FB3] =	sst s6  }
0xf: {  	[smem:$0x3FB4] =	sst s7  }
0x10: {  	[smem:$0x3FB5] =	sst s8  }
0x11: {  	[smem:$0x3FB6] =	sst s9;
	s0 =	simm.s32 @!p0 $0x0  }
0x12: {  	s1 =	sld [smem:$0x3F9C];
	s0 =	simm.s32 @p0 $0x1  }
0x13: {  	[smem:$0x3FB7] =	sst s0;
	s0 =	simm.s32 @!p1 $0x0  }
0x14: {  	s2 =	sld [smem:$0x3F9B];
	s0 =	simm.s32 @p1 $0x1  }
0x15: {  	[smem:$0x3FB8] =	sst s0;
	s0 =	simm.s32 @!p2 $0x0  }
0x16: {  	s3 =	sld [smem:$0x3FDB];
	s0 =	simm.s32 @p2 $0x1  }
0x17: {  	s4 =	simm.s32 $0x1BF5;
	[smem:$0x3FBA] =	sst s0  }
0x18: {  	s0 =	sld [smem:$0x3F9D];
	_ =	swait.ge [sflag:s4], $0x0  }
0x19: {  	s7 =	sld [smem:$0x3F9E]  }
0x1a: {  	s8 =	sadd.s32 $0xFFFFE003, lr  }
0x1b: {  	s9 =	sadd.s32 $0xFFFFFEF7, lr;
	s5 =	simm.s32 $0xFFFFFFFF;
	p2 =	slt.u32 s8, $0xFFFFF086  }
0x1c: {  	p1 =	slt.u32 s9, $0xF7A;
	s5 =	simm.s32 @!p2 $0x0  }
0x1d: {  	s5 =	simm.s32 @p1 $0x1;
	p0 =	seq.s32 s7, s2  }
0x1e: {  	s7 =	smul.u32 @!p0 $0xF7A, s2;
	p2 =	seq.s32 @!p0 s5, $0x0  }
0x1f: {  	s9 =	smul.u32 $0xF7A, s1;
	s8 =	simm.s32 @!p0 $0x1BF5;
	p2 =	por !p2, p0  }
0x20: {  	[sflag:s8] =	ssyncset.s32 @!p0 $0xFFFFF086;
	s6 =	sadd.s32 @!p0 s3, s7;
	s7 =	simm.s32 @!p0 $0x108  }
0x21: {  	s3 =	sadd.s32 s3, s9;
	s6 =	sadd.s32 @!p0 $0x88, s6;
	s7 =	simm.s32 @p2 $0x1082  }
0x22: {  	[simem:s7], [sflag:s8] =	dma.local @!p0 [hbm:s6], $0xF7A  }
0x23: {  	s9 =	sor.u32 $0xD0000000, s2;
	s6 =	simm.s32 $0x108;
	_ =	swait.ge @!p0 [sflag:s8], $0x0  }
0x24: {  	s3 =	sadd.s32 $0x88, s3;
	s6 =	simm.s32 @!p1 $0x1082;
	[sflag:s4] =	ssyncset.s32 $0xFFFFF086  }
0x25: {  	[simem:s6], [sflag:s4] =	dma.local [hbm:s3], $0xF7A  }
0x26: {  	[smem:$0x3F9E] =	sst s1;
	(tag) =	ssettag s2;
	_ =	strace s9  }
0x27: {  	s1 =	sld [smem:$0x3FAE]  }
0x28: {  	s2 =	sld [smem:$0x3FAF]  }
0x29: {  	s4 =	sld [smem:$0x3FB1]  }
0x2a: {  	p0 =	seq.s32 s5, $0x0;
	s5 =	sld [smem:$0x3FB2]  }
0x2b: {  	s6 =	sld [smem:$0x3FB3]  }
0x2c: {  	s7 =	sld [smem:$0x3FB4]  }
0x2d: {  	s3 =	simm.s32 $0x108;
	s8 =	sld [smem:$0x3FB5]  }
0x2e: {  	s3 =	simm.s32 @!p0 $0x1082;
	s9 =	sld [smem:$0x3FB6]  }
0x2f: {  	lr =	sadd.s32 s0, s3;
	s0 =	sld [smem:$0x3FAD]  }
0x30: {  	s3 =	sld [smem:$0x3FB0]  }
0x31: {  	[smem:$0x3FB9] =	sst s10  }
0x32: {  	s10 =	sld [smem:$0x3FB7];
	_ =	sdelay $0x3  }
0x33: {  	p0 =	seq.s32 s10, $0x1;
	s10 =	sld [smem:$0x3FB9];
	_ =	sdelay $0x3  }
0x34: {  	[smem:$0x3FB9] =	sst s10  }
0x35: {  	s10 =	sld [smem:$0x3FB8];
	_ =	sdelay $0x3  }
0x36: {  	p1 =	seq.s32 s10, $0x1;
	s10 =	sld [smem:$0x3FB9];
	_ =	sdelay $0x3  }
0x37: {  	[smem:$0x3FB9] =	sst s10  }
0x38: {  	s10 =	sld [smem:$0x3FBA]  }
0x39: {  	_ = 	snop;
	(pc) =	sbr.ind lr, $3  }
0x3a: {  	_ = 	snop  }
0x3b: {  	_ = 	snop  }
0x3c: {  	p2 =	seq.s32 s10, $0x1;
	s10 =	sld [smem:$0x3FB9]  }
0x3d: {  	_ =	shalt  }
0x3e: {  	_ =	shalt  }
0x3f: {  	_ =	shalt  }
0x40: {  	_ =	shalt  }
0x41: {  	_ =	shalt  }
0x42: {  	_ =	shalt  }
0x43: {  	_ =	shalt  }
0x44: {  	_ =	shalt  }
0x45: {  	_ =	shalt  }
0x46: {  	_ =	shalt  }
0x47: {  	_ =	shalt  }
0x48: {  	_ =	shalt  }
0x49: {  	_ =	shalt  }
0x4a: {  	_ =	shalt  }
0x4b: {  	_ =	shalt  }
0x4c: {  	_ =	shalt  }
0x4d: {  	_ =	shalt  }
0x4e: {  	_ =	shalt  }
0x4f: {  	_ =	shalt  }
0x50: {  	_ =	shalt  }
0x51: {  	_ =	shalt  }
0x52: {  	_ =	shalt  }
0x53: {  	_ =	shalt  }
0x54: {  	_ =	shalt  }
0x55: {  	_ =	shalt  }
0x56: {  	_ =	shalt  }
0x57: {  	_ =	shalt  }
0x58: {  	_ =	shalt  }
0x59: {  	_ =	shalt  }
0x5a: {  	_ =	shalt  }
0x5b: {  	_ =	shalt  }
0x5c: {  	_ =	shalt  }
0x5d: {  	_ =	shalt  }
0x5e: {  	_ =	shalt  }
0x5f: {  	_ =	shalt  }
0x60: {  	_ =	shalt  }
0x61: {  	_ =	shalt  }
0x62: {  	_ =	shalt  }
0x63: {  	_ =	shalt  }
0x64: {  	_ =	shalt  }
0x65: {  	_ =	shalt  }
0x66: {  	_ =	shalt  }
0x67: {  	_ =	shalt  }
0x68: {  	_ =	shalt  }
0x69: {  	_ =	shalt  }
0x6a: {  	_ =	shalt  }
0x6b: {  	_ =	shalt  }
0x6c: {  	_ =	shalt  }
0x6d: {  	_ =	shalt  }
0x6e: {  	_ =	shalt  }
0x6f: {  	_ =	shalt  }
0x70: {  	_ =	shalt  }
0x71: {  	_ =	shalt  }
0x72: {  	_ =	shalt  }
0x73: {  	_ =	shalt  }
0x74: {  	_ =	shalt  }
0x75: {  	_ =	shalt  }
0x76: {  	_ =	shalt  }
0x77: {  	_ =	shalt  }
0x78: {  	_ =	shalt  }
0x79: {  	_ =	shalt  }
0x7a: {  	_ =	shalt  }
0x7b: {  	_ =	shalt  }
0x7c: {  	_ =	shalt  }
0x7d: {  	_ =	shalt  }
0x7e: {  	_ =	shalt  }
0x7f: {  	_ =	shalt  }
0x80: {  	_ =	shalt  }
0x81: {  	_ =	shalt  }
0x82: {  	_ =	shalt  }
0x83: {  	_ =	shalt  }
0x84: {  	_ =	shalt  }
0x85: {  	_ =	shalt  }
0x86: {  	_ =	shalt  }
0x87: {  	_ =	shalt  }
.Lfunc_end0:
.L_simem_size_0:
called_computation_lowered:
.L_overlay_start_0:
0x88: {  	s2 =	sld [smem:$0x3FD9]  }
0x89: {  	s3 =	sld [smem:$0x3FFE];
	_ =	sdelay $0x1  }
0x8a: {  	s1 =	srdreg.scid  }
0x8b: {  	s0 =	sand.u32 $0x1, s1  }
0x8c: {  	s17 =	sshll.u32 s0, $0xA;
	s2 =	sadd.s32 s3, s2  }
0x8d: {  	s2 =	sadd.s32 s2, s17  }
0x8e: {  	[smem:$0x3FC5] =	sst s2  }
0x8f: {  	_ = 	snop  }
0x90: {  	s2 =	sld [smem:$0x3FC9];
	(tm) =	ssettm $0x1  }
0x91: {  	s18 =	sld [smem:$0x3FFB];
	_ =	sdelay $0x3  }
0x92: {  	_ =	strace s18  }
0x93: {  	s3 =	sld [smem:$0x3FFC];
	_ =	sdelay $0x3  }
0x94: {  	_ =	strace s3  }
0x95: {  	s3 =	sld [smem:$0x3FFD];
	_ =	sdelay $0x3  }
0x96: {  	_ =	strace s3  }
0x97: {  	_ =	strace $0x8FFFFFFF  }
0x98: {  	s19 =	sld [smem:$0x3FDB];
	_ =	sdelay $0x1  }
0x99: {  	s4 =	simm.s32 $_scs_section_size  }
0x9a: {  	s5 =	simm.s32 $_size__tile_overlayer_lowered;
	s6 =	simm.s32 $_tile_overlayer_lowered  }
0x9b: {  	s22 =	simm.s32 $0x1BFF;
	s21 =	sshll.u32 s6, $0x1;
	s3 =	sadd.s32 s4, s19  }
0x9c: {  	s7 =	simm.s32 $0x0;
	s20 =	sshll.u32 s5, $0x1;
	s5 =	sadd.s32 s21, s3  }
0x9d: {  	[timem:s7], [sflag:s22] =	dma.local [hbm:s5], s20  }
0x9e: {  	_ =	swait.ge [sflag:s22], s20  }
0x9f: {  	s4 =	ssub.s32 $0x0, s20;
	[sflag:s22] =	ssyncset.done $0x0  }
0xa0: {  	[sflag:s22] =	ssyncadd.s32 s4;
	_ =	sdelay $0x1  }
0xa1: {  	s23 =	simm.s32 $0x1B8B  }
0xa2: {  	_ =	swait.ge [sflag:s23], $0x1  }
0xa3: {  	[sflag:s23] =	ssyncset.done $0x0  }
0xa4: {  	s25 =	simm.s32 $0x1B8E;
	s24 =	sld [smem:$0x3FFE];
	[sflag:s23] =	ssyncadd.s32 $0xFFFFFFFF  }
0xa5: {  	s26 =	simm.s32 $execute0_lowered;
	[smem:$0x3FD2] =	sst s25  }
0xa6: {  	s5 =	sshll.u32 s26, $0x1;
	_ =	strace $0x80000046;
	[dreg:$0x1] =	wrdreg $0xFFFFFFFF  }
0xa7: {  	s28 =	simm.s32 $_size_execute0_lowered;
	s3 =	sadd.s32 s3, s5;
	[dreg:$0x0] =	wrdreg $0x0  }
0xa8: {  	s5 =	sshll.u32 s28, $0x1;
	[dreg:$0x2] =	wrdreg s3  }
0xa9: {  	[dreg:$0x3] =	wrdreg s5  }
0xaa: {  	[dreg:$0x4] =	wrdreg $0xC0  }
0xab: {  	_ =	task [dreg:s7], $0x5FFFF  }
0xac: {  	[dreg:$0x1] =	wrdreg $0xFFFFFFFF  }
0xad: {  	[dreg:$0x0] =	wrdreg $0x60  }
0xae: {  	[dreg:$0x2] =	wrdreg s24  }
0xaf: {  	[dreg:$0x3] =	wrdreg s2  }
0xb0: {  	[dreg:$0x4] =	wrdreg $0x9  }
0xb1: {  	_ =	task.clear_ibuf [dreg:s7], $0x5FFFF;
	_ =	strace $0x90000046  }
0xb2: {  	s29 =	simm.s32 $0x9;
	_ =	strace $0x80000048  }
0xb3: {  	_ =	swait.ge [sflag:s29], $0x1  }
0xb4: {  	[sflag:s29] =	ssyncadd.s32 $0xFFFFFFFF  }
0xb5: {  	_ =	strace $0x90000048  }
0xb6: {  	_ =	sfence  }
0xb7: {  	s30 =	sld [smem:$0x0];
	_ =	sdelay $0x2  }
0xb8: {  	s31 =	sshll.u32 s1, $0xD;
	s1 =	sshrl.u32 s1, $0x2  }
0xb9: {  	s3 =	sand.u32 $0x4000, s31;
	s1 =	sadd.s32 s1, s30  }
0xba: {  	s0 =	sor.u32 s3, s0;
	s1 =	sshll.u32 s1, $0x11  }
0xbb: {  	s0 =	sor.u32 s1, s0  }
0xbc: {  	s0 =	sadd.s32 $0x8F2B, s0  }
0xbd: {  	[sflag:s0] =	ssyncadd.remote.s32 $0x1  }
0xbe: {  	_ =	sfence.sel $0xFFFF  }
0xbf: {  	[dreg:$0x0] =	wrdreg $0xFFFFFFFF;
	(pc) =	sbr.abs _section_cstart, $3  }
0xc0: {  	[dreg:$0x1] =	wrdreg $0xFFFFFFFF  }
0xc1: {  	_ =	task.clear_ibuf [dreg:s7], $0x2FFFF;
	_ =	strace $0x9FFFFFFF  }
0xc2: {  	(tm) =	ssettm $0x7FFFFFFF  }
0xc3: {  	_ =	shalt  }
tec
execute0_lowered:
.L_overlay_start_1:
0x0: {  	(tag) =	ssettag $0x1  }
0x1: {  	s0 =	srdreg.scid  }
0x2: {  	s1 =	stileid.u32;
	s4 =	sand.u32 $0x1, s0  }
0x3: {  	s29 =	sshll.u32 s1, $0x7;
	s30 =	sshll.u32 s4, $0x6  }
0x4: {  	s0 =	sor.u32 s30, s29  }
0x5: {  	v0 =	vlaneseq.u32;
	vm0 =	vmmov $0xffff;
	s1 =	sor.u32 $0x1000, s0;
	s2 =	sor.u32 $0x10, s0  }
0x6: {  	v1 =	vor.u32 s0, v0;
	s3 =	sor.u32 $0x20, s0;
	s5 =	sor.u32 $0x30, s0;
	s31 =	sor.u32 $0x800, s0;
	v9 =	vor.u32 s1, v0;
	v2 =	vor.u32 s2, v0  }
0x7: {  	s7 =	sor.u32 $0x820, s0;
	s8 =	sor.u32 $0x830, s0;
	s9 =	sor.u32 $0x1030, s0;
	v3 =	vor.u32 s3, v0;
	v4 =	vor.u32 s5, v0;
	v5 =	vor.u32 s31, v0  }
0x8: {  	s16 =	sor.u32 $0x2810, s0;
	s19 =	sor.u32 $0x3010, s0;
	v7 =	vor.u32 s7, v0;
	v8 =	vor.u32 s8, v0;
	v16 =	vor.u32 s9, v0  }
0x9: {  	s23 =	sor.u32 $0x3820, s0;
	s28 =	sor.u32 $0x3830, s0;
	v26 =	vor.u32 s16, v0;
	v31 =	vor.u32 s19, v0;
	v6 =	vmulhi.u32 $0xD5200D53, v9  }
0xa: {  	s30 =	sor.u32 $0x4000, s0;
	s3 =	sor.u32 $0x1010, s0;
	v35 =	vor.u32 s23, v0;
	v58 =	vor.u32 s28, v0;
	v27 =	vmulhi.u32 $0xD5200D53, v26  }
0xb: {  	s7 =	sor.u32 $0x1800, s0;
	v60 =	vor.u32 s30, v0;
	v11 =	vor.u32 s3, v0;
	v36 =	vmulhi.u32 $0xD5200D53, v35  }
0xc: {  	s6 =	sor.u32 $0x810, s0;
	v17 =	vor.u32 s7, v0;
	v59 =	vmulhi.u32 $0xD5200D53, v58;
	v10 =	vshrl.u32 v6, $0xC  }
0xd: {  	s8 =	sor.u32 $0x2000, s0;
	v13 =	vmulhi.u32 $0xD5200D53, v11;
	v6 =	vor.u32 s6, v0;
	s6 =	sor.u32 $0x1020, s0;
	v12 =	vmul.u32 $0xFFFFECC8, v10  }
0xe: {  	v22 =	vor.u32 s8, v0;
	v38 =	vmulhi.u32 $0xD5200D53, v60;
	v14 =	vor.u32 s6, v0  }
0xf: {  	v9 =	vadd.s32 v9, v12;
	v12 =	vshrl.u32 v13, $0xC;
	v13 =	vmulhi.u32 $0xD5200D53, v14  }
0x10: {  	v18 =	vmulhi.u32 $0xD5200D53, v17;
	v10 =	vshll.u32 v10, $0xD;
	v15 =	vmul.u32 $0xFFFFECC8, v12  }
0x11: {  	v62 =	vshrl.u32 v59, $0xC;
	v9 =	vadd.s32 v10, v9;
	v10 =	vshrl.u32 v13, $0xC  }
0x12: {  	v13 =	vmulhi.u32 $0xD5200D53, v16;
	v11 =	vadd.s32 v11, v15;
	v15 =	vmul.u32 $0xFFFFECC8, v10  }
0x13: {  	v44 =	vshrl.u32 v38, $0xC;
	v63 =	vmul.u32 $0xFFFFECC8, v62;
	v12 =	vshll.u32 v12, $0xD  }
0x14: {  	v13 =	vshrl.u32 v13, $0xC;
	v14 =	vadd.s32 v14, v15;
	v15 =	vshll.u32 v10, $0xD  }
0x15: {  	v19 =	vmul.u32 $0xFFFFECC8, v13;
	v10 =	vadd.s32 v12, v11;
	v12 =	vshrl.u32 v18, $0xC  }
0x16: {  	s10 =	sor.u32 $0x1810, s0;
	s11 =	sor.u32 $0x1820, s0;
	v13 =	vshll.u32 v13, $0xD;
	v11 =	vadd.s32 v15, v14;
	v15 =	vmul.u32 $0xFFFFECC8, v12  }
0x17: {  	v14 =	vadd.s32 v16, v19;
	v16 =	vor.u32 s10, v0;
	v19 =	vor.u32 s11, v0  }
0x18: {  	s11 =	sor.u32 $0x3810, s0;
	v18 =	vmulhi.u32 $0xD5200D53, v16;
	v15 =	vadd.s32 v17, v15;
	v17 =	vshll.u32 v12, $0xD  }
0x19: {  	v20 =	vmulhi.u32 $0xD5200D53, v19;
	v12 =	vadd.s32 v13, v14;
	v54 =	vor.u32 s11, v0  }
0x1a: {  	s12 =	sor.u32 $0x1830, s0;
	v13 =	vadd.s32 v17, v15;
	v55 =	vmulhi.u32 $0xD5200D53, v54;
	v14 =	vshrl.u32 v18, $0xC  }
0x1b: {  	v17 =	vshrl.u32 v20, $0xC;
	v18 =	vor.u32 s12, v0;
	v15 =	vmul.u32 $0xFFFFECC8, v14  }
0x1c: {  	v38 =	vmul.u32 $0xFFFFECC8, v44;
	v20 =	vmul.u32 $0xFFFFECC8, v17;
	v21 =	vmulhi.u32 $0xD5200D53, v18  }
0x1d: {  	v14 =	vshll.u32 v14, $0xD;
	v15 =	vadd.s32 v16, v15;
	v16 =	vmulhi.u32 $0xD5200D53, v22  }
0x1e: {  	s13 =	sor.u32 $0x2010, s0;
	v14 =	vadd.s32 v14, v15;
	v15 =	vadd.s32 v19, v20;
	v19 =	vshrl.u32 v21, $0xC  }
0x1f: {  	v21 =	vor.u32 s13, v0;
	v20 =	vmul.u32 $0xFFFFECC8, v19;
	v16 =	vshrl.u32 v16, $0xC  }
0x20: {  	v17 =	vshll.u32 v17, $0xD;
	v24 =	vmulhi.u32 $0xD5200D53, v21;
	v23 =	vmul.u32 $0xFFFFECC8, v16  }
0x21: {  	s14 =	sor.u32 $0x2020, s0;
	v15 =	vadd.s32 v17, v15;
	v17 =	vadd.s32 v18, v20;
	v18 =	vshll.u32 v19, $0xD  }
0x22: {  	s22 =	rddreg [dreg:$0x0];
	s15 =	sor.u32 $0x2030, s0;
	s24 =	sshrl.u32 s0, $0x3;
	v20 =	vshrl.u32 v24, $0xC;
	v19 =	vadd.s32 v22, v23;
	v22 =	vor.u32 s14, v0  }
0x23: {  	s9 =	sor.u32 $0x2800, s0;
	s2 =	rddreg [dreg:$0x1];
	v23 =	vshll.u32 v16, $0xD;
	v24 =	vmul.u32 $0xFFFFECC8, v20;
	v16 =	vadd.s32 v18, v17;
	s14 =	smul.u32 $0x300, s24  }
0x24: {  	s5 =	sshrl.u32 s31, $0x3;
	s3 =	simm.s32 $0x0;
	s11 =	sadd.s32 $0x101400, s22;
	v25 =	vmulhi.u32 $0xD5200D53, v22;
	v17 =	vadd.s32 v23, v19;
	v19 =	vor.u32 s15, v0  }
0x25: {  	[smem:$0x7FF] =	sst s3;
	v20 =	vshll.u32 v20, $0xD;
	s15 =	smul.u32 $0x300, s5;
	v18 =	vadd.s32 v21, v24;
	v23 =	vmulhi.u32 $0xD5200D53, v19;
	s14 =	sadd.s32 s11, s14  }
0x26: {  	_ =	strace $0x80000047;
	v21 =	vshrl.u32 v25, $0xC;
	v25 =	vor.u32 s9, v0;
	v18 =	vadd.s32 v20, v18;
	[dreg:$0x4] =	wrdreg s14;
	s14 =	sor.u32 $0x4010, s0  }
0x27: {  	s31 =	sadd.s32 s11, s15;
	s15 =	sor.u32 $0x4020, s0;
	v20 =	vshrl.u32 v23, $0xC;
	v23 =	vmulhi.u32 $0xD5200D53, v25;
	v45 =	vor.u32 s14, v0  }
0x28: {  	v24 =	vmul.u32 $0xFFFFECC8, v21;
	v40 =	vor.u32 s15, v0;
	v39 =	vmulhi.u32 $0xD5200D53, v45  }
0x29: {  	v47 =	vadd.s32 v60, v38;
	v21 =	vshll.u32 v21, $0xD;
	v46 =	vmulhi.u32 $0xD5200D53, v40  }
0x2a: {  	v22 =	vadd.s32 v22, v24;
	v24 =	vmul.u32 $0xFFFFECC8, v20;
	v23 =	vshrl.u32 v23, $0xC  }
0x2b: {  	v20 =	vshll.u32 v20, $0xD;
	v28 =	vmul.u32 $0xFFFFECC8, v23;
	v23 =	vshll.u32 v23, $0xD  }
0x2c: {  	v48 =	vshrl.u32 v39, $0xC;
	v50 =	vshrl.u32 v46, $0xC;
	v24 =	vadd.s32 v19, v24  }
0x2d: {  	s17 =	sor.u32 $0x2820, s0;
	v19 =	vadd.s32 v21, v22;
	v21 =	vshrl.u32 v27, $0xC;
	v20 =	vadd.s32 v20, v24  }
0x2e: {  	s18 =	sor.u32 $0x2830, s0;
	v22 =	vadd.s32 v25, v28;
	v24 =	vmul.u32 $0xFFFFECC8, v21;
	v25 =	vor.u32 s17, v0  }
0x2f: {  	v49 =	vmul.u32 $0xFFFFECC8, v48;
	v28 =	vor.u32 s18, v0;
	v27 =	vmulhi.u32 $0xD5200D53, v25  }
0x30: {  	v29 =	vmulhi.u32 $0xD5200D53, v28;
	v24 =	vadd.s32 v26, v24;
	v26 =	vshll.u32 v21, $0xD  }
0x31: {  	s10 =	sor.u32 $0x3000, s0;
	v21 =	vadd.s32 v23, v22;
	v22 =	vadd.s32 v26, v24;
	v23 =	vshrl.u32 v27, $0xC  }
0x32: {  	v26 =	vshrl.u32 v29, $0xC;
	v27 =	vor.u32 s10, v0;
	v24 =	vmul.u32 $0xFFFFECC8, v23  }
0x33: {  	v39 =	vshll.u32 v50, $0xD;
	v29 =	vmul.u32 $0xFFFFECC8, v26;
	v30 =	vmulhi.u32 $0xD5200D53, v27  }
0x34: {  	v23 =	vshll.u32 v23, $0xD;
	v24 =	vadd.s32 v25, v24;
	v25 =	vmulhi.u32 $0xD5200D53, v31  }
0x35: {  	s20 =	sor.u32 $0x3020, s0;
	v23 =	vadd.s32 v23, v24;
	v24 =	vadd.s32 v28, v29;
	v28 =	vshrl.u32 v30, $0xC  }
0x36: {  	v30 =	vor.u32 s20, v0;
	v29 =	vmul.u32 $0xFFFFECC8, v28;
	v25 =	vshrl.u32 v25, $0xC  }
0x37: {  	v26 =	vshll.u32 v26, $0xD;
	v33 =	vmulhi.u32 $0xD5200D53, v30;
	v32 =	vmul.u32 $0xFFFFECC8, v25  }
0x38: {  	v24 =	vadd.s32 v26, v24;
	v51 =	vshll.u32 v25, $0xD;
	v26 =	vadd.s32 v27, v29  }
0x39: {  	s21 =	sor.u32 $0x3030, s0;
	v27 =	vshll.u32 v28, $0xD;
	v29 =	vshrl.u32 v33, $0xC;
	v28 =	vadd.s32 v31, v32  }
0x3a: {  	v31 =	vor.u32 s21, v0;
	v33 =	vmul.u32 $0xFFFFECC8, v29;
	v25 =	vadd.s32 v27, v26  }
0x3b: {  	s12 =	sor.u32 $0x3800, s0;
	v29 =	vshll.u32 v29, $0xD;
	v32 =	vshrl.u32 v55, $0xC;
	v34 =	vmulhi.u32 $0xD5200D53, v31  }
0x3c: {  	v26 =	vadd.s32 v51, v28;
	v28 =	vor.u32 s12, v0;
	v37 =	vmul.u32 $0xFFFFECC8, v32  }
0x3d: {  	s21 =	smin.u32 s0, $0x4A0;
	s0 =	sor.u32 $0x4030, s0;
	v32 =	vshll.u32 v32, $0xD;
	v51 =	vmul.u32 $0xFFFFECC8, v50;
	v52 =	vmulhi.u32 $0xD5200D53, v28  }
0x3e: {  	v41 =	vor.u32 s0, v0;
	v27 =	vadd.s32 v30, v33;
	v30 =	vshrl.u32 v34, $0xC  }
0x3f: {  	s26 =	sshrl.u32 s1, $0x3;
	s13 =	sadd.s32 $0x100400, s22;
	s22 =	sor.u32 $0x4800, s21;
	v27 =	vadd.s32 v29, v27;
	v53 =	vmul.u32 $0xFFFFECC8, v30;
	v29 =	vshrl.u32 v52, $0xC  }
0x40: {  	s4 =	ssub.s32 $0x2, s4;
	s29 =	smul.u32 $0x300, s26;
	v55 =	vor.u32 s22, v0;
	v30 =	vshll.u32 v30, $0xD;
	v56 =	vmul.u32 $0xFFFFECC8, v29  }
0x41: {  	s25 =	sshrl.u32 s4, $0x1;
	v52 =	vadd.s32 v45, v49;
	v29 =	vshll.u32 v29, $0xD;
	v31 =	vadd.s32 v31, v53  }
0x42: {  	s1 =	ssub.s32 s4, s25;
	s7 =	sshrl.u32 s7, $0x3;
	s4 =	sadd.s32 s11, s29;
	v53 =	vshll.u32 v48, $0xD;
	v33 =	vadd.s32 v28, v56;
	v28 =	vadd.s32 v30, v31  }
0x43: {  	s8 =	sshrl.u32 s8, $0x3;
	[dreg:$0x6] =	wrdreg s4;
	s4 =	smul.u32 $0x300, s7;
	v30 =	vshrl.u32 v36, $0xC;
	v31 =	vadd.s32 v54, v37;
	v54 =	vmulhi.u32 $0xD5200D53, v41  }
0x44: {  	s7 =	smul.u32 $0x300, s8;
	v34 =	vadd.s32 v53, v52;
	v56 =	vmulhi.u32 $0xD5201, v55;
	v29 =	vadd.s32 v29, v33  }
0x45: {  	s19 =	sshrl.u32 s12, $0x3;
	s4 =	sadd.s32 s11, s4;
	v57 =	vmul.u32 $0xFFFFECC8, v30;
	v61 =	vshll.u32 v30, $0xD;
	v30 =	vadd.s32 v32, v31  }
0x46: {  	s7 =	sadd.s32 s11, s7;
	s8 =	smul.u32 $0x300, s19;
	[dreg:$0x7] =	wrdreg s4;
	v32 =	vshll.u32 v62, $0xD;
	v37 =	vshrl.u32 v54, $0xC;
	v45 =	vmul.u32 $0xFFFFECC8, v56  }
0x47: {  	[dreg:$0x8] =	wrdreg s7;
	s28 =	sor.u32 $0x4810, s21;
	s29 =	sadd.s32 $0x4820, s21;
	v38 =	vshll.u32 v56, $0xD;
	v33 =	vadd.s32 v35, v57;
	v35 =	vshll.u32 v44, $0xD  }
0x48: {  	s6 =	sadd.s32 $0x200, s2;
	s25 =	sadd.s32 s11, s8;
	[dreg:$0x3] =	wrdreg s13;
	v57 =	vor.u32 s28, v0;
	v42 =	vmul.u32 $0xFFFFECC8, v37;
	v44 =	vor.u32 s29, v0  }
0x49: {  	s19 =	simm.s32 $0x8000;
	[dreg:$0xb] =	wrdreg s25;
	s9 =	sshrl.u32 s9, $0x3;
	v37 =	vshll.u32 v37, $0xD;
	v31 =	vadd.s32 v61, v33;
	v43 =	vmulhi.u32 $0xD5201, v57  }
0x4a: {  	[dreg:$0x5] =	wrdreg s31;
	s20 =	sshrl.u32 s30, $0x3;
	s30 =	sadd.s32 $0x4830, s21;
	v33 =	vadd.s32 v58, v63;
	v46 =	vmulhi.u32 $0xD5201, v44;
	v45 =	vadd.s32 v55, v45  }
0x4b: {  	s16 =	smul.u32 $0x300, s9;
	s31 =	smax.u32 s1, $0x1;
	s17 =	sshrl.u32 s10, $0x3;
	v32 =	vadd.s32 v32, v33;
	v33 =	vadd.s32 v35, v47;
	v47 =	vor.u32 s30, v0  }
0x4c: {  	s5 =	sadd.s32 $0x100, s2;
	[dreg:$0xe] =	wrdreg s31;
	s18 =	smul.u32 $0x300, s17;
	v35 =	vadd.s32 v40, v51;
	v41 =	vadd.s32 v41, v42;
	v58 =	vmulhi.u32 $0xD5201, v47  }
0x4d: {  	s4 =	sadd.s32 s11, s16;
	s9 =	smul.u32 $0x300, s20;
	s24 =	sshrl.u32 s22, $0x3;
	v48 =	vmul.u32 $0xFFFFECC8, v43;
	v49 =	vmul.u32 $0xFFFFECC8, v46;
	v35 =	vadd.s32 v39, v35  }
0x4e: {  	[dreg:$0x9] =	wrdreg s4;
	s23 =	sadd.s32 s11, s18;
	s0 =	smul.u32 $0x300, s24;
	v36 =	vadd.s32 v37, v41;
	v37 =	vadd.s32 v38, v45;
	v50 =	vmul.u32 $0xFFFFECC8, v58  }
0x4f: {  	s17 =	simm.s32 $0x1;
	[dreg:$0xa] =	wrdreg s23;
	s26 =	sadd.s32 s11, s9;
	v62 =	vshll.u32 v43, $0xD;
	v63 =	vshll.u32 v46, $0xD;
	v59 =	vadd.s32 v57, v48  }
0x50: {  	s18 =	simm.s32 $0x2;
	[dreg:$0xc] =	wrdreg s26;
	s0 =	sadd.s32 s11, s0;
	v60 =	vadd.s32 v44, v49;
	v42 =	vshll.u32 v58, $0xD;
	v61 =	vadd.s32 v47, v50  }
0x51: {  	s20 =	simm.s32 $0x10080;
	[dreg:$0xd] =	wrdreg s0;
	s0 =	simm.s32 $0x0;
	v38 =	vadd.s32 v62, v59;
	v39 =	vadd.s32 v63, v60;
	v40 =	vadd.s32 v42, v61  }
.LBB2_1:
0x52: {  	[dreg:$0xf] =	wrdreg s0  }
0x53: {  	s22 =	rddreg [dreg:$0x3]  }
0x54: {  	[tilespmem:s3], [sflag:$0x2] =	stream.linear.gather [hbm4b:s22+s3], $0x8000, $0x38;
	[tilespmem:$0x1C080] =	vst v63  }
0x55: {  	_ =	swait.ge [sflag:s18], $0x8000  }
0x56: {  	[sflag:s18] =	ssyncset.done $0x0  }
0x57: {  	[sflag:s18] =	ssyncadd.s32 $0xFFFF8000  }
0x58: {  	s23 =	simm.s32 $0x10;
	s24 =	simm.s32 $0x0;
	s22 =	simm.s32 $0x0;
	v41 =	vld [tilespmem:s3+$0x0]  }
.LBB2_2:
0x59: {  	p0 =	sne.s32 s23, $0x7FF0;
	_ =	sdelay $0x2  }
0x5a: {  	s25 =	sand.u32 $0x6000, s22  }
0x5b: {  	v41 =	vadd.s32 s25, v41;
	_ =	sdelay $0x1  }
.Ltmp0:
0x5c: {  	(pc) =	sbr.rel @p0 .LBB2_2-.Ltmp0, $4  }
0x5d: {  	_ = 	snop  }
0x5e: {  	v42 =	vor.u32 s22, v0;
	s22 =	smov.u32 s23  }
0x5f: {  	s24 =	sadd.s32 $0x10, s24;
	[tilespmem:v41+s19+$0x0] =	vst.idx.msk $0xffff, v42  }
0x60: {  	s23 =	sadd.s32 $0x10, s23;
	v41 =	vld [tilespmem:s24+$0x0]  }
0x61: {  	_ =	sdelay $0x2  }
0x62: {  	s23 =	sand.u32 $0x6000, s22  }
0x63: {  	v41 =	vadd.s32 s23, v41;
	_ =	sdelay $0x3  }
0x64: {  	v42 =	vor.u32 s22, v0  }
0x65: {  	[tilespmem:v41+s19+$0x0] =	vst.idx.msk $0xffff, v42  }
0x66: {  	v41 =	vld.idx.msk [tilespmem:v1+s19+$0x0], $0xffff;
	_ =	sdelay $0x4  }
0x67: {  	[tilespmem:$0x10000] =	vst v41  }
0x68: {  	v42 =	vld.idx.msk [tilespmem:v2+s19+$0x0], $0xffff;
	_ =	sdelay $0x4  }
0x69: {  	[tilespmem:$0x10010] =	vst v42  }
0x6a: {  	v42 =	vld.idx.msk [tilespmem:v3+s19+$0x0], $0xffff  }
0x6b: {  	v43 =	vshrl.u32 v41, $0x3  }
0x6c: {  	v43 =	vmul.u32 $0x30, v43  }
0x6d: {  	v41 =	vand.u32 $0x7, v41  }
0x6e: {  	v52 =	vshrl.u32 v0, $0x3;
	v44 =	vor.u32 v41, v43;
	v41 =	vand.u32 $0x7, v0  }
0x6f: {  	v45 =	vperm.xlane v44, v41;
	[tilespmem:$0x10020] =	vst v42;
	v42 =	vmul.u32 $0x8, v52  }
0x70: {  	v46 =	vld.idx.msk [tilespmem:v4+s19+$0x0], $0xffff  }
0x71: {  	v45 =	vadd.s32 v42, v45;
	_ =	sdelay $0x2  }
0x72: {  	v43 =	vor.u32 $0x8, v0  }
0x73: {  	v44 =	vperm.xlane v44, v43;
	[tilespmem:$0x10030] =	vst v46  }
0x74: {  	[tilespmem:s20], [sflag:$0x1] =	stream.indirect_vreg.gather [hbm4b:s2+s3], $0x80, v45, vm0, $0xb8;
	[tilespmem:$0x1C080] =	vst v63  }
0x75: {  	s0 =	simm.s32 $0x10880;
	v44 =	vadd.s32 v42, v44  }
0x76: {  	[tilespmem:s0], [sflag:$0x1] =	stream.indirect_vreg.gather [hbm4b:s5+s3], $0x80, v45, vm0, $0xb8;
	[tilespmem:$0x1C080] =	vst v63  }
0x77: {  	s21 =	simm.s32 $0x11080  }
0x78: {  	[tilespmem:s21], [sflag:$0x1] =	stream.indirect_vreg.gather [hbm4b:s6+s3], $0x80, v45, vm0, $0xb8;
	[tilespmem:$0x1C080] =	vst v63  }
0x79: {  	s22 =	simm.s32 $0x11880  }
0x7a: {  	[tilespmem:s22], [sflag:$0x1] =	stream.indirect_vreg.gather [hbm4b:s2+s3], $0x80, v44, vm0, $0xb8;
	[tilespmem:$0x1C080] =	vst v63  }
0x7b: {  	s24 =	simm.s32 $0x12080  }
0x7c: {  	[tilespmem:s24], [sflag:$0x1] =	stream.indirect_vreg.gather [hbm4b:s5+s3], $0x80, v44, vm0, $0xb8;
	[tilespmem:$0x1C080] =	vst v63  }
0x7d: {  	s25 =	simm.s32 $0x12880  }
0x7e: {  	[tilespmem:s25], [sflag:$0x1] =	stream.indirect_vreg.gather [hbm4b:s6+s3], $0x80, v44, vm0, $0xb8;
	[tilespmem:$0x1C080] =	vst v63  }
0x7f: {  	v44 =	vld [tilespmem:$0x10010];
	_ =	sdelay $0x4  }
0x80: {  	v53 =	vshrl.u32 v44, $0x3  }
0x81: {  	v45 =	vmul.u32 $0x30, v53  }
0x82: {  	v44 =	vand.u32 $0x7, v44  }
0x83: {  	v44 =	vor.u32 v44, v45  }
0x84: {  	v45 =	vperm.xlane v44, v41;
	_ =	sdelay $0x1  }
0x85: {  	v45 =	vadd.s32 v42, v45;
	_ =	sdelay $0x3  }
0x86: {  	s26 =	simm.s32 $0x13080;
	v44 =	vperm.xlane v44, v43  }
0x87: {  	[tilespmem:s26], [sflag:$0x1] =	stream.indirect_vreg.gather [hbm4b:s2+s3], $0x80, v45, vm0, $0xb8;
	[tilespmem:$0x1C080] =	vst v63  }
0x88: {  	s28 =	simm.s32 $0x13880;
	v44 =	vadd.s32 v42, v44  }
0x89: {  	[tilespmem:s28], [sflag:$0x1] =	stream.indirect_vreg.gather [hbm4b:s5+s3], $0x80, v45, vm0, $0xb8;
	[tilespmem:$0x1C080] =	vst v63  }
0x8a: {  	s29 =	simm.s32 $0x14080  }
0x8b: {  	[tilespmem:s29], [sflag:$0x1] =	stream.indirect_vreg.gather [hbm4b:s6+s3], $0x80, v45, vm0, $0xb8;
	[tilespmem:$0x1C080] =	vst v63  }
0x8c: {  	s31 =	simm.s32 $0x14880  }
0x8d: {  	[tilespmem:s31], [sflag:$0x1] =	stream.indirect_vreg.gather [hbm4b:s2+s3], $0x80, v44, vm0, $0xb8;
	[tilespmem:$0x1C080] =	vst v63  }
0x8e: {  	s1 =	simm.s32 $0x15080  }
0x8f: {  	[tilespmem:s1], [sflag:$0x1] =	stream.indirect_vreg.gather [hbm4b:s5+s3], $0x80, v44, vm0, $0xb8;
	[tilespmem:$0x1C080] =	vst v63  }
0x90: {  	s4 =	simm.s32 $0x15880  }
0x91: {  	[tilespmem:s4], [sflag:$0x1] =	stream.indirect_vreg.gather [hbm4b:s6+s3], $0x80, v44, vm0, $0xb8;
	[tilespmem:$0x1C080] =	vst v63  }
0x92: {  	v44 =	vld [tilespmem:$0x10020];
	_ =	sdelay $0x4  }
0x93: {  	v54 =	vshrl.u32 v44, $0x3  }
0x94: {  	v45 =	vmul.u32 $0x30, v54  }
0x95: {  	v44 =	vand.u32 $0x7, v44  }
0x96: {  	v44 =	vor.u32 v44, v45  }
0x97: {  	v45 =	vperm.xlane v44, v41;
	_ =	sdelay $0x1  }
0x98: {  	v45 =	vadd.s32 v42, v45;
	_ =	sdelay $0x3  }
0x99: {  	s8 =	simm.s32 $0x16080;
	v44 =	vperm.xlane v44, v43  }
0x9a: {  	[tilespmem:s8], [sflag:$0x1] =	stream.indirect_vreg.gather [hbm4b:s2+s3], $0x80, v45, vm0, $0xb8;
	[tilespmem:$0x1C080] =	vst v63  }
0x9b: {  	s9 =	simm.s32 $0x16880;
	v44 =	vadd.s32 v42, v44  }
0x9c: {  	[tilespmem:s9], [sflag:$0x1] =	stream.indirect_vreg.gather [hbm4b:s5+s3], $0x80, v45, vm0, $0xb8;
	[tilespmem:$0x1C080] =	vst v63  }
0x9d: {  	s10 =	simm.s32 $0x17080  }
0x9e: {  	[tilespmem:s10], [sflag:$0x1] =	stream.indirect_vreg.gather [hbm4b:s6+s3], $0x80, v45, vm0, $0xb8;
	[tilespmem:$0x1C080] =	vst v63  }
0x9f: {  	s11 =	simm.s32 $0x17880  }
0xa0: {  	[tilespmem:s11], [sflag:$0x1] =	stream.indirect_vreg.gather [hbm4b:s2+s3], $0x80, v44, vm0, $0xb8;
	[tilespmem:$0x1C080] =	vst v63  }
0xa1: {  	s12 =	simm.s32 $0x18080  }
0xa2: {  	[tilespmem:s12], [sflag:$0x1] =	stream.indirect_vreg.gather [hbm4b:s5+s3], $0x80, v44, vm0, $0xb8;
	[tilespmem:$0x1C080] =	vst v63  }
0xa3: {  	s13 =	simm.s32 $0x18880  }
0xa4: {  	[tilespmem:s13], [sflag:$0x1] =	stream.indirect_vreg.gather [hbm4b:s6+s3], $0x80, v44, vm0, $0xb8;
	[tilespmem:$0x1C080] =	vst v63  }
0xa5: {  	v44 =	vld [tilespmem:$0x10030];
	_ =	sdelay $0x4  }
0xa6: {  	v55 =	vshrl.u32 v44, $0x3  }
0xa7: {  	v45 =	vmul.u32 $0x30, v55  }
0xa8: {  	v44 =	vand.u32 $0x7, v44  }
0xa9: {  	v44 =	vor.u32 v44, v45  }
0xaa: {  	v45 =	vperm.xlane v44, v41;
	_ =	sdelay $0x1  }
0xab: {  	v45 =	vadd.s32 v42, v45;
	_ =	sdelay $0x3  }
0xac: {  	s14 =	simm.s32 $0x19080;
	v44 =	vperm.xlane v44, v43  }
0xad: {  	[tilespmem:s14], [sflag:$0x1] =	stream.indirect_vreg.gather [hbm4b:s2+s3], $0x80, v45, vm0, $0xb8;
	[tilespmem:$0x1C080] =	vst v63  }
0xae: {  	s16 =	simm.s32 $0x19880;
	v44 =	vadd.s32 v42, v44  }
0xaf: {  	[tilespmem:s16], [sflag:$0x1] =	stream.indirect_vreg.gather [hbm4b:s5+s3], $0x80, v45, vm0, $0xb8;
	[tilespmem:$0x1C080] =	vst v63  }
0xb0: {  	s22 =	simm.s32 $0x1A080  }
0xb1: {  	[tilespmem:s22], [sflag:$0x1] =	stream.indirect_vreg.gather [hbm4b:s6+s3], $0x80, v45, vm0, $0xb8;
	[tilespmem:$0x1C080] =	vst v63  }
0xb2: {  	s24 =	simm.s32 $0x1A880  }
0xb3: {  	[tilespmem:s24], [sflag:$0x1] =	stream.indirect_vreg.gather [hbm4b:s2+s3], $0x80, v44, vm0, $0xb8;
	[tilespmem:$0x1C080] =	vst v63  }
0xb4: {  	s25 =	simm.s32 $0x1B080  }
0xb5: {  	[tilespmem:s25], [sflag:$0x1] =	stream.indirect_vreg.gather [hbm4b:s5+s3], $0x80, v44, vm0, $0xb8;
	[tilespmem:$0x1C080] =	vst v63  }
0xb6: {  	s31 =	simm.s32 $0x1B880  }
0xb7: {  	[tilespmem:s31], [sflag:$0x1] =	stream.indirect_vreg.gather [hbm4b:s6+s3], $0x80, v44, vm0, $0xb8;
	[tilespmem:$0x1C080] =	vst v63  }
0xb8: {  	_ =	swait.ge [sflag:s17], $0xC000  }
0xb9: {  	[sflag:s17] =	ssyncset.done $0x0  }
0xba: {  	s0 =	rddreg [dreg:$0x4];
	[sflag:s17] =	ssyncadd.s32 $0xFFFF4000  }
0xbb: {  	[hbm4b:s0+s3] =	stream.linear.scatter [tilespmem:s20], [sflag:$0x2], $0xC000, $0x38;
	[tilespmem:$0x1C080] =	vst v63  }
0xbc: {  	_ =	swait.ge [sflag:s18], $0xC000  }
0xbd: {  	[sflag:s18] =	ssyncset.done $0x0  }
0xbe: {  	[sflag:s18] =	ssyncadd.s32 $0xFFFF4000  }
0xbf: {  	v56 =	vld.idx.msk [tilespmem:v5+s19+$0x0], $0xffff;
	_ =	sdelay $0x4  }
0xc0: {  	[tilespmem:$0x10000] =	vst v56  }
0xc1: {  	v57 =	vld.idx.msk [tilespmem:v6+s19+$0x0], $0xffff;
	_ =	sdelay $0x4  }
0xc2: {  	[tilespmem:$0x10010] =	vst v57  }
0xc3: {  	v45 =	vld.idx.msk [tilespmem:v7+s19+$0x0], $0xffff  }
0xc4: {  	v58 =	vshrl.u32 v56, $0x3  }
0xc5: {  	v46 =	vmul.u32 $0x30, v58  }
0xc6: {  	v44 =	vand.u32 $0x7, v56  }
0xc7: {  	v44 =	vor.u32 v44, v46  }
0xc8: {  	v59 =	vperm.xlane v44, v41;
	[tilespmem:$0x10020] =	vst v45  }
0xc9: {  	v60 =	vld.idx.msk [tilespmem:v8+s19+$0x0], $0xffff  }
0xca: {  	v45 =	vadd.s32 v42, v59;
	_ =	sdelay $0x3  }
0xcb: {  	v44 =	vperm.xlane v44, v43;
	[tilespmem:$0x10030] =	vst v60  }
0xcc: {  	[tilespmem:s20], [sflag:$0x1] =	stream.indirect_vreg.gather [hbm4b:s2+s3], $0x80, v45, vm0, $0xb8;
	[tilespmem:$0x1C080] =	vst v63  }
0xcd: {  	s23 =	simm.s32 $0x10880;
	v44 =	vadd.s32 v42, v44  }
0xce: {  	[tilespmem:s23], [sflag:$0x1] =	stream.indirect_vreg.gather [hbm4b:s5+s3], $0x80, v45, vm0, $0xb8;
	[tilespmem:$0x1C080] =	vst v63  }
0xcf: {  	s30 =	simm.s32 $0x11080  }
0xd0: {  	[tilespmem:s30], [sflag:$0x1] =	stream.indirect_vreg.gather [hbm4b:s6+s3], $0x80, v45, vm0, $0xb8;
	[tilespmem:$0x1C080] =	vst v63  }
0xd1: {  	s15 =	simm.s32 $0x11880  }
0xd2: {  	[tilespmem:s15], [sflag:$0x1] =	stream.indirect_vreg.gather [hbm4b:s2+s3], $0x80, v44, vm0, $0xb8;
	[tilespmem:$0x1C080] =	vst v63  }
0xd3: {  	s7 =	simm.s32 $0x12080  }
0xd4: {  	[tilespmem:s7], [sflag:$0x1] =	stream.indirect_vreg.gather [hbm4b:s5+s3], $0x80, v44, vm0, $0xb8;
	[tilespmem:$0x1C080] =	vst v63  }
0xd5: {  	s21 =	simm.s32 $0x12880  }
0xd6: {  	[tilespmem:s21], [sflag:$0x1] =	stream.indirect_vreg.gather [hbm4b:s6+s3], $0x80, v44, vm0, $0xb8;
	[tilespmem:$0x1C080] =	vst v63  }
0xd7: {  	v44 =	vld [tilespmem:$0x10010];
	_ =	sdelay $0x4  }
0xd8: {  	v61 =	vshrl.u32 v44, $0x3  }
0xd9: {  	v45 =	vmul.u32 $0x30, v61  }
0xda: {  	v44 =	vand.u32 $0x7, v44  }
0xdb: {  	v44 =	vor.u32 v44, v45  }
0xdc: {  	v45 =	vperm.xlane v44, v41;
	_ =	sdelay $0x1  }
0xdd: {  	v45 =	vadd.s32 v42, v45;
	_ =	sdelay $0x3  }
0xde: {  	s26 =	simm.s32 $0x13080;
	v44 =	vperm.xlane v44, v43  }
0xdf: {  	[tilespmem:s26], [sflag:$0x1] =	stream.indirect_vreg.gather [hbm4b:s2+s3], $0x80, v45, vm0, $0xb8;
	[tilespmem:$0x1C080] =	vst v63  }
0xe0: {  	s28 =	simm.s32 $0x13880;
	v44 =	vadd.s32 v42, v44  }
0xe1: {  	[tilespmem:s28], [sflag:$0x1] =	stream.indirect_vreg.gather [hbm4b:s5+s3], $0x80, v45, vm0, $0xb8;
	[tilespmem:$0x1C080] =	vst v63  }
0xe2: {  	s29 =	simm.s32 $0x14080  }
0xe3: {  	[tilespmem:s29], [sflag:$0x1] =	stream.indirect_vreg.gather [hbm4b:s6+s3], $0x80, v45, vm0, $0xb8;
	[tilespmem:$0x1C080] =	vst v63  }
0xe4: {  	s21 =	simm.s32 $0x14880  }
0xe5: {  	[tilespmem:s21], [sflag:$0x1] =	stream.indirect_vreg.gather [hbm4b:s2+s3], $0x80, v44, vm0, $0xb8;
	[tilespmem:$0x1C080] =	vst v63  }
0xe6: {  	s1 =	simm.s32 $0x15080  }
0xe7: {  	[tilespmem:s1], [sflag:$0x1] =	stream.indirect_vreg.gather [hbm4b:s5+s3], $0x80, v44, vm0, $0xb8;
	[tilespmem:$0x1C080] =	vst v63  }
0xe8: {  	s7 =	simm.s32 $0x15880  }
0xe9: {  	[tilespmem:s7], [sflag:$0x1] =	stream.indirect_vreg.gather [hbm4b:s6+s3], $0x80, v44, vm0, $0xb8;
	[tilespmem:$0x1C080] =	vst v63  }
0xea: {  	v44 =	vld [tilespmem:$0x10020];
	_ =	sdelay $0x4  }
0xeb: {  	v62 =	vshrl.u32 v44, $0x3  }
0xec: {  	v45 =	vmul.u32 $0x30, v62  }
0xed: {  	v44 =	vand.u32 $0x7, v44  }
0xee: {  	v44 =	vor.u32 v44, v45  }
0xef: {  	v45 =	vperm.xlane v44, v41;
	_ =	sdelay $0x1  }
0xf0: {  	v45 =	vadd.s32 v42, v45;
	_ =	sdelay $0x3  }
0xf1: {  	s1 =	simm.s32 $0x16080;
	v44 =	vperm.xlane v44, v43  }
0xf2: {  	[tilespmem:s1], [sflag:$0x1] =	stream.indirect_vreg.gather [hbm4b:s2+s3], $0x80, v45, vm0, $0xb8;
	[tilespmem:$0x1C080] =	vst v63  }
0xf3: {  	s8 =	simm.s32 $0x16880;
	v44 =	vadd.s32 v42, v44  }
0xf4: {  	[tilespmem:s8], [sflag:$0x1] =	stream.indirect_vreg.gather [hbm4b:s5+s3], $0x80, v45, vm0, $0xb8;
	[tilespmem:$0x1C080] =	vst v63  }
0xf5: {  	s9 =	simm.s32 $0x17080  }
0xf6: {  	[tilespmem:s9], [sflag:$0x1] =	stream.indirect_vreg.gather [hbm4b:s6+s3], $0x80, v45, vm0, $0xb8;
	[tilespmem:$0x1C080] =	vst v63  }
0xf7: {  	s10 =	simm.s32 $0x17880  }
0xf8: {  	[tilespmem:s10], [sflag:$0x1] =	stream.indirect_vreg.gather [hbm4b:s2+s3], $0x80, v44, vm0, $0xb8;
	[tilespmem:$0x1C080] =	vst v63  }
0xf9: {  	s11 =	simm.s32 $0x18080  }
0xfa: {  	[tilespmem:s11], [sflag:$0x1] =	stream.indirect_vreg.gather [hbm4b:s5+s3], $0x80, v44, vm0, $0xb8;
	[tilespmem:$0x1C080] =	vst v63  }
0xfb: {  	s12 =	simm.s32 $0x18880  }
0xfc: {  	[tilespmem:s12], [sflag:$0x1] =	stream.indirect_vreg.gather [hbm4b:s6+s3], $0x80, v44, vm0, $0xb8;
	[tilespmem:$0x1C080] =	vst v63  }
0xfd: {  	v44 =	vld [tilespmem:$0x10030];
	_ =	sdelay $0x4  }
0xfe: {  	v63 =	vshrl.u32 v44, $0x3  }
0xff: {  	v45 =	vmul.u32 $0x30, v63  }
0x100: {  	v44 =	vand.u32 $0x7, v44  }
0x101: {  	v44 =	vor.u32 v44, v45  }
0x102: {  	v45 =	vperm.xlane v44, v41;
	_ =	sdelay $0x1  }
0x103: {  	v45 =	vadd.s32 v42, v45;
	_ =	sdelay $0x3  }
0x104: {  	s13 =	simm.s32 $0x19080;
	v44 =	vperm.xlane v44, v43  }
0x105: {  	[tilespmem:s13], [sflag:$0x1] =	stream.indirect_vreg.gather [hbm4b:s2+s3], $0x80, v45, vm0, $0xb8;
	[tilespmem:$0x1C080] =	vst v63  }
0x106: {  	s14 =	simm.s32 $0x19880;
	v44 =	vadd.s32 v42, v44  }
0x107: {  	[tilespmem:s14], [sflag:$0x1] =	stream.indirect_vreg.gather [hbm4b:s5+s3], $0x80, v45, vm0, $0xb8;
	[tilespmem:$0x1C080] =	vst v63  }
0x108: {  	s13 =	simm.s32 $0x1A080  }
0x109: {  	[tilespmem:s13], [sflag:$0x1] =	stream.indirect_vreg.gather [hbm4b:s6+s3], $0x80, v45, vm0, $0xb8;
	[tilespmem:$0x1C080] =	vst v63  }
0x10a: {  	s14 =	simm.s32 $0x1A880  }
0x10b: {  	[tilespmem:s14], [sflag:$0x1] =	stream.indirect_vreg.gather [hbm4b:s2+s3], $0x80, v44, vm0, $0xb8;
	[tilespmem:$0x1C080] =	vst v63  }
0x10c: {  	s22 =	simm.s32 $0x1B080  }
0x10d: {  	[tilespmem:s22], [sflag:$0x1] =	stream.indirect_vreg.gather [hbm4b:s5+s3], $0x80, v44, vm0, $0xb8;
	[tilespmem:$0x1C080] =	vst v63  }
0x10e: {  	s4 =	simm.s32 $0x1B880  }
0x10f: {  	[tilespmem:s4], [sflag:$0x1] =	stream.indirect_vreg.gather [hbm4b:s6+s3], $0x80, v44, vm0, $0xb8;
	[tilespmem:$0x1C080] =	vst v63  }
0x110: {  	_ =	swait.ge [sflag:s17], $0xC000  }
0x111: {  	[sflag:s17] =	ssyncset.done $0x0  }
0x112: {  	s22 =	rddreg [dreg:$0x5];
	[sflag:s17] =	ssyncadd.s32 $0xFFFF4000  }
0x113: {  	[hbm4b:s22+s3] =	stream.linear.scatter [tilespmem:s20], [sflag:$0x2], $0xC000, $0x38;
	[tilespmem:$0x1C080] =	vst v63  }
0x114: {  	_ =	swait.ge [sflag:s18], $0xC000  }
0x115: {  	[sflag:s18] =	ssyncset.done $0x0  }
0x116: {  	[sflag:s18] =	ssyncadd.s32 $0xFFFF4000  }
0x117: {  	v48 =	vld.idx.msk [tilespmem:v9+s19+$0x0], $0xffff;
	_ =	sdelay $0x4  }
0x118: {  	[tilespmem:$0x10000] =	vst v48  }
0x119: {  	v49 =	vld.idx.msk [tilespmem:v10+s19+$0x0], $0xffff;
	_ =	sdelay $0x4  }
0x11a: {  	[tilespmem:$0x10010] =	vst v49  }
0x11b: {  	v45 =	vld.idx.msk [tilespmem:v11+s19+$0x0], $0xffff  }
0x11c: {  	v50 =	vshrl.u32 v48, $0x3  }
0x11d: {  	v46 =	vmul.u32 $0x30, v50  }
0x11e: {  	v44 =	vand.u32 $0x7, v48  }
0x11f: {  	v44 =	vor.u32 v44, v46  }
0x120: {  	v51 =	vperm.xlane v44, v41;
	[tilespmem:$0x10020] =	vst v45  }
0x121: {  	v52 =	vld.idx.msk [tilespmem:v12+s19+$0x0], $0xffff  }
0x122: {  	v45 =	vadd.s32 v42, v51;
	_ =	sdelay $0x3  }
0x123: {  	v44 =	vperm.xlane v44, v43;
	[tilespmem:$0x10030] =	vst v52  }
0x124: {  	[tilespmem:s20], [sflag:$0x1] =	stream.indirect_vreg.gather [hbm4b:s2+s3], $0x80, v45, vm0, $0xb8;
	[tilespmem:$0x1C080] =	vst v63  }
0x125: {  	s23 =	simm.s32 $0x10880;
	v44 =	vadd.s32 v42, v44  }
0x126: {  	[tilespmem:s23], [sflag:$0x1] =	stream.indirect_vreg.gather [hbm4b:s5+s3], $0x80, v45, vm0, $0xb8;
	[tilespmem:$0x1C080] =	vst v63  }
0x127: {  	s24 =	simm.s32 $0x11080  }
0x128: {  	[tilespmem:s24], [sflag:$0x1] =	stream.indirect_vreg.gather [hbm4b:s6+s3], $0x80, v45, vm0, $0xb8;
	[tilespmem:$0x1C080] =	vst v63  }
0x129: {  	s25 =	simm.s32 $0x11880  }
0x12a: {  	[tilespmem:s25], [sflag:$0x1] =	stream.indirect_vreg.gather [hbm4b:s2+s3], $0x80, v44, vm0, $0xb8;
	[tilespmem:$0x1C080] =	vst v63  }
0x12b: {  	s30 =	simm.s32 $0x12080  }
0x12c: {  	[tilespmem:s30], [sflag:$0x1] =	stream.indirect_vreg.gather [hbm4b:s5+s3], $0x80, v44, vm0, $0xb8;
	[tilespmem:$0x1C080] =	vst v63  }
0x12d: {  	s0 =	simm.s32 $0x12880  }
0x12e: {  	[tilespmem:s0], [sflag:$0x1] =	stream.indirect_vreg.gather [hbm4b:s6+s3], $0x80, v44, vm0, $0xb8;
	[tilespmem:$0x1C080] =	vst v63  }
0x12f: {  	v44 =	vld [tilespmem:$0x10010];
	_ =	sdelay $0x4  }
0x130: {  	v53 =	vshrl.u32 v44, $0x3  }
0x131: {  	v45 =	vmul.u32 $0x30, v53  }
0x132: {  	v44 =	vand.u32 $0x7, v44  }
0x133: {  	v44 =	vor.u32 v44, v45  }
0x134: {  	v45 =	vperm.xlane v44, v41;
	_ =	sdelay $0x1  }
0x135: {  	v45 =	vadd.s32 v42, v45;
	_ =	sdelay $0x3  }
0x136: {  	s15 =	simm.s32 $0x13080;
	v44 =	vperm.xlane v44, v43  }
0x137: {  	[tilespmem:s15], [sflag:$0x1] =	stream.indirect_vreg.gather [hbm4b:s2+s3], $0x80, v45, vm0, $0xb8;
	[tilespmem:$0x1C080] =	vst v63  }
0x138: {  	s16 =	simm.s32 $0x13880;
	v44 =	vadd.s32 v42, v44  }
0x139: {  	[tilespmem:s16], [sflag:$0x1] =	stream.indirect_vreg.gather [hbm4b:s5+s3], $0x80, v45, vm0, $0xb8;
	[tilespmem:$0x1C080] =	vst v63  }
0x13a: {  	s30 =	simm.s32 $0x14080  }
0x13b: {  	[tilespmem:s30], [sflag:$0x1] =	stream.indirect_vreg.gather [hbm4b:s6+s3], $0x80, v45, vm0, $0xb8;
	[tilespmem:$0x1C080] =	vst v63  }
0x13c: {  	_ = 	snop  }
0x13d: {  	[tilespmem:s21], [sflag:$0x1] =	stream.indirect_vreg.gather [hbm4b:s2+s3], $0x80, v44, vm0, $0xb8;
	[tilespmem:$0x1C080] =	vst v63  }
0x13e: {  	s26 =	simm.s32 $0x15080  }
0x13f: {  	[tilespmem:s26], [sflag:$0x1] =	stream.indirect_vreg.gather [hbm4b:s5+s3], $0x80, v44, vm0, $0xb8;
	[tilespmem:$0x1C080] =	vst v63  }
0x140: {  	_ = 	snop  }
0x141: {  	[tilespmem:s7], [sflag:$0x1] =	stream.indirect_vreg.gather [hbm4b:s6+s3], $0x80, v44, vm0, $0xb8;
	[tilespmem:$0x1C080] =	vst v63  }
0x142: {  	v44 =	vld [tilespmem:$0x10020];
	_ =	sdelay $0x4  }
0x143: {  	v54 =	vshrl.u32 v44, $0x3  }
0x144: {  	v45 =	vmul.u32 $0x30, v54  }
0x145: {  	v44 =	vand.u32 $0x7, v44  }
0x146: {  	v44 =	vor.u32 v44, v45  }
0x147: {  	v45 =	vperm.xlane v44, v41;
	_ =	sdelay $0x1  }
0x148: {  	v45 =	vadd.s32 v42, v45;
	_ =	sdelay $0x3  }
0x149: {  	v44 =	vperm.xlane v44, v43  }
0x14a: {  	[tilespmem:s1], [sflag:$0x1] =	stream.indirect_vreg.gather [hbm4b:s2+s3], $0x80, v45, vm0, $0xb8;
	[tilespmem:$0x1C080] =	vst v63  }
0x14b: {  	s28 =	simm.s32 $0x16880;
	v44 =	vadd.s32 v42, v44  }
0x14c: {  	[tilespmem:s28], [sflag:$0x1] =	stream.indirect_vreg.gather [hbm4b:s5+s3], $0x80, v45, vm0, $0xb8;
	[tilespmem:$0x1C080] =	vst v63  }
0x14d: {  	s31 =	simm.s32 $0x17080  }
0x14e: {  	[tilespmem:s31], [sflag:$0x1] =	stream.indirect_vreg.gather [hbm4b:s6+s3], $0x80, v45, vm0, $0xb8;
	[tilespmem:$0x1C080] =	vst v63  }
0x14f: {  	s8 =	simm.s32 $0x17880  }
0x150: {  	[tilespmem:s8], [sflag:$0x1] =	stream.indirect_vreg.gather [hbm4b:s2+s3], $0x80, v44, vm0, $0xb8;
	[tilespmem:$0x1C080] =	vst v63  }
0x151: {  	s9 =	simm.s32 $0x18080  }
0x152: {  	[tilespmem:s9], [sflag:$0x1] =	stream.indirect_vreg.gather [hbm4b:s5+s3], $0x80, v44, vm0, $0xb8;
	[tilespmem:$0x1C080] =	vst v63  }
0x153: {  	s29 =	simm.s32 $0x18880  }
0x154: {  	[tilespmem:s29], [sflag:$0x1] =	stream.indirect_vreg.gather [hbm4b:s6+s3], $0x80, v44, vm0, $0xb8;
	[tilespmem:$0x1C080] =	vst v63  }
0x155: {  	v44 =	vld [tilespmem:$0x10030];
	_ =	sdelay $0x4  }
0x156: {  	v55 =	vshrl.u32 v44, $0x3  }
0x157: {  	v45 =	vmul.u32 $0x30, v55  }
0x158: {  	v44 =	vand.u32 $0x7, v44  }
0x159: {  	v44 =	vor.u32 v44, v45  }
0x15a: {  	v45 =	vperm.xlane v44, v41;
	_ =	sdelay $0x1  }
0x15b: {  	v45 =	vadd.s32 v42, v45;
	_ =	sdelay $0x3  }
0x15c: {  	s10 =	simm.s32 $0x19080;
	v44 =	vperm.xlane v44, v43  }
0x15d: {  	[tilespmem:s10], [sflag:$0x1] =	stream.indirect_vreg.gather [hbm4b:s2+s3], $0x80, v45, vm0, $0xb8;
	[tilespmem:$0x1C080] =	vst v63  }
0x15e: {  	s11 =	simm.s32 $0x19880;
	v44 =	vadd.s32 v42, v44  }
0x15f: {  	[tilespmem:s11], [sflag:$0x1] =	stream.indirect_vreg.gather [hbm4b:s5+s3], $0x80, v45, vm0, $0xb8;
	[tilespmem:$0x1C080] =	vst v63  }
0x160: {  	s12 =	simm.s32 $0x1A080  }
0x161: {  	[tilespmem:s12], [sflag:$0x1] =	stream.indirect_vreg.gather [hbm4b:s6+s3], $0x80, v45, vm0, $0xb8;
	[tilespmem:$0x1C080] =	vst v63  }
0x162: {  	s13 =	simm.s32 $0x1A880  }
0x163: {  	[tilespmem:s13], [sflag:$0x1] =	stream.indirect_vreg.gather [hbm4b:s2+s3], $0x80, v44, vm0, $0xb8;
	[tilespmem:$0x1C080] =	vst v63  }
0x164: {  	s14 =	simm.s32 $0x1B080  }
0x165: {  	[tilespmem:s14], [sflag:$0x1] =	stream.indirect_vreg.gather [hbm4b:s5+s3], $0x80, v44, vm0, $0xb8;
	[tilespmem:$0x1C080] =	vst v63  }
0x166: {  	s4 =	simm.s32 $0x1B880  }
0x167: {  	[tilespmem:s4], [sflag:$0x1] =	stream.indirect_vreg.gather [hbm4b:s6+s3], $0x80, v44, vm0, $0xb8;
	[tilespmem:$0x1C080] =	vst v63  }
0x168: {  	_ =	swait.ge [sflag:s17], $0xC000  }
0x169: {  	[sflag:s17] =	ssyncset.done $0x0  }
0x16a: {  	s14 =	rddreg [dreg:$0x6];
	[sflag:s17] =	ssyncadd.s32 $0xFFFF4000  }
0x16b: {  	[hbm4b:s14+s3] =	stream.linear.scatter [tilespmem:s20], [sflag:$0x2], $0xC000, $0x38;
	[tilespmem:$0x1C080] =	vst v63  }
0x16c: {  	_ =	swait.ge [sflag:s18], $0xC000  }
0x16d: {  	[sflag:s18] =	ssyncset.done $0x0  }
0x16e: {  	[sflag:s18] =	ssyncadd.s32 $0xFFFF4000  }
0x16f: {  	v56 =	vld.idx.msk [tilespmem:v13+s19+$0x0], $0xffff;
	_ =	sdelay $0x4  }
0x170: {  	[tilespmem:$0x10000] =	vst v56  }
0x171: {  	v57 =	vld.idx.msk [tilespmem:v14+s19+$0x0], $0xffff;
	_ =	sdelay $0x4  }
0x172: {  	[tilespmem:$0x10010] =	vst v57  }
0x173: {  	v45 =	vld.idx.msk [tilespmem:v15+s19+$0x0], $0xffff  }
0x174: {  	v58 =	vshrl.u32 v56, $0x3  }
0x175: {  	v46 =	vmul.u32 $0x30, v58  }
0x176: {  	v44 =	vand.u32 $0x7, v56  }
0x177: {  	v44 =	vor.u32 v44, v46  }
0x178: {  	v59 =	vperm.xlane v44, v41;
	[tilespmem:$0x10020] =	vst v45  }
0x179: {  	v60 =	vld.idx.msk [tilespmem:v16+s19+$0x0], $0xffff  }
0x17a: {  	v45 =	vadd.s32 v42, v59;
	_ =	sdelay $0x3  }
0x17b: {  	v44 =	vperm.xlane v44, v43;
	[tilespmem:$0x10030] =	vst v60  }
0x17c: {  	[tilespmem:s20], [sflag:$0x1] =	stream.indirect_vreg.gather [hbm4b:s2+s3], $0x80, v45, vm0, $0xb8;
	[tilespmem:$0x1C080] =	vst v63  }
0x17d: {  	s29 =	simm.s32 $0x10880;
	v44 =	vadd.s32 v42, v44  }
0x17e: {  	[tilespmem:s29], [sflag:$0x1] =	stream.indirect_vreg.gather [hbm4b:s5+s3], $0x80, v45, vm0, $0xb8;
	[tilespmem:$0x1C080] =	vst v63  }
0x17f: {  	s22 =	simm.s32 $0x11080  }
0x180: {  	[tilespmem:s22], [sflag:$0x1] =	stream.indirect_vreg.gather [hbm4b:s6+s3], $0x80, v45, vm0, $0xb8;
	[tilespmem:$0x1C080] =	vst v63  }
0x181: {  	s22 =	simm.s32 $0x11880  }
0x182: {  	[tilespmem:s22], [sflag:$0x1] =	stream.indirect_vreg.gather [hbm4b:s2+s3], $0x80, v44, vm0, $0xb8;
	[tilespmem:$0x1C080] =	vst v63  }
0x183: {  	s23 =	simm.s32 $0x12080  }
0x184: {  	[tilespmem:s23], [sflag:$0x1] =	stream.indirect_vreg.gather [hbm4b:s5+s3], $0x80, v44, vm0, $0xb8;
	[tilespmem:$0x1C080] =	vst v63  }
0x185: {  	s0 =	simm.s32 $0x12880  }
0x186: {  	[tilespmem:s0], [sflag:$0x1] =	stream.indirect_vreg.gather [hbm4b:s6+s3], $0x80, v44, vm0, $0xb8;
	[tilespmem:$0x1C080] =	vst v63  }
0x187: {  	v44 =	vld [tilespmem:$0x10010];
	_ =	sdelay $0x4  }
0x188: {  	v61 =	vshrl.u32 v44, $0x3  }
0x189: {  	v45 =	vmul.u32 $0x30, v61  }
0x18a: {  	v44 =	vand.u32 $0x7, v44  }
0x18b: {  	v44 =	vor.u32 v44, v45  }
0x18c: {  	v45 =	vperm.xlane v44, v41;
	_ =	sdelay $0x1  }
0x18d: {  	v45 =	vadd.s32 v42, v45;
	_ =	sdelay $0x3  }
0x18e: {  	s24 =	simm.s32 $0x13080;
	v44 =	vperm.xlane v44, v43  }
0x18f: {  	[tilespmem:s24], [sflag:$0x1] =	stream.indirect_vreg.gather [hbm4b:s2+s3], $0x80, v45, vm0, $0xb8;
	[tilespmem:$0x1C080] =	vst v63  }
0x190: {  	s25 =	simm.s32 $0x13880;
	v44 =	vadd.s32 v42, v44  }
0x191: {  	[tilespmem:s25], [sflag:$0x1] =	stream.indirect_vreg.gather [hbm4b:s5+s3], $0x80, v45, vm0, $0xb8;
	[tilespmem:$0x1C080] =	vst v63  }
0x192: {  	s30 =	simm.s32 $0x14080  }
0x193: {  	[tilespmem:s30], [sflag:$0x1] =	stream.indirect_vreg.gather [hbm4b:s6+s3], $0x80, v45, vm0, $0xb8;
	[tilespmem:$0x1C080] =	vst v63  }
0x194: {  	s15 =	simm.s32 $0x14880  }
0x195: {  	[tilespmem:s15], [sflag:$0x1] =	stream.indirect_vreg.gather [hbm4b:s2+s3], $0x80, v44, vm0, $0xb8;
	[tilespmem:$0x1C080] =	vst v63  }
0x196: {  	s21 =	simm.s32 $0x15080  }
0x197: {  	[tilespmem:s21], [sflag:$0x1] =	stream.indirect_vreg.gather [hbm4b:s5+s3], $0x80, v44, vm0, $0xb8;
	[tilespmem:$0x1C080] =	vst v63  }
0x198: {  	s7 =	simm.s32 $0x15880  }
0x199: {  	[tilespmem:s7], [sflag:$0x1] =	stream.indirect_vreg.gather [hbm4b:s6+s3], $0x80, v44, vm0, $0xb8;
	[tilespmem:$0x1C080] =	vst v63  }
0x19a: {  	v44 =	vld [tilespmem:$0x10020];
	_ =	sdelay $0x4  }
0x19b: {  	v62 =	vshrl.u32 v44, $0x3  }
0x19c: {  	v45 =	vmul.u32 $0x30, v62  }
0x19d: {  	v44 =	vand.u32 $0x7, v44  }
0x19e: {  	v44 =	vor.u32 v44, v45  }
0x19f: {  	v45 =	vperm.xlane v44, v41;
	_ =	sdelay $0x1  }
0x1a0: {  	v45 =	vadd.s32 v42, v45;
	_ =	sdelay $0x3  }
0x1a1: {  	s1 =	simm.s32 $0x16080;
	v44 =	vperm.xlane v44, v43  }
0x1a2: {  	[tilespmem:s1], [sflag:$0x1] =	stream.indirect_vreg.gather [hbm4b:s2+s3], $0x80, v45, vm0, $0xb8;
	[tilespmem:$0x1C080] =	vst v63  }
0x1a3: {  	s16 =	simm.s32 $0x16880;
	v44 =	vadd.s32 v42, v44  }
0x1a4: {  	[tilespmem:s16], [sflag:$0x1] =	stream.indirect_vreg.gather [hbm4b:s5+s3], $0x80, v45, vm0, $0xb8;
	[tilespmem:$0x1C080] =	vst v63  }
0x1a5: {  	s31 =	simm.s32 $0x17080  }
0x1a6: {  	[tilespmem:s31], [sflag:$0x1] =	stream.indirect_vreg.gather [hbm4b:s6+s3], $0x80, v45, vm0, $0xb8;
	[tilespmem:$0x1C080] =	vst v63  }
0x1a7: {  	s8 =	simm.s32 $0x17880  }
0x1a8: {  	[tilespmem:s8], [sflag:$0x1] =	stream.indirect_vreg.gather [hbm4b:s2+s3], $0x80, v44, vm0, $0xb8;
	[tilespmem:$0x1C080] =	vst v63  }
0x1a9: {  	s9 =	simm.s32 $0x18080  }
0x1aa: {  	[tilespmem:s9], [sflag:$0x1] =	stream.indirect_vreg.gather [hbm4b:s5+s3], $0x80, v44, vm0, $0xb8;
	[tilespmem:$0x1C080] =	vst v63  }
0x1ab: {  	s26 =	simm.s32 $0x18880  }
0x1ac: {  	[tilespmem:s26], [sflag:$0x1] =	stream.indirect_vreg.gather [hbm4b:s6+s3], $0x80, v44, vm0, $0xb8;
	[tilespmem:$0x1C080] =	vst v63  }
0x1ad: {  	v44 =	vld [tilespmem:$0x10030];
	_ =	sdelay $0x4  }
0x1ae: {  	v63 =	vshrl.u32 v44, $0x3  }
0x1af: {  	v45 =	vmul.u32 $0x30, v63  }
0x1b0: {  	v44 =	vand.u32 $0x7, v44  }
0x1b1: {  	v44 =	vor.u32 v44, v45  }
0x1b2: {  	v45 =	vperm.xlane v44, v41;
	_ =	sdelay $0x1  }
0x1b3: {  	v45 =	vadd.s32 v42, v45;
	_ =	sdelay $0x3  }
0x1b4: {  	s28 =	simm.s32 $0x19080;
	v44 =	vperm.xlane v44, v43  }
0x1b5: {  	[tilespmem:s28], [sflag:$0x1] =	stream.indirect_vreg.gather [hbm4b:s2+s3], $0x80, v45, vm0, $0xb8;
	[tilespmem:$0x1C080] =	vst v63  }
0x1b6: {  	s10 =	simm.s32 $0x19880;
	v44 =	vadd.s32 v42, v44  }
0x1b7: {  	[tilespmem:s10], [sflag:$0x1] =	stream.indirect_vreg.gather [hbm4b:s5+s3], $0x80, v45, vm0, $0xb8;
	[tilespmem:$0x1C080] =	vst v63  }
0x1b8: {  	s11 =	simm.s32 $0x1A080  }
0x1b9: {  	[tilespmem:s11], [sflag:$0x1] =	stream.indirect_vreg.gather [hbm4b:s6+s3], $0x80, v45, vm0, $0xb8;
	[tilespmem:$0x1C080] =	vst v63  }
0x1ba: {  	s12 =	simm.s32 $0x1A880  }
0x1bb: {  	[tilespmem:s12], [sflag:$0x1] =	stream.indirect_vreg.gather [hbm4b:s2+s3], $0x80, v44, vm0, $0xb8;
	[tilespmem:$0x1C080] =	vst v63  }
0x1bc: {  	s13 =	simm.s32 $0x1B080  }
0x1bd: {  	[tilespmem:s13], [sflag:$0x1] =	stream.indirect_vreg.gather [hbm4b:s5+s3], $0x80, v44, vm0, $0xb8;
	[tilespmem:$0x1C080] =	vst v63  }
0x1be: {  	s4 =	simm.s32 $0x1B880  }
0x1bf: {  	[tilespmem:s4], [sflag:$0x1] =	stream.indirect_vreg.gather [hbm4b:s6+s3], $0x80, v44, vm0, $0xb8;
	[tilespmem:$0x1C080] =	vst v63  }
0x1c0: {  	_ =	swait.ge [sflag:s17], $0xC000  }
0x1c1: {  	[sflag:s17] =	ssyncset.done $0x0  }
0x1c2: {  	s28 =	rddreg [dreg:$0x7];
	[sflag:s17] =	ssyncadd.s32 $0xFFFF4000  }
0x1c3: {  	[hbm4b:s28+s3] =	stream.linear.scatter [tilespmem:s20], [sflag:$0x2], $0xC000, $0x38;
	[tilespmem:$0x1C080] =	vst v63  }
0x1c4: {  	_ =	swait.ge [sflag:s18], $0xC000  }
0x1c5: {  	[sflag:s18] =	ssyncset.done $0x0  }
0x1c6: {  	[sflag:s18] =	ssyncadd.s32 $0xFFFF4000  }
0x1c7: {  	v48 =	vld.idx.msk [tilespmem:v17+s19+$0x0], $0xffff;
	_ =	sdelay $0x4  }
0x1c8: {  	[tilespmem:$0x10000] =	vst v48  }
0x1c9: {  	v49 =	vld.idx.msk [tilespmem:v18+s19+$0x0], $0xffff;
	_ =	sdelay $0x4  }
0x1ca: {  	[tilespmem:$0x10010] =	vst v49  }
0x1cb: {  	v45 =	vld.idx.msk [tilespmem:v19+s19+$0x0], $0xffff  }
0x1cc: {  	v50 =	vshrl.u32 v48, $0x3  }
0x1cd: {  	v46 =	vmul.u32 $0x30, v50  }
0x1ce: {  	v44 =	vand.u32 $0x7, v48  }
0x1cf: {  	v44 =	vor.u32 v44, v46  }
0x1d0: {  	v51 =	vperm.xlane v44, v41;
	[tilespmem:$0x10020] =	vst v45  }
0x1d1: {  	v52 =	vld.idx.msk [tilespmem:v20+s19+$0x0], $0xffff  }
0x1d2: {  	v45 =	vadd.s32 v42, v51;
	_ =	sdelay $0x3  }
0x1d3: {  	v44 =	vperm.xlane v44, v43;
	[tilespmem:$0x10030] =	vst v52  }
0x1d4: {  	[tilespmem:s20], [sflag:$0x1] =	stream.indirect_vreg.gather [hbm4b:s2+s3], $0x80, v45, vm0, $0xb8;
	[tilespmem:$0x1C080] =	vst v63  }
0x1d5: {  	s29 =	simm.s32 $0x10880;
	v44 =	vadd.s32 v42, v44  }
0x1d6: {  	[tilespmem:s29], [sflag:$0x1] =	stream.indirect_vreg.gather [hbm4b:s5+s3], $0x80, v45, vm0, $0xb8;
	[tilespmem:$0x1C080] =	vst v63  }
0x1d7: {  	s29 =	simm.s32 $0x11080  }
0x1d8: {  	[tilespmem:s29], [sflag:$0x1] =	stream.indirect_vreg.gather [hbm4b:s6+s3], $0x80, v45, vm0, $0xb8;
	[tilespmem:$0x1C080] =	vst v63  }
0x1d9: {  	s29 =	simm.s32 $0x11880  }
0x1da: {  	[tilespmem:s29], [sflag:$0x1] =	stream.indirect_vreg.gather [hbm4b:s2+s3], $0x80, v44, vm0, $0xb8;
	[tilespmem:$0x1C080] =	vst v63  }
0x1db: {  	s14 =	simm.s32 $0x12080  }
0x1dc: {  	[tilespmem:s14], [sflag:$0x1] =	stream.indirect_vreg.gather [hbm4b:s5+s3], $0x80, v44, vm0, $0xb8;
	[tilespmem:$0x1C080] =	vst v63  }
0x1dd: {  	s0 =	simm.s32 $0x12880  }
0x1de: {  	[tilespmem:s0], [sflag:$0x1] =	stream.indirect_vreg.gather [hbm4b:s6+s3], $0x80, v44, vm0, $0xb8;
	[tilespmem:$0x1C080] =	vst v63  }
0x1df: {  	v44 =	vld [tilespmem:$0x10010];
	_ =	sdelay $0x4  }
0x1e0: {  	v53 =	vshrl.u32 v44, $0x3  }
0x1e1: {  	v45 =	vmul.u32 $0x30, v53  }
0x1e2: {  	v44 =	vand.u32 $0x7, v44  }
0x1e3: {  	v44 =	vor.u32 v44, v45  }
0x1e4: {  	v45 =	vperm.xlane v44, v41;
	_ =	sdelay $0x1  }
0x1e5: {  	v45 =	vadd.s32 v42, v45;
	_ =	sdelay $0x3  }
0x1e6: {  	s24 =	simm.s32 $0x13080;
	v44 =	vperm.xlane v44, v43  }
0x1e7: {  	[tilespmem:s24], [sflag:$0x1] =	stream.indirect_vreg.gather [hbm4b:s2+s3], $0x80, v45, vm0, $0xb8;
	[tilespmem:$0x1C080] =	vst v63  }
0x1e8: {  	s25 =	simm.s32 $0x13880;
	v44 =	vadd.s32 v42, v44  }
0x1e9: {  	[tilespmem:s25], [sflag:$0x1] =	stream.indirect_vreg.gather [hbm4b:s5+s3], $0x80, v45, vm0, $0xb8;
	[tilespmem:$0x1C080] =	vst v63  }
0x1ea: {  	s23 =	simm.s32 $0x14080  }
0x1eb: {  	[tilespmem:s23], [sflag:$0x1] =	stream.indirect_vreg.gather [hbm4b:s6+s3], $0x80, v45, vm0, $0xb8;
	[tilespmem:$0x1C080] =	vst v63  }
0x1ec: {  	s15 =	simm.s32 $0x14880  }
0x1ed: {  	[tilespmem:s15], [sflag:$0x1] =	stream.indirect_vreg.gather [hbm4b:s2+s3], $0x80, v44, vm0, $0xb8;
	[tilespmem:$0x1C080] =	vst v63  }
0x1ee: {  	s21 =	simm.s32 $0x15080  }
0x1ef: {  	[tilespmem:s21], [sflag:$0x1] =	stream.indirect_vreg.gather [hbm4b:s5+s3], $0x80, v44, vm0, $0xb8;
	[tilespmem:$0x1C080] =	vst v63  }
0x1f0: {  	s7 =	simm.s32 $0x15880  }
0x1f1: {  	[tilespmem:s7], [sflag:$0x1] =	stream.indirect_vreg.gather [hbm4b:s6+s3], $0x80, v44, vm0, $0xb8;
	[tilespmem:$0x1C080] =	vst v63  }
0x1f2: {  	v44 =	vld [tilespmem:$0x10020];
	_ =	sdelay $0x4  }
0x1f3: {  	v54 =	vshrl.u32 v44, $0x3  }
0x1f4: {  	v45 =	vmul.u32 $0x30, v54  }
0x1f5: {  	v44 =	vand.u32 $0x7, v44  }
0x1f6: {  	v44 =	vor.u32 v44, v45  }
0x1f7: {  	v45 =	vperm.xlane v44, v41;
	_ =	sdelay $0x1  }
0x1f8: {  	v45 =	vadd.s32 v42, v45;
	_ =	sdelay $0x3  }
0x1f9: {  	s1 =	simm.s32 $0x16080;
	v44 =	vperm.xlane v44, v43  }
0x1fa: {  	[tilespmem:s1], [sflag:$0x1] =	stream.indirect_vreg.gather [hbm4b:s2+s3], $0x80, v45, vm0, $0xb8;
	[tilespmem:$0x1C080] =	vst v63  }
0x1fb: {  	s16 =	simm.s32 $0x16880;
	v44 =	vadd.s32 v42, v44  }
0x1fc: {  	[tilespmem:s16], [sflag:$0x1] =	stream.indirect_vreg.gather [hbm4b:s5+s3], $0x80, v45, vm0, $0xb8;
	[tilespmem:$0x1C080] =	vst v63  }
0x1fd: {  	s31 =	simm.s32 $0x17080  }
0x1fe: {  	[tilespmem:s31], [sflag:$0x1] =	stream.indirect_vreg.gather [hbm4b:s6+s3], $0x80, v45, vm0, $0xb8;
	[tilespmem:$0x1C080] =	vst v63  }
0x1ff: {  	s30 =	simm.s32 $0x17880  }
0x200: {  	[tilespmem:s30], [sflag:$0x1] =	stream.indirect_vreg.gather [hbm4b:s2+s3], $0x80, v44, vm0, $0xb8;
	[tilespmem:$0x1C080] =	vst v63  }
0x201: {  	s8 =	simm.s32 $0x18080  }
0x202: {  	[tilespmem:s8], [sflag:$0x1] =	stream.indirect_vreg.gather [hbm4b:s5+s3], $0x80, v44, vm0, $0xb8;
	[tilespmem:$0x1C080] =	vst v63  }
0x203: {  	s9 =	simm.s32 $0x18880  }
0x204: {  	[tilespmem:s9], [sflag:$0x1] =	stream.indirect_vreg.gather [hbm4b:s6+s3], $0x80, v44, vm0, $0xb8;
	[tilespmem:$0x1C080] =	vst v63  }
0x205: {  	v44 =	vld [tilespmem:$0x10030];
	_ =	sdelay $0x4  }
0x206: {  	v55 =	vshrl.u32 v44, $0x3  }
0x207: {  	v45 =	vmul.u32 $0x30, v55  }
0x208: {  	v44 =	vand.u32 $0x7, v44  }
0x209: {  	v44 =	vor.u32 v44, v45  }
0x20a: {  	v45 =	vperm.xlane v44, v41;
	_ =	sdelay $0x1  }
0x20b: {  	v45 =	vadd.s32 v42, v45;
	_ =	sdelay $0x3  }
0x20c: {  	s26 =	simm.s32 $0x19080;
	v44 =	vperm.xlane v44, v43  }
0x20d: {  	[tilespmem:s26], [sflag:$0x1] =	stream.indirect_vreg.gather [hbm4b:s2+s3], $0x80, v45, vm0, $0xb8;
	[tilespmem:$0x1C080] =	vst v63  }
0x20e: {  	s10 =	simm.s32 $0x19880;
	v44 =	vadd.s32 v42, v44  }
0x20f: {  	[tilespmem:s10], [sflag:$0x1] =	stream.indirect_vreg.gather [hbm4b:s5+s3], $0x80, v45, vm0, $0xb8;
	[tilespmem:$0x1C080] =	vst v63  }
0x210: {  	s11 =	simm.s32 $0x1A080  }
0x211: {  	[tilespmem:s11], [sflag:$0x1] =	stream.indirect_vreg.gather [hbm4b:s6+s3], $0x80, v45, vm0, $0xb8;
	[tilespmem:$0x1C080] =	vst v63  }
0x212: {  	s12 =	simm.s32 $0x1A880  }
0x213: {  	[tilespmem:s12], [sflag:$0x1] =	stream.indirect_vreg.gather [hbm4b:s2+s3], $0x80, v44, vm0, $0xb8;
	[tilespmem:$0x1C080] =	vst v63  }
0x214: {  	s13 =	simm.s32 $0x1B080  }
0x215: {  	[tilespmem:s13], [sflag:$0x1] =	stream.indirect_vreg.gather [hbm4b:s5+s3], $0x80, v44, vm0, $0xb8;
	[tilespmem:$0x1C080] =	vst v63  }
0x216: {  	s4 =	simm.s32 $0x1B880  }
0x217: {  	[tilespmem:s4], [sflag:$0x1] =	stream.indirect_vreg.gather [hbm4b:s6+s3], $0x80, v44, vm0, $0xb8;
	[tilespmem:$0x1C080] =	vst v63  }
0x218: {  	_ =	swait.ge [sflag:s17], $0xC000  }
0x219: {  	[sflag:s17] =	ssyncset.done $0x0  }
0x21a: {  	s26 =	rddreg [dreg:$0x8];
	[sflag:s17] =	ssyncadd.s32 $0xFFFF4000  }
0x21b: {  	[hbm4b:s26+s3] =	stream.linear.scatter [tilespmem:s20], [sflag:$0x2], $0xC000, $0x38;
	[tilespmem:$0x1C080] =	vst v63  }
0x21c: {  	_ =	swait.ge [sflag:s18], $0xC000  }
0x21d: {  	[sflag:s18] =	ssyncset.done $0x0  }
0x21e: {  	[sflag:s18] =	ssyncadd.s32 $0xFFFF4000  }
0x21f: {  	v56 =	vld.idx.msk [tilespmem:v21+s19+$0x0], $0xffff;
	_ =	sdelay $0x4  }
0x220: {  	[tilespmem:$0x10000] =	vst v56  }
0x221: {  	v57 =	vld.idx.msk [tilespmem:v22+s19+$0x0], $0xffff;
	_ =	sdelay $0x4  }
0x222: {  	[tilespmem:$0x10010] =	vst v57  }
0x223: {  	v45 =	vld.idx.msk [tilespmem:v23+s19+$0x0], $0xffff  }
0x224: {  	v58 =	vshrl.u32 v56, $0x3  }
0x225: {  	v46 =	vmul.u32 $0x30, v58  }
0x226: {  	v44 =	vand.u32 $0x7, v56  }
0x227: {  	v44 =	vor.u32 v44, v46  }
0x228: {  	v59 =	vperm.xlane v44, v41;
	[tilespmem:$0x10020] =	vst v45  }
0x229: {  	v60 =	vld.idx.msk [tilespmem:v24+s19+$0x0], $0xffff  }
0x22a: {  	v45 =	vadd.s32 v42, v59;
	_ =	sdelay $0x3  }
0x22b: {  	v44 =	vperm.xlane v44, v43;
	[tilespmem:$0x10030] =	vst v60  }
0x22c: {  	[tilespmem:s20], [sflag:$0x1] =	stream.indirect_vreg.gather [hbm4b:s2+s3], $0x80, v45, vm0, $0xb8;
	[tilespmem:$0x1C080] =	vst v63  }
0x22d: {  	s28 =	simm.s32 $0x10880;
	v44 =	vadd.s32 v42, v44  }
0x22e: {  	[tilespmem:s28], [sflag:$0x1] =	stream.indirect_vreg.gather [hbm4b:s5+s3], $0x80, v45, vm0, $0xb8;
	[tilespmem:$0x1C080] =	vst v63  }
0x22f: {  	s30 =	simm.s32 $0x11080  }
0x230: {  	[tilespmem:s30], [sflag:$0x1] =	stream.indirect_vreg.gather [hbm4b:s6+s3], $0x80, v45, vm0, $0xb8;
	[tilespmem:$0x1C080] =	vst v63  }
0x231: {  	s26 =	simm.s32 $0x11880  }
0x232: {  	[tilespmem:s26], [sflag:$0x1] =	stream.indirect_vreg.gather [hbm4b:s2+s3], $0x80, v44, vm0, $0xb8;
	[tilespmem:$0x1C080] =	vst v63  }
0x233: {  	s28 =	simm.s32 $0x12080  }
0x234: {  	[tilespmem:s28], [sflag:$0x1] =	stream.indirect_vreg.gather [hbm4b:s5+s3], $0x80, v44, vm0, $0xb8;
	[tilespmem:$0x1C080] =	vst v63  }
0x235: {  	s29 =	simm.s32 $0x12880  }
0x236: {  	[tilespmem:s29], [sflag:$0x1] =	stream.indirect_vreg.gather [hbm4b:s6+s3], $0x80, v44, vm0, $0xb8;
	[tilespmem:$0x1C080] =	vst v63  }
0x237: {  	v44 =	vld [tilespmem:$0x10010];
	_ =	sdelay $0x4  }
0x238: {  	v61 =	vshrl.u32 v44, $0x3  }
0x239: {  	v45 =	vmul.u32 $0x30, v61  }
0x23a: {  	v44 =	vand.u32 $0x7, v44  }
0x23b: {  	v44 =	vor.u32 v44, v45  }
0x23c: {  	v45 =	vperm.xlane v44, v41;
	_ =	sdelay $0x1  }
0x23d: {  	v45 =	vadd.s32 v42, v45;
	_ =	sdelay $0x3  }
0x23e: {  	s30 =	simm.s32 $0x13080;
	v44 =	vperm.xlane v44, v43  }
0x23f: {  	[tilespmem:s30], [sflag:$0x1] =	stream.indirect_vreg.gather [hbm4b:s2+s3], $0x80, v45, vm0, $0xb8;
	[tilespmem:$0x1C080] =	vst v63  }
0x240: {  	s25 =	simm.s32 $0x13880;
	v44 =	vadd.s32 v42, v44  }
0x241: {  	[tilespmem:s25], [sflag:$0x1] =	stream.indirect_vreg.gather [hbm4b:s5+s3], $0x80, v45, vm0, $0xb8;
	[tilespmem:$0x1C080] =	vst v63  }
0x242: {  	s0 =	simm.s32 $0x14080  }
0x243: {  	[tilespmem:s0], [sflag:$0x1] =	stream.indirect_vreg.gather [hbm4b:s6+s3], $0x80, v45, vm0, $0xb8;
	[tilespmem:$0x1C080] =	vst v63  }
0x244: {  	s14 =	simm.s32 $0x14880  }
0x245: {  	[tilespmem:s14], [sflag:$0x1] =	stream.indirect_vreg.gather [hbm4b:s2+s3], $0x80, v44, vm0, $0xb8;
	[tilespmem:$0x1C080] =	vst v63  }
0x246: {  	s24 =	simm.s32 $0x15080  }
0x247: {  	[tilespmem:s24], [sflag:$0x1] =	stream.indirect_vreg.gather [hbm4b:s5+s3], $0x80, v44, vm0, $0xb8;
	[tilespmem:$0x1C080] =	vst v63  }
0x248: {  	s21 =	simm.s32 $0x15880  }
0x249: {  	[tilespmem:s21], [sflag:$0x1] =	stream.indirect_vreg.gather [hbm4b:s6+s3], $0x80, v44, vm0, $0xb8;
	[tilespmem:$0x1C080] =	vst v63  }
0x24a: {  	v44 =	vld [tilespmem:$0x10020];
	_ =	sdelay $0x4  }
0x24b: {  	v62 =	vshrl.u32 v44, $0x3  }
0x24c: {  	v45 =	vmul.u32 $0x30, v62  }
0x24d: {  	v44 =	vand.u32 $0x7, v44  }
0x24e: {  	v44 =	vor.u32 v44, v45  }
0x24f: {  	v45 =	vperm.xlane v44, v41;
	_ =	sdelay $0x1  }
0x250: {  	v45 =	vadd.s32 v42, v45;
	_ =	sdelay $0x3  }
0x251: {  	s15 =	simm.s32 $0x16080;
	v44 =	vperm.xlane v44, v43  }
0x252: {  	[tilespmem:s15], [sflag:$0x1] =	stream.indirect_vreg.gather [hbm4b:s2+s3], $0x80, v45, vm0, $0xb8;
	[tilespmem:$0x1C080] =	vst v63  }
0x253: {  	s7 =	simm.s32 $0x16880;
	v44 =	vadd.s32 v42, v44  }
0x254: {  	[tilespmem:s7], [sflag:$0x1] =	stream.indirect_vreg.gather [hbm4b:s5+s3], $0x80, v45, vm0, $0xb8;
	[tilespmem:$0x1C080] =	vst v63  }
0x255: {  	s31 =	simm.s32 $0x17080  }
0x256: {  	[tilespmem:s31], [sflag:$0x1] =	stream.indirect_vreg.gather [hbm4b:s6+s3], $0x80, v45, vm0, $0xb8;
	[tilespmem:$0x1C080] =	vst v63  }
0x257: {  	s1 =	simm.s32 $0x17880  }
0x258: {  	[tilespmem:s1], [sflag:$0x1] =	stream.indirect_vreg.gather [hbm4b:s2+s3], $0x80, v44, vm0, $0xb8;
	[tilespmem:$0x1C080] =	vst v63  }
0x259: {  	s23 =	simm.s32 $0x18080  }
0x25a: {  	[tilespmem:s23], [sflag:$0x1] =	stream.indirect_vreg.gather [hbm4b:s5+s3], $0x80, v44, vm0, $0xb8;
	[tilespmem:$0x1C080] =	vst v63  }
0x25b: {  	s8 =	simm.s32 $0x18880  }
0x25c: {  	[tilespmem:s8], [sflag:$0x1] =	stream.indirect_vreg.gather [hbm4b:s6+s3], $0x80, v44, vm0, $0xb8;
	[tilespmem:$0x1C080] =	vst v63  }
0x25d: {  	v44 =	vld [tilespmem:$0x10030];
	_ =	sdelay $0x4  }
0x25e: {  	v63 =	vshrl.u32 v44, $0x3  }
0x25f: {  	v45 =	vmul.u32 $0x30, v63  }
0x260: {  	v44 =	vand.u32 $0x7, v44  }
0x261: {  	v44 =	vor.u32 v44, v45  }
0x262: {  	v45 =	vperm.xlane v44, v41;
	_ =	sdelay $0x1  }
0x263: {  	v45 =	vadd.s32 v42, v45;
	_ =	sdelay $0x3  }
0x264: {  	s16 =	simm.s32 $0x19080;
	v44 =	vperm.xlane v44, v43  }
0x265: {  	[tilespmem:s16], [sflag:$0x1] =	stream.indirect_vreg.gather [hbm4b:s2+s3], $0x80, v45, vm0, $0xb8;
	[tilespmem:$0x1C080] =	vst v63  }
0x266: {  	s9 =	simm.s32 $0x19880;
	v44 =	vadd.s32 v42, v44  }
0x267: {  	[tilespmem:s9], [sflag:$0x1] =	stream.indirect_vreg.gather [hbm4b:s5+s3], $0x80, v45, vm0, $0xb8;
	[tilespmem:$0x1C080] =	vst v63  }
0x268: {  	s10 =	simm.s32 $0x1A080  }
0x269: {  	[tilespmem:s10], [sflag:$0x1] =	stream.indirect_vreg.gather [hbm4b:s6+s3], $0x80, v45, vm0, $0xb8;
	[tilespmem:$0x1C080] =	vst v63  }
0x26a: {  	s11 =	simm.s32 $0x1A880  }
0x26b: {  	[tilespmem:s11], [sflag:$0x1] =	stream.indirect_vreg.gather [hbm4b:s2+s3], $0x80, v44, vm0, $0xb8;
	[tilespmem:$0x1C080] =	vst v63  }
0x26c: {  	s12 =	simm.s32 $0x1B080  }
0x26d: {  	[tilespmem:s12], [sflag:$0x1] =	stream.indirect_vreg.gather [hbm4b:s5+s3], $0x80, v44, vm0, $0xb8;
	[tilespmem:$0x1C080] =	vst v63  }
0x26e: {  	s4 =	simm.s32 $0x1B880  }
0x26f: {  	[tilespmem:s4], [sflag:$0x1] =	stream.indirect_vreg.gather [hbm4b:s6+s3], $0x80, v44, vm0, $0xb8;
	[tilespmem:$0x1C080] =	vst v63  }
0x270: {  	_ =	swait.ge [sflag:s17], $0xC000  }
0x271: {  	[sflag:s17] =	ssyncset.done $0x0  }
0x272: {  	s16 =	rddreg [dreg:$0x9];
	[sflag:s17] =	ssyncadd.s32 $0xFFFF4000  }
0x273: {  	[hbm4b:s16+s3] =	stream.linear.scatter [tilespmem:s20], [sflag:$0x2], $0xC000, $0x38;
	[tilespmem:$0x1C080] =	vst v63  }
0x274: {  	_ =	swait.ge [sflag:s18], $0xC000  }
0x275: {  	[sflag:s18] =	ssyncset.done $0x0  }
0x276: {  	[sflag:s18] =	ssyncadd.s32 $0xFFFF4000  }
0x277: {  	v48 =	vld.idx.msk [tilespmem:v25+s19+$0x0], $0xffff;
	_ =	sdelay $0x4  }
0x278: {  	[tilespmem:$0x10000] =	vst v48  }
0x279: {  	v49 =	vld.idx.msk [tilespmem:v26+s19+$0x0], $0xffff;
	_ =	sdelay $0x4  }
0x27a: {  	[tilespmem:$0x10010] =	vst v49  }
0x27b: {  	v45 =	vld.idx.msk [tilespmem:v27+s19+$0x0], $0xffff  }
0x27c: {  	v50 =	vshrl.u32 v48, $0x3  }
0x27d: {  	v46 =	vmul.u32 $0x30, v50  }
0x27e: {  	v44 =	vand.u32 $0x7, v48  }
0x27f: {  	v44 =	vor.u32 v44, v46  }
0x280: {  	v51 =	vperm.xlane v44, v41;
	[tilespmem:$0x10020] =	vst v45  }
0x281: {  	v52 =	vld.idx.msk [tilespmem:v28+s19+$0x0], $0xffff  }
0x282: {  	v45 =	vadd.s32 v42, v51;
	_ =	sdelay $0x3  }
0x283: {  	v44 =	vperm.xlane v44, v43;
	[tilespmem:$0x10030] =	vst v52  }
0x284: {  	[tilespmem:s20], [sflag:$0x1] =	stream.indirect_vreg.gather [hbm4b:s2+s3], $0x80, v45, vm0, $0xb8;
	[tilespmem:$0x1C080] =	vst v63  }
0x285: {  	s13 =	simm.s32 $0x10880;
	v44 =	vadd.s32 v42, v44  }
0x286: {  	[tilespmem:s13], [sflag:$0x1] =	stream.indirect_vreg.gather [hbm4b:s5+s3], $0x80, v45, vm0, $0xb8;
	[tilespmem:$0x1C080] =	vst v63  }
0x287: {  	s22 =	simm.s32 $0x11080  }
0x288: {  	[tilespmem:s22], [sflag:$0x1] =	stream.indirect_vreg.gather [hbm4b:s6+s3], $0x80, v45, vm0, $0xb8;
	[tilespmem:$0x1C080] =	vst v63  }
0x289: {  	s16 =	simm.s32 $0x11880  }
0x28a: {  	[tilespmem:s16], [sflag:$0x1] =	stream.indirect_vreg.gather [hbm4b:s2+s3], $0x80, v44, vm0, $0xb8;
	[tilespmem:$0x1C080] =	vst v63  }
0x28b: {  	s22 =	simm.s32 $0x12080  }
0x28c: {  	[tilespmem:s22], [sflag:$0x1] =	stream.indirect_vreg.gather [hbm4b:s5+s3], $0x80, v44, vm0, $0xb8;
	[tilespmem:$0x1C080] =	vst v63  }
0x28d: {  	s29 =	simm.s32 $0x12880  }
0x28e: {  	[tilespmem:s29], [sflag:$0x1] =	stream.indirect_vreg.gather [hbm4b:s6+s3], $0x80, v44, vm0, $0xb8;
	[tilespmem:$0x1C080] =	vst v63  }
0x28f: {  	v44 =	vld [tilespmem:$0x10010];
	_ =	sdelay $0x4  }
0x290: {  	v53 =	vshrl.u32 v44, $0x3  }
0x291: {  	v45 =	vmul.u32 $0x30, v53  }
0x292: {  	v44 =	vand.u32 $0x7, v44  }
0x293: {  	v44 =	vor.u32 v44, v45  }
0x294: {  	v45 =	vperm.xlane v44, v41;
	_ =	sdelay $0x1  }
0x295: {  	v45 =	vadd.s32 v42, v45;
	_ =	sdelay $0x3  }
0x296: {  	s26 =	simm.s32 $0x13080;
	v44 =	vperm.xlane v44, v43  }
0x297: {  	[tilespmem:s26], [sflag:$0x1] =	stream.indirect_vreg.gather [hbm4b:s2+s3], $0x80, v45, vm0, $0xb8;
	[tilespmem:$0x1C080] =	vst v63  }
0x298: {  	s25 =	simm.s32 $0x13880;
	v44 =	vadd.s32 v42, v44  }
0x299: {  	[tilespmem:s25], [sflag:$0x1] =	stream.indirect_vreg.gather [hbm4b:s5+s3], $0x80, v45, vm0, $0xb8;
	[tilespmem:$0x1C080] =	vst v63  }
0x29a: {  	s0 =	simm.s32 $0x14080  }
0x29b: {  	[tilespmem:s0], [sflag:$0x1] =	stream.indirect_vreg.gather [hbm4b:s6+s3], $0x80, v45, vm0, $0xb8;
	[tilespmem:$0x1C080] =	vst v63  }
0x29c: {  	s14 =	simm.s32 $0x14880  }
0x29d: {  	[tilespmem:s14], [sflag:$0x1] =	stream.indirect_vreg.gather [hbm4b:s2+s3], $0x80, v44, vm0, $0xb8;
	[tilespmem:$0x1C080] =	vst v63  }
0x29e: {  	s28 =	simm.s32 $0x15080  }
0x29f: {  	[tilespmem:s28], [sflag:$0x1] =	stream.indirect_vreg.gather [hbm4b:s5+s3], $0x80, v44, vm0, $0xb8;
	[tilespmem:$0x1C080] =	vst v63  }
0x2a0: {  	s24 =	simm.s32 $0x15880  }
0x2a1: {  	[tilespmem:s24], [sflag:$0x1] =	stream.indirect_vreg.gather [hbm4b:s6+s3], $0x80, v44, vm0, $0xb8;
	[tilespmem:$0x1C080] =	vst v63  }
0x2a2: {  	v44 =	vld [tilespmem:$0x10020];
	_ =	sdelay $0x4  }
0x2a3: {  	v54 =	vshrl.u32 v44, $0x3  }
0x2a4: {  	v45 =	vmul.u32 $0x30, v54  }
0x2a5: {  	v44 =	vand.u32 $0x7, v44  }
0x2a6: {  	v44 =	vor.u32 v44, v45  }
0x2a7: {  	v45 =	vperm.xlane v44, v41;
	_ =	sdelay $0x1  }
0x2a8: {  	v45 =	vadd.s32 v42, v45;
	_ =	sdelay $0x3  }
0x2a9: {  	s21 =	simm.s32 $0x16080;
	v44 =	vperm.xlane v44, v43  }
0x2aa: {  	[tilespmem:s21], [sflag:$0x1] =	stream.indirect_vreg.gather [hbm4b:s2+s3], $0x80, v45, vm0, $0xb8;
	[tilespmem:$0x1C080] =	vst v63  }
0x2ab: {  	s30 =	simm.s32 $0x16880;
	v44 =	vadd.s32 v42, v44  }
0x2ac: {  	[tilespmem:s30], [sflag:$0x1] =	stream.indirect_vreg.gather [hbm4b:s5+s3], $0x80, v45, vm0, $0xb8;
	[tilespmem:$0x1C080] =	vst v63  }
0x2ad: {  	s7 =	simm.s32 $0x17080  }
0x2ae: {  	[tilespmem:s7], [sflag:$0x1] =	stream.indirect_vreg.gather [hbm4b:s6+s3], $0x80, v45, vm0, $0xb8;
	[tilespmem:$0x1C080] =	vst v63  }
0x2af: {  	s31 =	simm.s32 $0x17880  }
0x2b0: {  	[tilespmem:s31], [sflag:$0x1] =	stream.indirect_vreg.gather [hbm4b:s2+s3], $0x80, v44, vm0, $0xb8;
	[tilespmem:$0x1C080] =	vst v63  }
0x2b1: {  	s23 =	simm.s32 $0x18080  }
0x2b2: {  	[tilespmem:s23], [sflag:$0x1] =	stream.indirect_vreg.gather [hbm4b:s5+s3], $0x80, v44, vm0, $0xb8;
	[tilespmem:$0x1C080] =	vst v63  }
0x2b3: {  	s8 =	simm.s32 $0x18880  }
0x2b4: {  	[tilespmem:s8], [sflag:$0x1] =	stream.indirect_vreg.gather [hbm4b:s6+s3], $0x80, v44, vm0, $0xb8;
	[tilespmem:$0x1C080] =	vst v63  }
0x2b5: {  	v44 =	vld [tilespmem:$0x10030];
	_ =	sdelay $0x4  }
0x2b6: {  	v55 =	vshrl.u32 v44, $0x3  }
0x2b7: {  	v45 =	vmul.u32 $0x30, v55  }
0x2b8: {  	v44 =	vand.u32 $0x7, v44  }
0x2b9: {  	v44 =	vor.u32 v44, v45  }
0x2ba: {  	v45 =	vperm.xlane v44, v41;
	_ =	sdelay $0x1  }
0x2bb: {  	v45 =	vadd.s32 v42, v45;
	_ =	sdelay $0x3  }
0x2bc: {  	s15 =	simm.s32 $0x19080;
	v44 =	vperm.xlane v44, v43  }
0x2bd: {  	[tilespmem:s15], [sflag:$0x1] =	stream.indirect_vreg.gather [hbm4b:s2+s3], $0x80, v45, vm0, $0xb8;
	[tilespmem:$0x1C080] =	vst v63  }
0x2be: {  	s1 =	simm.s32 $0x19880;
	v44 =	vadd.s32 v42, v44  }
0x2bf: {  	[tilespmem:s1], [sflag:$0x1] =	stream.indirect_vreg.gather [hbm4b:s5+s3], $0x80, v45, vm0, $0xb8;
	[tilespmem:$0x1C080] =	vst v63  }
0x2c0: {  	s9 =	simm.s32 $0x1A080  }
0x2c1: {  	[tilespmem:s9], [sflag:$0x1] =	stream.indirect_vreg.gather [hbm4b:s6+s3], $0x80, v45, vm0, $0xb8;
	[tilespmem:$0x1C080] =	vst v63  }
0x2c2: {  	s10 =	simm.s32 $0x1A880  }
0x2c3: {  	[tilespmem:s10], [sflag:$0x1] =	stream.indirect_vreg.gather [hbm4b:s2+s3], $0x80, v44, vm0, $0xb8;
	[tilespmem:$0x1C080] =	vst v63  }
0x2c4: {  	s11 =	simm.s32 $0x1B080  }
0x2c5: {  	[tilespmem:s11], [sflag:$0x1] =	stream.indirect_vreg.gather [hbm4b:s5+s3], $0x80, v44, vm0, $0xb8;
	[tilespmem:$0x1C080] =	vst v63  }
0x2c6: {  	s4 =	simm.s32 $0x1B880  }
0x2c7: {  	[tilespmem:s4], [sflag:$0x1] =	stream.indirect_vreg.gather [hbm4b:s6+s3], $0x80, v44, vm0, $0xb8;
	[tilespmem:$0x1C080] =	vst v63  }
0x2c8: {  	_ =	swait.ge [sflag:s17], $0xC000  }
0x2c9: {  	[sflag:s17] =	ssyncset.done $0x0  }
0x2ca: {  	s11 =	rddreg [dreg:$0xa];
	[sflag:s17] =	ssyncadd.s32 $0xFFFF4000  }
0x2cb: {  	[hbm4b:s11+s3] =	stream.linear.scatter [tilespmem:s20], [sflag:$0x2], $0xC000, $0x38;
	[tilespmem:$0x1C080] =	vst v63  }
0x2cc: {  	_ =	swait.ge [sflag:s18], $0xC000  }
0x2cd: {  	[sflag:s18] =	ssyncset.done $0x0  }
0x2ce: {  	[sflag:s18] =	ssyncadd.s32 $0xFFFF4000  }
0x2cf: {  	v56 =	vld.idx.msk [tilespmem:v29+s19+$0x0], $0xffff;
	_ =	sdelay $0x4  }
0x2d0: {  	[tilespmem:$0x10000] =	vst v56  }
0x2d1: {  	v57 =	vld.idx.msk [tilespmem:v30+s19+$0x0], $0xffff;
	_ =	sdelay $0x4  }
0x2d2: {  	[tilespmem:$0x10010] =	vst v57  }
0x2d3: {  	v45 =	vld.idx.msk [tilespmem:v31+s19+$0x0], $0xffff  }
0x2d4: {  	v58 =	vshrl.u32 v56, $0x3  }
0x2d5: {  	v46 =	vmul.u32 $0x30, v58  }
0x2d6: {  	v44 =	vand.u32 $0x7, v56  }
0x2d7: {  	v44 =	vor.u32 v44, v46  }
0x2d8: {  	v59 =	vperm.xlane v44, v41;
	[tilespmem:$0x10020] =	vst v45  }
0x2d9: {  	v60 =	vld.idx.msk [tilespmem:v32+s19+$0x0], $0xffff  }
0x2da: {  	v45 =	vadd.s32 v42, v59;
	_ =	sdelay $0x3  }
0x2db: {  	v44 =	vperm.xlane v44, v43;
	[tilespmem:$0x10030] =	vst v60  }
0x2dc: {  	[tilespmem:s20], [sflag:$0x1] =	stream.indirect_vreg.gather [hbm4b:s2+s3], $0x80, v45, vm0, $0xb8;
	[tilespmem:$0x1C080] =	vst v63  }
0x2dd: {  	s12 =	simm.s32 $0x10880;
	v44 =	vadd.s32 v42, v44  }
0x2de: {  	[tilespmem:s12], [sflag:$0x1] =	stream.indirect_vreg.gather [hbm4b:s5+s3], $0x80, v45, vm0, $0xb8;
	[tilespmem:$0x1C080] =	vst v63  }
0x2df: {  	s31 =	simm.s32 $0x11080  }
0x2e0: {  	[tilespmem:s31], [sflag:$0x1] =	stream.indirect_vreg.gather [hbm4b:s6+s3], $0x80, v45, vm0, $0xb8;
	[tilespmem:$0x1C080] =	vst v63  }
0x2e1: {  	s22 =	simm.s32 $0x11880  }
0x2e2: {  	[tilespmem:s22], [sflag:$0x1] =	stream.indirect_vreg.gather [hbm4b:s2+s3], $0x80, v44, vm0, $0xb8;
	[tilespmem:$0x1C080] =	vst v63  }
0x2e3: {  	s31 =	simm.s32 $0x12080  }
0x2e4: {  	[tilespmem:s31], [sflag:$0x1] =	stream.indirect_vreg.gather [hbm4b:s5+s3], $0x80, v44, vm0, $0xb8;
	[tilespmem:$0x1C080] =	vst v63  }
0x2e5: {  	s29 =	simm.s32 $0x12880  }
0x2e6: {  	[tilespmem:s29], [sflag:$0x1] =	stream.indirect_vreg.gather [hbm4b:s6+s3], $0x80, v44, vm0, $0xb8;
	[tilespmem:$0x1C080] =	vst v63  }
0x2e7: {  	v44 =	vld [tilespmem:$0x10010];
	_ =	sdelay $0x4  }
0x2e8: {  	v61 =	vshrl.u32 v44, $0x3  }
0x2e9: {  	v45 =	vmul.u32 $0x30, v61  }
0x2ea: {  	v44 =	vand.u32 $0x7, v44  }
0x2eb: {  	v44 =	vor.u32 v44, v45  }
0x2ec: {  	v45 =	vperm.xlane v44, v41;
	_ =	sdelay $0x1  }
0x2ed: {  	v45 =	vadd.s32 v42, v45;
	_ =	sdelay $0x3  }
0x2ee: {  	s16 =	simm.s32 $0x13080;
	v44 =	vperm.xlane v44, v43  }
0x2ef: {  	[tilespmem:s16], [sflag:$0x1] =	stream.indirect_vreg.gather [hbm4b:s2+s3], $0x80, v45, vm0, $0xb8;
	[tilespmem:$0x1C080] =	vst v63  }
0x2f0: {  	s26 =	simm.s32 $0x13880;
	v44 =	vadd.s32 v42, v44  }
0x2f1: {  	[tilespmem:s26], [sflag:$0x1] =	stream.indirect_vreg.gather [hbm4b:s5+s3], $0x80, v45, vm0, $0xb8;
	[tilespmem:$0x1C080] =	vst v63  }
0x2f2: {  	s25 =	simm.s32 $0x14080  }
0x2f3: {  	[tilespmem:s25], [sflag:$0x1] =	stream.indirect_vreg.gather [hbm4b:s6+s3], $0x80, v45, vm0, $0xb8;
	[tilespmem:$0x1C080] =	vst v63  }
0x2f4: {  	s13 =	simm.s32 $0x14880  }
0x2f5: {  	[tilespmem:s13], [sflag:$0x1] =	stream.indirect_vreg.gather [hbm4b:s2+s3], $0x80, v44, vm0, $0xb8;
	[tilespmem:$0x1C080] =	vst v63  }
0x2f6: {  	s14 =	simm.s32 $0x15080  }
0x2f7: {  	[tilespmem:s14], [sflag:$0x1] =	stream.indirect_vreg.gather [hbm4b:s5+s3], $0x80, v44, vm0, $0xb8;
	[tilespmem:$0x1C080] =	vst v63  }
0x2f8: {  	s0 =	simm.s32 $0x15880  }
0x2f9: {  	[tilespmem:s0], [sflag:$0x1] =	stream.indirect_vreg.gather [hbm4b:s6+s3], $0x80, v44, vm0, $0xb8;
	[tilespmem:$0x1C080] =	vst v63  }
0x2fa: {  	v44 =	vld [tilespmem:$0x10020];
	_ =	sdelay $0x4  }
0x2fb: {  	v62 =	vshrl.u32 v44, $0x3  }
0x2fc: {  	v45 =	vmul.u32 $0x30, v62  }
0x2fd: {  	v44 =	vand.u32 $0x7, v44  }
0x2fe: {  	v44 =	vor.u32 v44, v45  }
0x2ff: {  	v45 =	vperm.xlane v44, v41;
	_ =	sdelay $0x1  }
0x300: {  	v45 =	vadd.s32 v42, v45;
	_ =	sdelay $0x3  }
0x301: {  	s21 =	simm.s32 $0x16080;
	v44 =	vperm.xlane v44, v43  }
0x302: {  	[tilespmem:s21], [sflag:$0x1] =	stream.indirect_vreg.gather [hbm4b:s2+s3], $0x80, v45, vm0, $0xb8;
	[tilespmem:$0x1C080] =	vst v63  }
0x303: {  	s24 =	simm.s32 $0x16880;
	v44 =	vadd.s32 v42, v44  }
0x304: {  	[tilespmem:s24], [sflag:$0x1] =	stream.indirect_vreg.gather [hbm4b:s5+s3], $0x80, v45, vm0, $0xb8;
	[tilespmem:$0x1C080] =	vst v63  }
0x305: {  	s7 =	simm.s32 $0x17080  }
0x306: {  	[tilespmem:s7], [sflag:$0x1] =	stream.indirect_vreg.gather [hbm4b:s6+s3], $0x80, v45, vm0, $0xb8;
	[tilespmem:$0x1C080] =	vst v63  }
0x307: {  	s30 =	simm.s32 $0x17880  }
0x308: {  	[tilespmem:s30], [sflag:$0x1] =	stream.indirect_vreg.gather [hbm4b:s2+s3], $0x80, v44, vm0, $0xb8;
	[tilespmem:$0x1C080] =	vst v63  }
0x309: {  	s23 =	simm.s32 $0x18080  }
0x30a: {  	[tilespmem:s23], [sflag:$0x1] =	stream.indirect_vreg.gather [hbm4b:s5+s3], $0x80, v44, vm0, $0xb8;
	[tilespmem:$0x1C080] =	vst v63  }
0x30b: {  	s28 =	simm.s32 $0x18880  }
0x30c: {  	[tilespmem:s28], [sflag:$0x1] =	stream.indirect_vreg.gather [hbm4b:s6+s3], $0x80, v44, vm0, $0xb8;
	[tilespmem:$0x1C080] =	vst v63  }
0x30d: {  	v44 =	vld [tilespmem:$0x10030];
	_ =	sdelay $0x4  }
0x30e: {  	v63 =	vshrl.u32 v44, $0x3  }
0x30f: {  	v45 =	vmul.u32 $0x30, v63  }
0x310: {  	v44 =	vand.u32 $0x7, v44  }
0x311: {  	v44 =	vor.u32 v44, v45  }
0x312: {  	v45 =	vperm.xlane v44, v41;
	_ =	sdelay $0x1  }
0x313: {  	v45 =	vadd.s32 v42, v45;
	_ =	sdelay $0x3  }
0x314: {  	s8 =	simm.s32 $0x19080;
	v44 =	vperm.xlane v44, v43  }
0x315: {  	[tilespmem:s8], [sflag:$0x1] =	stream.indirect_vreg.gather [hbm4b:s2+s3], $0x80, v45, vm0, $0xb8;
	[tilespmem:$0x1C080] =	vst v63  }
0x316: {  	s15 =	simm.s32 $0x19880;
	v44 =	vadd.s32 v42, v44  }
0x317: {  	[tilespmem:s15], [sflag:$0x1] =	stream.indirect_vreg.gather [hbm4b:s5+s3], $0x80, v45, vm0, $0xb8;
	[tilespmem:$0x1C080] =	vst v63  }
0x318: {  	s1 =	simm.s32 $0x1A080  }
0x319: {  	[tilespmem:s1], [sflag:$0x1] =	stream.indirect_vreg.gather [hbm4b:s6+s3], $0x80, v45, vm0, $0xb8;
	[tilespmem:$0x1C080] =	vst v63  }
0x31a: {  	s9 =	simm.s32 $0x1A880  }
0x31b: {  	[tilespmem:s9], [sflag:$0x1] =	stream.indirect_vreg.gather [hbm4b:s2+s3], $0x80, v44, vm0, $0xb8;
	[tilespmem:$0x1C080] =	vst v63  }
0x31c: {  	s10 =	simm.s32 $0x1B080  }
0x31d: {  	[tilespmem:s10], [sflag:$0x1] =	stream.indirect_vreg.gather [hbm4b:s5+s3], $0x80, v44, vm0, $0xb8;
	[tilespmem:$0x1C080] =	vst v63  }
0x31e: {  	s4 =	simm.s32 $0x1B880  }
0x31f: {  	[tilespmem:s4], [sflag:$0x1] =	stream.indirect_vreg.gather [hbm4b:s6+s3], $0x80, v44, vm0, $0xb8;
	[tilespmem:$0x1C080] =	vst v63  }
0x320: {  	_ =	swait.ge [sflag:s17], $0xC000  }
0x321: {  	[sflag:s17] =	ssyncset.done $0x0  }
0x322: {  	s10 =	rddreg [dreg:$0xb];
	[sflag:s17] =	ssyncadd.s32 $0xFFFF4000  }
0x323: {  	[hbm4b:s10+s3] =	stream.linear.scatter [tilespmem:s20], [sflag:$0x2], $0xC000, $0x38;
	[tilespmem:$0x1C080] =	vst v63  }
0x324: {  	_ =	swait.ge [sflag:s18], $0xC000  }
0x325: {  	[sflag:s18] =	ssyncset.done $0x0  }
0x326: {  	[sflag:s18] =	ssyncadd.s32 $0xFFFF4000  }
0x327: {  	v48 =	vld.idx.msk [tilespmem:v33+s19+$0x0], $0xffff;
	_ =	sdelay $0x4  }
0x328: {  	[tilespmem:$0x10000] =	vst v48  }
0x329: {  	v49 =	vld.idx.msk [tilespmem:v34+s19+$0x0], $0xffff;
	_ =	sdelay $0x4  }
0x32a: {  	[tilespmem:$0x10010] =	vst v49  }
0x32b: {  	v45 =	vld.idx.msk [tilespmem:v35+s19+$0x0], $0xffff  }
0x32c: {  	v50 =	vshrl.u32 v48, $0x3  }
0x32d: {  	v46 =	vmul.u32 $0x30, v50  }
0x32e: {  	v44 =	vand.u32 $0x7, v48  }
0x32f: {  	v44 =	vor.u32 v44, v46  }
0x330: {  	v51 =	vperm.xlane v44, v41;
	[tilespmem:$0x10020] =	vst v45  }
0x331: {  	v52 =	vld.idx.msk [tilespmem:v36+s19+$0x0], $0xffff  }
0x332: {  	v45 =	vadd.s32 v42, v51;
	_ =	sdelay $0x3  }
0x333: {  	v44 =	vperm.xlane v44, v43;
	[tilespmem:$0x10030] =	vst v52  }
0x334: {  	[tilespmem:s20], [sflag:$0x1] =	stream.indirect_vreg.gather [hbm4b:s2+s3], $0x80, v45, vm0, $0xb8;
	[tilespmem:$0x1C080] =	vst v63  }
0x335: {  	s11 =	simm.s32 $0x10880;
	v44 =	vadd.s32 v42, v44  }
0x336: {  	[tilespmem:s11], [sflag:$0x1] =	stream.indirect_vreg.gather [hbm4b:s5+s3], $0x80, v45, vm0, $0xb8;
	[tilespmem:$0x1C080] =	vst v63  }
0x337: {  	s15 =	simm.s32 $0x11080  }
0x338: {  	[tilespmem:s15], [sflag:$0x1] =	stream.indirect_vreg.gather [hbm4b:s6+s3], $0x80, v45, vm0, $0xb8;
	[tilespmem:$0x1C080] =	vst v63  }
0x339: {  	s22 =	simm.s32 $0x11880  }
0x33a: {  	[tilespmem:s22], [sflag:$0x1] =	stream.indirect_vreg.gather [hbm4b:s2+s3], $0x80, v44, vm0, $0xb8;
	[tilespmem:$0x1C080] =	vst v63  }
0x33b: {  	s31 =	simm.s32 $0x12080  }
0x33c: {  	[tilespmem:s31], [sflag:$0x1] =	stream.indirect_vreg.gather [hbm4b:s5+s3], $0x80, v44, vm0, $0xb8;
	[tilespmem:$0x1C080] =	vst v63  }
0x33d: {  	s29 =	simm.s32 $0x12880  }
0x33e: {  	[tilespmem:s29], [sflag:$0x1] =	stream.indirect_vreg.gather [hbm4b:s6+s3], $0x80, v44, vm0, $0xb8;
	[tilespmem:$0x1C080] =	vst v63  }
0x33f: {  	v44 =	vld [tilespmem:$0x10010];
	_ =	sdelay $0x4  }
0x340: {  	v53 =	vshrl.u32 v44, $0x3  }
0x341: {  	v45 =	vmul.u32 $0x30, v53  }
0x342: {  	v44 =	vand.u32 $0x7, v44  }
0x343: {  	v44 =	vor.u32 v44, v45  }
0x344: {  	v45 =	vperm.xlane v44, v41;
	_ =	sdelay $0x1  }
0x345: {  	v45 =	vadd.s32 v42, v45;
	_ =	sdelay $0x3  }
0x346: {  	s16 =	simm.s32 $0x13080;
	v44 =	vperm.xlane v44, v43  }
0x347: {  	[tilespmem:s16], [sflag:$0x1] =	stream.indirect_vreg.gather [hbm4b:s2+s3], $0x80, v45, vm0, $0xb8;
	[tilespmem:$0x1C080] =	vst v63  }
0x348: {  	s9 =	simm.s32 $0x13880;
	v44 =	vadd.s32 v42, v44  }
0x349: {  	[tilespmem:s9], [sflag:$0x1] =	stream.indirect_vreg.gather [hbm4b:s5+s3], $0x80, v45, vm0, $0xb8;
	[tilespmem:$0x1C080] =	vst v63  }
0x34a: {  	s25 =	simm.s32 $0x14080  }
0x34b: {  	[tilespmem:s25], [sflag:$0x1] =	stream.indirect_vreg.gather [hbm4b:s6+s3], $0x80, v45, vm0, $0xb8;
	[tilespmem:$0x1C080] =	vst v63  }
0x34c: {  	s12 =	simm.s32 $0x14880  }
0x34d: {  	[tilespmem:s12], [sflag:$0x1] =	stream.indirect_vreg.gather [hbm4b:s2+s3], $0x80, v44, vm0, $0xb8;
	[tilespmem:$0x1C080] =	vst v63  }
0x34e: {  	s14 =	simm.s32 $0x15080  }
0x34f: {  	[tilespmem:s14], [sflag:$0x1] =	stream.indirect_vreg.gather [hbm4b:s5+s3], $0x80, v44, vm0, $0xb8;
	[tilespmem:$0x1C080] =	vst v63  }
0x350: {  	s0 =	simm.s32 $0x15880  }
0x351: {  	[tilespmem:s0], [sflag:$0x1] =	stream.indirect_vreg.gather [hbm4b:s6+s3], $0x80, v44, vm0, $0xb8;
	[tilespmem:$0x1C080] =	vst v63  }
0x352: {  	v44 =	vld [tilespmem:$0x10020];
	_ =	sdelay $0x4  }
0x353: {  	v54 =	vshrl.u32 v44, $0x3  }
0x354: {  	v45 =	vmul.u32 $0x30, v54  }
0x355: {  	v44 =	vand.u32 $0x7, v44  }
0x356: {  	v44 =	vor.u32 v44, v45  }
0x357: {  	v45 =	vperm.xlane v44, v41;
	_ =	sdelay $0x1  }
0x358: {  	v45 =	vadd.s32 v42, v45;
	_ =	sdelay $0x3  }
0x359: {  	s21 =	simm.s32 $0x16080;
	v44 =	vperm.xlane v44, v43  }
0x35a: {  	[tilespmem:s21], [sflag:$0x1] =	stream.indirect_vreg.gather [hbm4b:s2+s3], $0x80, v45, vm0, $0xb8;
	[tilespmem:$0x1C080] =	vst v63  }
0x35b: {  	s24 =	simm.s32 $0x16880;
	v44 =	vadd.s32 v42, v44  }
0x35c: {  	[tilespmem:s24], [sflag:$0x1] =	stream.indirect_vreg.gather [hbm4b:s5+s3], $0x80, v45, vm0, $0xb8;
	[tilespmem:$0x1C080] =	vst v63  }
0x35d: {  	s7 =	simm.s32 $0x17080  }
0x35e: {  	[tilespmem:s7], [sflag:$0x1] =	stream.indirect_vreg.gather [hbm4b:s6+s3], $0x80, v45, vm0, $0xb8;
	[tilespmem:$0x1C080] =	vst v63  }
0x35f: {  	s13 =	simm.s32 $0x17880  }
0x360: {  	[tilespmem:s13], [sflag:$0x1] =	stream.indirect_vreg.gather [hbm4b:s2+s3], $0x80, v44, vm0, $0xb8;
	[tilespmem:$0x1C080] =	vst v63  }
0x361: {  	s23 =	simm.s32 $0x18080  }
0x362: {  	[tilespmem:s23], [sflag:$0x1] =	stream.indirect_vreg.gather [hbm4b:s5+s3], $0x80, v44, vm0, $0xb8;
	[tilespmem:$0x1C080] =	vst v63  }
0x363: {  	s26 =	simm.s32 $0x18880  }
0x364: {  	[tilespmem:s26], [sflag:$0x1] =	stream.indirect_vreg.gather [hbm4b:s6+s3], $0x80, v44, vm0, $0xb8;
	[tilespmem:$0x1C080] =	vst v63  }
0x365: {  	v44 =	vld [tilespmem:$0x10030];
	_ =	sdelay $0x4  }
0x366: {  	v55 =	vshrl.u32 v44, $0x3  }
0x367: {  	v45 =	vmul.u32 $0x30, v55  }
0x368: {  	v44 =	vand.u32 $0x7, v44  }
0x369: {  	v44 =	vor.u32 v44, v45  }
0x36a: {  	v45 =	vperm.xlane v44, v41;
	_ =	sdelay $0x1  }
0x36b: {  	v45 =	vadd.s32 v42, v45;
	_ =	sdelay $0x3  }
0x36c: {  	s10 =	simm.s32 $0x19080;
	v44 =	vperm.xlane v44, v43  }
0x36d: {  	[tilespmem:s10], [sflag:$0x1] =	stream.indirect_vreg.gather [hbm4b:s2+s3], $0x80, v45, vm0, $0xb8;
	[tilespmem:$0x1C080] =	vst v63  }
0x36e: {  	s30 =	simm.s32 $0x19880;
	v44 =	vadd.s32 v42, v44  }
0x36f: {  	[tilespmem:s30], [sflag:$0x1] =	stream.indirect_vreg.gather [hbm4b:s5+s3], $0x80, v45, vm0, $0xb8;
	[tilespmem:$0x1C080] =	vst v63  }
0x370: {  	s28 =	simm.s32 $0x1A080  }
0x371: {  	[tilespmem:s28], [sflag:$0x1] =	stream.indirect_vreg.gather [hbm4b:s6+s3], $0x80, v45, vm0, $0xb8;
	[tilespmem:$0x1C080] =	vst v63  }
0x372: {  	s8 =	simm.s32 $0x1A880  }
0x373: {  	[tilespmem:s8], [sflag:$0x1] =	stream.indirect_vreg.gather [hbm4b:s2+s3], $0x80, v44, vm0, $0xb8;
	[tilespmem:$0x1C080] =	vst v63  }
0x374: {  	s22 =	simm.s32 $0x1B080  }
0x375: {  	[tilespmem:s22], [sflag:$0x1] =	stream.indirect_vreg.gather [hbm4b:s5+s3], $0x80, v44, vm0, $0xb8;
	[tilespmem:$0x1C080] =	vst v63  }
0x376: {  	s28 =	simm.s32 $0x1B880  }
0x377: {  	[tilespmem:s28], [sflag:$0x1] =	stream.indirect_vreg.gather [hbm4b:s6+s3], $0x80, v44, vm0, $0xb8;
	[tilespmem:$0x1C080] =	vst v63  }
0x378: {  	_ =	swait.ge [sflag:s17], $0xC000  }
0x379: {  	[sflag:s17] =	ssyncset.done $0x0  }
0x37a: {  	s30 =	rddreg [dreg:$0xc];
	[sflag:s17] =	ssyncadd.s32 $0xFFFF4000  }
0x37b: {  	[hbm4b:s30+s3] =	stream.linear.scatter [tilespmem:s20], [sflag:$0x2], $0xC000, $0x38;
	[tilespmem:$0x1C080] =	vst v63  }
0x37c: {  	_ =	swait.ge [sflag:s18], $0xC000  }
0x37d: {  	[sflag:s18] =	ssyncset.done $0x0  }
0x37e: {  	[sflag:s18] =	ssyncadd.s32 $0xFFFF4000  }
0x37f: {  	v56 =	vld.idx.msk [tilespmem:v37+s19+$0x0], $0xffff;
	_ =	sdelay $0x4  }
0x380: {  	[tilespmem:$0x10000] =	vst v56  }
0x381: {  	v57 =	vld.idx.msk [tilespmem:v38+s19+$0x0], $0xffff;
	_ =	sdelay $0x4  }
0x382: {  	[tilespmem:$0x10010] =	vst v57  }
0x383: {  	v45 =	vld.idx.msk [tilespmem:v39+s19+$0x0], $0xffff  }
0x384: {  	v58 =	vshrl.u32 v56, $0x3  }
0x385: {  	v46 =	vmul.u32 $0x30, v58  }
0x386: {  	v44 =	vand.u32 $0x7, v56  }
0x387: {  	v44 =	vor.u32 v44, v46  }
0x388: {  	v59 =	vperm.xlane v44, v41;
	[tilespmem:$0x10020] =	vst v45  }
0x389: {  	v60 =	vld.idx.msk [tilespmem:v40+s19+$0x0], $0xffff  }
0x38a: {  	v45 =	vadd.s32 v42, v59;
	_ =	sdelay $0x3  }
0x38b: {  	v44 =	vperm.xlane v44, v43;
	[tilespmem:$0x10030] =	vst v60  }
0x38c: {  	[tilespmem:s20], [sflag:$0x1] =	stream.indirect_vreg.gather [hbm4b:s2+s3], $0x80, v45, vm0, $0xb8;
	[tilespmem:$0x1C080] =	vst v63  }
0x38d: {  	s4 =	simm.s32 $0x10880;
	v44 =	vadd.s32 v42, v44  }
0x38e: {  	[tilespmem:s4], [sflag:$0x1] =	stream.indirect_vreg.gather [hbm4b:s5+s3], $0x80, v45, vm0, $0xb8;
	[tilespmem:$0x1C080] =	vst v63  }
0x38f: {  	s30 =	simm.s32 $0x11080  }
0x390: {  	[tilespmem:s30], [sflag:$0x1] =	stream.indirect_vreg.gather [hbm4b:s6+s3], $0x80, v45, vm0, $0xb8;
	[tilespmem:$0x1C080] =	vst v63  }
0x391: {  	s22 =	simm.s32 $0x11880  }
0x392: {  	[tilespmem:s22], [sflag:$0x1] =	stream.indirect_vreg.gather [hbm4b:s2+s3], $0x80, v44, vm0, $0xb8;
	[tilespmem:$0x1C080] =	vst v63  }
0x393: {  	s15 =	simm.s32 $0x12080  }
0x394: {  	[tilespmem:s15], [sflag:$0x1] =	stream.indirect_vreg.gather [hbm4b:s5+s3], $0x80, v44, vm0, $0xb8;
	[tilespmem:$0x1C080] =	vst v63  }
0x395: {  	s31 =	simm.s32 $0x12880  }
0x396: {  	[tilespmem:s31], [sflag:$0x1] =	stream.indirect_vreg.gather [hbm4b:s6+s3], $0x80, v44, vm0, $0xb8;
	[tilespmem:$0x1C080] =	vst v63  }
0x397: {  	v44 =	vld [tilespmem:$0x10010];
	_ =	sdelay $0x4  }
0x398: {  	v61 =	vshrl.u32 v44, $0x3  }
0x399: {  	v45 =	vmul.u32 $0x30, v61  }
0x39a: {  	v44 =	vand.u32 $0x7, v44  }
0x39b: {  	v44 =	vor.u32 v44, v45  }
0x39c: {  	v45 =	vperm.xlane v44, v41;
	_ =	sdelay $0x1  }
0x39d: {  	v45 =	vadd.s32 v42, v45;
	_ =	sdelay $0x3  }
0x39e: {  	s29 =	simm.s32 $0x13080;
	v44 =	vperm.xlane v44, v43  }
0x39f: {  	[tilespmem:s29], [sflag:$0x1] =	stream.indirect_vreg.gather [hbm4b:s2+s3], $0x80, v45, vm0, $0xb8;
	[tilespmem:$0x1C080] =	vst v63  }
0x3a0: {  	s1 =	simm.s32 $0x13880;
	v44 =	vadd.s32 v42, v44  }
0x3a1: {  	[tilespmem:s1], [sflag:$0x1] =	stream.indirect_vreg.gather [hbm4b:s5+s3], $0x80, v45, vm0, $0xb8;
	[tilespmem:$0x1C080] =	vst v63  }
0x3a2: {  	s16 =	simm.s32 $0x14080  }
0x3a3: {  	[tilespmem:s16], [sflag:$0x1] =	stream.indirect_vreg.gather [hbm4b:s6+s3], $0x80, v45, vm0, $0xb8;
	[tilespmem:$0x1C080] =	vst v63  }
0x3a4: {  	s11 =	simm.s32 $0x14880  }
0x3a5: {  	[tilespmem:s11], [sflag:$0x1] =	stream.indirect_vreg.gather [hbm4b:s2+s3], $0x80, v44, vm0, $0xb8;
	[tilespmem:$0x1C080] =	vst v63  }
0x3a6: {  	s25 =	simm.s32 $0x15080  }
0x3a7: {  	[tilespmem:s25], [sflag:$0x1] =	stream.indirect_vreg.gather [hbm4b:s5+s3], $0x80, v44, vm0, $0xb8;
	[tilespmem:$0x1C080] =	vst v63  }
0x3a8: {  	s12 =	simm.s32 $0x15880  }
0x3a9: {  	[tilespmem:s12], [sflag:$0x1] =	stream.indirect_vreg.gather [hbm4b:s6+s3], $0x80, v44, vm0, $0xb8;
	[tilespmem:$0x1C080] =	vst v63  }
0x3aa: {  	v44 =	vld [tilespmem:$0x10020];
	_ =	sdelay $0x4  }
0x3ab: {  	v62 =	vshrl.u32 v44, $0x3  }
0x3ac: {  	v45 =	vmul.u32 $0x30, v62  }
0x3ad: {  	v44 =	vand.u32 $0x7, v44  }
0x3ae: {  	v44 =	vor.u32 v44, v45  }
0x3af: {  	v45 =	vperm.xlane v44, v41;
	_ =	sdelay $0x1  }
0x3b0: {  	v45 =	vadd.s32 v42, v45;
	_ =	sdelay $0x3  }
0x3b1: {  	s14 =	simm.s32 $0x16080;
	v44 =	vperm.xlane v44, v43  }
0x3b2: {  	[tilespmem:s14], [sflag:$0x1] =	stream.indirect_vreg.gather [hbm4b:s2+s3], $0x80, v45, vm0, $0xb8;
	[tilespmem:$0x1C080] =	vst v63  }
0x3b3: {  	s21 =	simm.s32 $0x16880;
	v44 =	vadd.s32 v42, v44  }
0x3b4: {  	[tilespmem:s21], [sflag:$0x1] =	stream.indirect_vreg.gather [hbm4b:s5+s3], $0x80, v45, vm0, $0xb8;
	[tilespmem:$0x1C080] =	vst v63  }
0x3b5: {  	s0 =	simm.s32 $0x17080  }
0x3b6: {  	[tilespmem:s0], [sflag:$0x1] =	stream.indirect_vreg.gather [hbm4b:s6+s3], $0x80, v45, vm0, $0xb8;
	[tilespmem:$0x1C080] =	vst v63  }
0x3b7: {  	s7 =	simm.s32 $0x17880  }
0x3b8: {  	[tilespmem:s7], [sflag:$0x1] =	stream.indirect_vreg.gather [hbm4b:s2+s3], $0x80, v44, vm0, $0xb8;
	[tilespmem:$0x1C080] =	vst v63  }
0x3b9: {  	s13 =	simm.s32 $0x18080  }
0x3ba: {  	[tilespmem:s13], [sflag:$0x1] =	stream.indirect_vreg.gather [hbm4b:s5+s3], $0x80, v44, vm0, $0xb8;
	[tilespmem:$0x1C080] =	vst v63  }
0x3bb: {  	s23 =	simm.s32 $0x18880  }
0x3bc: {  	[tilespmem:s23], [sflag:$0x1] =	stream.indirect_vreg.gather [hbm4b:s6+s3], $0x80, v44, vm0, $0xb8;
	[tilespmem:$0x1C080] =	vst v63  }
0x3bd: {  	v44 =	vld [tilespmem:$0x10030];
	_ =	sdelay $0x4  }
0x3be: {  	v63 =	vshrl.u32 v44, $0x3  }
0x3bf: {  	v45 =	vmul.u32 $0x30, v63  }
0x3c0: {  	v44 =	vand.u32 $0x7, v44  }
0x3c1: {  	v44 =	vor.u32 v44, v45  }
0x3c2: {  	v41 =	vperm.xlane v44, v41;
	_ =	sdelay $0x1  }
0x3c3: {  	v41 =	vadd.s32 v42, v41;
	_ =	sdelay $0x3  }
0x3c4: {  	s10 =	simm.s32 $0x19080;
	v43 =	vperm.xlane v44, v43  }
0x3c5: {  	[tilespmem:s10], [sflag:$0x1] =	stream.indirect_vreg.gather [hbm4b:s2+s3], $0x80, v41, vm0, $0xb8;
	[tilespmem:$0x1C080] =	vst v63  }
0x3c6: {  	s9 =	simm.s32 $0x19880;
	v42 =	vadd.s32 v42, v43  }
0x3c7: {  	[tilespmem:s9], [sflag:$0x1] =	stream.indirect_vreg.gather [hbm4b:s5+s3], $0x80, v41, vm0, $0xb8;
	[tilespmem:$0x1C080] =	vst v63  }
0x3c8: {  	s26 =	simm.s32 $0x1A080  }
0x3c9: {  	[tilespmem:s26], [sflag:$0x1] =	stream.indirect_vreg.gather [hbm4b:s6+s3], $0x80, v41, vm0, $0xb8;
	[tilespmem:$0x1C080] =	vst v63  }
0x3ca: {  	s24 =	simm.s32 $0x1A880  }
0x3cb: {  	[tilespmem:s24], [sflag:$0x1] =	stream.indirect_vreg.gather [hbm4b:s2+s3], $0x80, v42, vm0, $0xb8;
	[tilespmem:$0x1C080] =	vst v63  }
0x3cc: {  	s8 =	simm.s32 $0x1B080  }
0x3cd: {  	[tilespmem:s8], [sflag:$0x1] =	stream.indirect_vreg.gather [hbm4b:s5+s3], $0x80, v42, vm0, $0xb8;
	[tilespmem:$0x1C080] =	vst v63  }
0x3ce: {  	s28 =	simm.s32 $0x1B880  }
0x3cf: {  	[tilespmem:s28], [sflag:$0x1] =	stream.indirect_vreg.gather [hbm4b:s6+s3], $0x80, v42, vm0, $0xb8;
	[tilespmem:$0x1C080] =	vst v63  }
0x3d0: {  	_ =	swait.ge [sflag:s17], $0xC000  }
0x3d1: {  	[sflag:s17] =	ssyncset.done $0x0  }
0x3d2: {  	s29 =	rddreg [dreg:$0xd];
	[sflag:s17] =	ssyncadd.s32 $0xFFFF4000  }
0x3d3: {  	[hbm4b:s29+s3] =	stream.linear.scatter [tilespmem:s20], [sflag:$0x2], $0xC000, $0x38;
	[tilespmem:$0x1C080] =	vst v63  }
0x3d4: {  	_ =	swait.ge [sflag:s18], $0xC000  }
0x3d5: {  	s30 =	rddreg [dreg:$0xf]  }
0x3d6: {  	s31 =	rddreg [dreg:$0xe];
	s0 =	sadd.s32 $0x1, s30  }
0x3d7: {  	p0 =	sne.s32 s0, s31  }
.Ltmp1:
0x3d8: {  	_ = 	snop;
	(pc) =	sbr.rel @p0 .LBB2_1-.Ltmp1, $3  }
0x3d9: {  	_ =	sdelay $0x1  }
0x3da: {  	[sflag:s18] =	ssyncset.done $0x0  }
0x3db: {  	[sflag:s18] =	ssyncadd.s32 $0xFFFF4000  }
0x3dc: {  	_ =	sfence.sel $0x180000  }
0x3dd: {  	[bflag:$0x0] =	sbarrier.arrive $0xFFFF  }
0x3de: {  	_ =	strace $0x90000047  }
0x3df: {  	s0 =	stileid.u32;
	[bflag:$0x2] =	sbarrier.arrive $0xFFFF  }
0x3e0: {  	p0 =	sne.s32 s0, $0x0;
	s0 =	rddreg [dreg:$0x2]  }
0x3e1: {  	s0 =	sadd.s32 @!p0 $0x100000, s0  }
0x3e2: {  	[sflag:s0] =	ssyncadd.tile.s32 @!p0 $0x1;
	_ =	shalt  }
.Lfunc_end2:
_tile_overlayer_lowered:
.L_overlay_start_2:
0x3e3: {  	(tag) =	ssettag $0x2  }
0x3e4: {  	s0 =	rddreg [dreg:$0x0];
	s2 =	stileid.u32  }
0x3e5: {  	s1 =	rddreg [dreg:$0x1];
	p0 =	sne.s32 s2, $0x0  }
0x3e6: {  	s3 =	rddreg [dreg:$0x2];
	[bflag:$0x3] =	sbarrier.arrive $0xFFFF;
	s2 =	simm.s32 @!p0 $0x1C02  }
0x3e7: {  	[timem:s3], [sflag:s2] =	dma.local @!p0 [hbm:s0], s1  }
0x3e8: {  	s0 =	simm.s32 @!p0 $0x2  }
0x3e9: {  	_ =	swait.ge @!p0 [sflag:s0], s1  }
0x3ea: {  	s1 =	ssub.s32 @!p0 $0x0, s1;
	[sflag:s0] =	ssyncset.done @!p0 $0x0  }
0x3eb: {  	[sflag:s0] =	ssyncadd.s32 @!p0 s1  }
0x3ec: {  	[bflag:$0x3] =	sbarrier.arrive $0xFFFF  }
0x3ed: {  	_ =	shalt  }

</sc_bundles>
